<compile_context>
chip_gen: v7x
topology: tpu7x:2x2x1
jax: 0.10.2.dev20260603
libtpu: 0.0.44.dev20260713+nightly
codegen_flags: <defaults>
</compile_context>

<pallas_src>
import functools

import jax
import jax.numpy as jnp
from jax import lax
from jax.experimental import pallas as pl
from jax.experimental.pallas import tpu as pltpu
from jax.experimental.pallas import tpu_sc as plsc

B, T, H, D = 1024, 20, 26, 32
BTH = B * T * H
NC, NS = 2, 16
NW = NC * NS
PER_W = BTH // NW
CH = 128
NCH = PER_W // CH
K = 13
NG = NCH // K
VPC = CH // 16


def _sc_gather_kernel(ids_hbm, pat_hbm, table_hbm, out_hbm, idx_v, pat_v,
                      rows_v, sem):
    wid = lax.axis_index("s") * NC + lax.axis_index("c")
    base = wid * PER_W

    pltpu.sync_copy(ids_hbm.at[wid], idx_v)
    pltpu.sync_copy(pat_hbm.at[wid], pat_v)

    def group_body(g, carry):
        copies = []
        for k in range(K):
            c = g * K + k
            for j in range(VPC):
                sl = pl.ds(j * 16, 16)
                idx_v[c, sl] = idx_v[c, sl] + pat_v[c, sl]
            copies.append(
                pltpu.async_copy(table_hbm.at[idx_v.at[c]],
                                 rows_v.at[pl.ds(k * CH, CH)], sem))
        for cp in copies:
            cp.wait()
        pltpu.sync_copy(rows_v, out_hbm.at[pl.ds(base + g * (K * CH), K * CH)])
        return carry

    lax.fori_loop(0, NG, group_body, 0)


@functools.partial(
    pl.kernel,
    out_type=jax.ShapeDtypeStruct((BTH, D), jnp.float32),
    mesh=plsc.VectorSubcoreMesh(core_axis_name="c", subcore_axis_name="s"),
    scratch_types=[
        pltpu.VMEM((NCH, CH), jnp.int32),
        pltpu.VMEM((NCH, CH), jnp.int32),
        pltpu.VMEM((K * CH, D), jnp.float32),
        pltpu.SemaphoreType.DMA,
    ],
    compiler_params=pltpu.CompilerParams(use_tc_tiling_on_sc=False),
)
def _sc_gather(ids_hbm, pat_hbm, table_hbm, out_hbm, idx_v, pat_v, rows_v,
               sem):
    _sc_gather_kernel(ids_hbm, pat_hbm, table_hbm, out_hbm, idx_v, pat_v,
                      rows_v, sem)


def kernel(input_ids, table, offsets):
    ids = input_ids.reshape(NW, NCH, CH).astype(jnp.int32)
    pat = jnp.tile(offsets.astype(jnp.int32), BTH // H).reshape(NW, NCH, CH)
    out = _sc_gather(ids, pat, table)
    return out.reshape(B, T, H, D)

# --- scband reference (transcript-rebuilt; emitter-appended) ---
"""Pipeline reference for scband-cached-multi-head-embedding-38130719654321 (READ-ONLY COPY).

The authoritative reference and input builder live on the scoring server;
editing this copy changes nothing except your own understanding.
"""

import jax, jax.numpy as jnp
import numpy as np

LIST_OF_N = [100000] * 26
D = 32
B, T, H = 1024, 20, 26


def setup_inputs(seed: int = 0) -> dict:
    key = jax.random.key(seed)
    k1, k2 = jax.random.split(key)
    input_ids = jax.random.randint(k1, (B, T, H), 0, LIST_OF_N[0])
    total_N = int(sum(LIST_OF_N))
    table = jax.random.normal(k2, (total_N, D), dtype=jnp.float32)
    offs = np.concatenate([[0], np.cumsum(LIST_OF_N[:-1])]).astype(np.int32)
    offsets = jnp.asarray(offs)
    return {"input_ids": input_ids, "table": table, "offsets": offsets}


def reference(input_ids, table, offsets):
    # shifted_input_ids = input_ids + self.offsets (broadcast over last head dim)
    shifted = input_ids + offsets
    # nn.Embedding lookup -> gather rows from the concatenated table
    out = jnp.take(table, shifted, axis=0)
    return out

if __name__ == "__main__":
    import jax
    _d = setup_inputs()
    print(jax.jit(kernel)(*tuple(_d.values())))

</pallas_src>

<mosaic_0001>
#map = affine_map<(d0, d1) -> (0, 0, 0)>
#map1 = affine_map<(d0, d1) -> (0, 0)>
module attributes {stable_mosaic.version = 14 : i64} {
  func.func @_sc_gather(%arg0: i32, %arg1: i32, %arg2: memref<32x130x128xi32, #tpu.memory_space<hbm>>, %arg3: memref<32x130x128xi32, #tpu.memory_space<hbm>>, %arg4: memref<2600000x32xf32, #tpu.memory_space<hbm>>, %arg5: memref<532480x32xf32, #tpu.memory_space<hbm>>, %arg6: memref<130x128xi32, #tpu.memory_space<vmem>>, %arg7: memref<130x128xi32, #tpu.memory_space<vmem>>, %arg8: memref<1664x32xf32, #tpu.memory_space<vmem>>, %arg9: memref<!tpu.dma_semaphore, #tpu.memory_space<semaphore_mem>>) attributes {dimension_semantics = [#tpu.dimension_semantics<core_parallel>, #tpu.dimension_semantics<subcore_parallel>], iteration_bounds = array<i64: 2, 16>, scalar_prefetch = 0 : i64, scratch_operands = 4 : i64, tpu.core_type = #tpu.core_type<sc_vector_subcore>, window_params = [{transform_indices = #map}, {transform_indices = #map}, {transform_indices = #map1}, {transform_indices = #map1}]} {
    %mul3A = arith.constant 2 : i32
    %mul3A_0 = arith.muli %arg1, %mul3A : i32
    %add3A = arith.addi %mul3A_0, %arg0 : i32
    %mul3A_1 = arith.constant 16640 : i32
    %mul3A_2 = arith.muli %add3A, %mul3A_1 : i32
    "tpu.region"() ({
      %run_scoped3A = tpu.sem_alloc : memref<!tpu.dma_semaphore, #tpu.memory_space<semaphore_mem>>
      %dma_start3A = arith.constant 0 : i32
      %dma_start3A_8 = arith.constant 0 : i32
      %dma_start3A_9 = tpu.memref_slice %arg2[%add3A, %dma_start3A, %dma_start3A_8] : memref<32x130x128xi32, #tpu.memory_space<hbm>> -> memref<1x130x128xi32, #tpu.memory_space<hbm>>
      %dma_start3A_10 = tpu.memref_squeeze %dma_start3A_9 : memref<1x130x128xi32, #tpu.memory_space<hbm>> -> memref<130x128xi32, #tpu.memory_space<hbm>>
      %dma_start3A_11 = arith.constant 0 : i32
      %dma_start3A_12 = arith.constant 0 : i32
      %dma_start3A_13 = tpu.memref_slice %arg2[%add3A, %dma_start3A_11, %dma_start3A_12] : memref<32x130x128xi32, #tpu.memory_space<hbm>> -> memref<1x130x128xi32, #tpu.memory_space<hbm>>
      %dma_start3A_14 = tpu.memref_squeeze %dma_start3A_13 : memref<1x130x128xi32, #tpu.memory_space<hbm>> -> memref<130x128xi32, #tpu.memory_space<hbm>>
      tpu.enqueue_dma source(%dma_start3A_14 : memref<130x128xi32, #tpu.memory_space<hbm>>) target(%arg6 : memref<130x128xi32, #tpu.memory_space<vmem>>) target_semaphore(%run_scoped3A : memref<!tpu.dma_semaphore, #tpu.memory_space<semaphore_mem>>)
      %dma_wait3A = arith.constant 0 : i32
      %dma_wait3A_15 = arith.constant 0 : i32
      %dma_wait3A_16 = tpu.memref_slice %arg2[%add3A, %dma_wait3A, %dma_wait3A_15] : memref<32x130x128xi32, #tpu.memory_space<hbm>> -> memref<1x130x128xi32, #tpu.memory_space<hbm>>
      %dma_wait3A_17 = tpu.memref_squeeze %dma_wait3A_16 : memref<1x130x128xi32, #tpu.memory_space<hbm>> -> memref<130x128xi32, #tpu.memory_space<hbm>>
      %dma_wait3A_18 = arith.constant 0 : i32
      %dma_wait3A_19 = arith.constant 0 : i32
      %dma_wait3A_20 = tpu.memref_slice %arg2[%add3A, %dma_wait3A_18, %dma_wait3A_19] : memref<32x130x128xi32, #tpu.memory_space<hbm>> -> memref<1x130x128xi32, #tpu.memory_space<hbm>>
      %dma_wait3A_21 = tpu.memref_squeeze %dma_wait3A_20 : memref<1x130x128xi32, #tpu.memory_space<hbm>> -> memref<130x128xi32, #tpu.memory_space<hbm>>
      tpu.wait_dma2 semaphore(%run_scoped3A : memref<!tpu.dma_semaphore, #tpu.memory_space<semaphore_mem>>) src(%dma_wait3A_21 : memref<130x128xi32, #tpu.memory_space<hbm>>) dst(%arg6 : memref<130x128xi32, #tpu.memory_space<vmem>>)
      tpu.yield
    }) : () -> ()
    "tpu.region"() ({
      %run_scoped3A = tpu.sem_alloc : memref<!tpu.dma_semaphore, #tpu.memory_space<semaphore_mem>>
      %dma_start3A = arith.constant 0 : i32
      %dma_start3A_8 = arith.constant 0 : i32
      %dma_start3A_9 = tpu.memref_slice %arg3[%add3A, %dma_start3A, %dma_start3A_8] : memref<32x130x128xi32, #tpu.memory_space<hbm>> -> memref<1x130x128xi32, #tpu.memory_space<hbm>>
      %dma_start3A_10 = tpu.memref_squeeze %dma_start3A_9 : memref<1x130x128xi32, #tpu.memory_space<hbm>> -> memref<130x128xi32, #tpu.memory_space<hbm>>
      %dma_start3A_11 = arith.constant 0 : i32
      %dma_start3A_12 = arith.constant 0 : i32
      %dma_start3A_13 = tpu.memref_slice %arg3[%add3A, %dma_start3A_11, %dma_start3A_12] : memref<32x130x128xi32, #tpu.memory_space<hbm>> -> memref<1x130x128xi32, #tpu.memory_space<hbm>>
      %dma_start3A_14 = tpu.memref_squeeze %dma_start3A_13 : memref<1x130x128xi32, #tpu.memory_space<hbm>> -> memref<130x128xi32, #tpu.memory_space<hbm>>
      tpu.enqueue_dma source(%dma_start3A_14 : memref<130x128xi32, #tpu.memory_space<hbm>>) target(%arg7 : memref<130x128xi32, #tpu.memory_space<vmem>>) target_semaphore(%run_scoped3A : memref<!tpu.dma_semaphore, #tpu.memory_space<semaphore_mem>>)
      %dma_wait3A = arith.constant 0 : i32
      %dma_wait3A_15 = arith.constant 0 : i32
      %dma_wait3A_16 = tpu.memref_slice %arg3[%add3A, %dma_wait3A, %dma_wait3A_15] : memref<32x130x128xi32, #tpu.memory_space<hbm>> -> memref<1x130x128xi32, #tpu.memory_space<hbm>>
      %dma_wait3A_17 = tpu.memref_squeeze %dma_wait3A_16 : memref<1x130x128xi32, #tpu.memory_space<hbm>> -> memref<130x128xi32, #tpu.memory_space<hbm>>
      %dma_wait3A_18 = arith.constant 0 : i32
      %dma_wait3A_19 = arith.constant 0 : i32
      %dma_wait3A_20 = tpu.memref_slice %arg3[%add3A, %dma_wait3A_18, %dma_wait3A_19] : memref<32x130x128xi32, #tpu.memory_space<hbm>> -> memref<1x130x128xi32, #tpu.memory_space<hbm>>
      %dma_wait3A_21 = tpu.memref_squeeze %dma_wait3A_20 : memref<1x130x128xi32, #tpu.memory_space<hbm>> -> memref<130x128xi32, #tpu.memory_space<hbm>>
      tpu.wait_dma2 semaphore(%run_scoped3A : memref<!tpu.dma_semaphore, #tpu.memory_space<semaphore_mem>>) src(%dma_wait3A_21 : memref<130x128xi32, #tpu.memory_space<hbm>>) dst(%arg7 : memref<130x128xi32, #tpu.memory_space<vmem>>)
      tpu.yield
    }) : () -> ()
    %scan3A = arith.constant 0 : i32
    %scan3A_3 = arith.constant 0 : i32
    %scan3A_4 = arith.constant 10 : i32
    %scan3A_5 = arith.addi %scan3A_3, %scan3A_4 : i32
    %scan3A_6 = arith.constant 1 : i32
    scf.for %scan3A_8 = %scan3A_3 to %scan3A_5 step %scan3A_6  : i32 {
      %mul3A_9 = arith.constant 13 : i32
      %mul3A_10 = arith.muli %scan3A_8, %mul3A_9 : i32
      %add3A_11 = arith.constant 0 : i32
      %add3A_12 = arith.addi %mul3A_10, %add3A_11 : i32
      %get3A = arith.index_cast %add3A_12 : i32 to index
      %get3A_13 = arith.constant 0 : index
      %get3A_14 = tpu.vector_load %arg6[%get3A, %get3A_13] {strides = array<i32>} : memref<130x128xi32, #tpu.memory_space<vmem>>, vector<1x16xi32>,
      %get3A_15 = vector.shape_cast %get3A_14 : vector<1x16xi32> to vector<16xi32>
      %get3A_16 = arith.index_cast %add3A_12 : i32 to index
      %get3A_17 = arith.constant 0 : index
      %get3A_18 = tpu.vector_load %arg7[%get3A_16, %get3A_17] {strides = array<i32>} : memref<130x128xi32, #tpu.memory_space<vmem>>, vector<1x16xi32>,
      %get3A_19 = vector.shape_cast %get3A_18 : vector<1x16xi32> to vector<16xi32>
      %add3A_20 = arith.addi %get3A_15, %get3A_19 : vector<16xi32>
      %swap3A = arith.index_cast %add3A_12 : i32 to index
      %swap3A_21 = arith.constant 0 : index
      %swap3A_22 = tpu.vector_load %arg6[%swap3A, %swap3A_21] {strides = array<i32>} : memref<130x128xi32, #tpu.memory_space<vmem>>, vector<1x16xi32>,
      %swap3A_23 = vector.shape_cast %swap3A_22 : vector<1x16xi32> to vector<16xi32>
      %swap3A_24 = vector.shape_cast %add3A_20 : vector<16xi32> to vector<1x16xi32>
      tpu.vector_store %arg6[%swap3A, %swap3A_21], %swap3A_24 {strides = array<i32>} : memref<130x128xi32, #tpu.memory_space<vmem>>, vector<1x16xi32>,
      %get3A_25 = arith.index_cast %add3A_12 : i32 to index
      %get3A_26 = arith.constant 16 : index
      %get3A_27 = tpu.vector_load %arg6[%get3A_25, %get3A_26] {strides = array<i32>} : memref<130x128xi32, #tpu.memory_space<vmem>>, vector<1x16xi32>,
      %get3A_28 = vector.shape_cast %get3A_27 : vector<1x16xi32> to vector<16xi32>
      %get3A_29 = arith.index_cast %add3A_12 : i32 to index
      %get3A_30 = arith.constant 16 : index
      %get3A_31 = tpu.vector_load %arg7[%get3A_29, %get3A_30] {strides = array<i32>} : memref<130x128xi32, #tpu.memory_space<vmem>>, vector<1x16xi32>,
      %get3A_32 = vector.shape_cast %get3A_31 : vector<1x16xi32> to vector<16xi32>
      %add3A_33 = arith.addi %get3A_28, %get3A_32 : vector<16xi32>
      %swap3A_34 = arith.index_cast %add3A_12 : i32 to index
      %swap3A_35 = arith.constant 16 : index
      %swap3A_36 = tpu.vector_load %arg6[%swap3A_34, %swap3A_35] {strides = array<i32>} : memref<130x128xi32, #tpu.memory_space<vmem>>, vector<1x16xi32>,
      %swap3A_37 = vector.shape_cast %swap3A_36 : vector<1x16xi32> to vector<16xi32>
      %swap3A_38 = vector.shape_cast %add3A_33 : vector<16xi32> to vector<1x16xi32>
      tpu.vector_store %arg6[%swap3A_34, %swap3A_35], %swap3A_38 {strides = array<i32>} : memref<130x128xi32, #tpu.memory_space<vmem>>, vector<1x16xi32>,
      %get3A_39 = arith.index_cast %add3A_12 : i32 to index
      %get3A_40 = arith.constant 32 : index
      %get3A_41 = tpu.vector_load %arg6[%get3A_39, %get3A_40] {strides = array<i32>} : memref<130x128xi32, #tpu.memory_space<vmem>>, vector<1x16xi32>,
      %get3A_42 = vector.shape_cast %get3A_41 : vector<1x16xi32> to vector<16xi32>
      %get3A_43 = arith.index_cast %add3A_12 : i32 to index
      %get3A_44 = arith.constant 32 : index
      %get3A_45 = tpu.vector_load %arg7[%get3A_43, %get3A_44] {strides = array<i32>} : memref<130x128xi32, #tpu.memory_space<vmem>>, vector<1x16xi32>,
      %get3A_46 = vector.shape_cast %get3A_45 : vector<1x16xi32> to vector<16xi32>
      %add3A_47 = arith.addi %get3A_42, %get3A_46 : vector<16xi32>
      %swap3A_48 = arith.index_cast %add3A_12 : i32 to index
      %swap3A_49 = arith.constant 32 : index
      %swap3A_50 = tpu.vector_load %arg6[%swap3A_48, %swap3A_49] {strides = array<i32>} : memref<130x128xi32, #tpu.memory_space<vmem>>, vector<1x16xi32>,
      %swap3A_51 = vector.shape_cast %swap3A_50 : vector<1x16xi32> to vector<16xi32>
      %swap3A_52 = vector.shape_cast %add3A_47 : vector<16xi32> to vector<1x16xi32>
      tpu.vector_store %arg6[%swap3A_48, %swap3A_49], %swap3A_52 {strides = array<i32>} : memref<130x128xi32, #tpu.memory_space<vmem>>, vector<1x16xi32>,
      %get3A_53 = arith.index_cast %add3A_12 : i32 to index
      %get3A_54 = arith.constant 48 : index
      %get3A_55 = tpu.vector_load %arg6[%get3A_53, %get3A_54] {strides = array<i32>} : memref<130x128xi32, #tpu.memory_space<vmem>>, vector<1x16xi32>,
      %get3A_56 = vector.shape_cast %get3A_55 : vector<1x16xi32> to vector<16xi32>
      %get3A_57 = arith.index_cast %add3A_12 : i32 to index
      %get3A_58 = arith.constant 48 : index
      %get3A_59 = tpu.vector_load %arg7[%get3A_57, %get3A_58] {strides = array<i32>} : memref<130x128xi32, #tpu.memory_space<vmem>>, vector<1x16xi32>,
      %get3A_60 = vector.shape_cast %get3A_59 : vector<1x16xi32> to vector<16xi32>
      %add3A_61 = arith.addi %get3A_56, %get3A_60 : vector<16xi32>
      %swap3A_62 = arith.index_cast %add3A_12 : i32 to index
      %swap3A_63 = arith.constant 48 : index
      %swap3A_64 = tpu.vector_load %arg6[%swap3A_62, %swap3A_63] {strides = array<i32>} : memref<130x128xi32, #tpu.memory_space<vmem>>, vector<1x16xi32>,
      %swap3A_65 = vector.shape_cast %swap3A_64 : vector<1x16xi32> to vector<16xi32>
      %swap3A_66 = vector.shape_cast %add3A_61 : vector<16xi32> to vector<1x16xi32>
      tpu.vector_store %arg6[%swap3A_62, %swap3A_63], %swap3A_66 {strides = array<i32>} : memref<130x128xi32, #tpu.memory_space<vmem>>, vector<1x16xi32>,
      %get3A_67 = arith.index_cast %add3A_12 : i32 to index
      %get3A_68 = arith.constant 64 : index
      %get3A_69 = tpu.vector_load %arg6[%get3A_67, %get3A_68] {strides = array<i32>} : memref<130x128xi32, #tpu.memory_space<vmem>>, vector<1x16xi32>,
      %get3A_70 = vector.shape_cast %get3A_69 : vector<1x16xi32> to vector<16xi32>
      %get3A_71 = arith.index_cast %add3A_12 : i32 to index
      %get3A_72 = arith.constant 64 : index
      %get3A_73 = tpu.vector_load %arg7[%get3A_71, %get3A_72] {strides = array<i32>} : memref<130x128xi32, #tpu.memory_space<vmem>>, vector<1x16xi32>,
      %get3A_74 = vector.shape_cast %get3A_73 : vector<1x16xi32> to vector<16xi32>
      %add3A_75 = arith.addi %get3A_70, %get3A_74 : vector<16xi32>
      %swap3A_76 = arith.index_cast %add3A_12 : i32 to index
      %swap3A_77 = arith.constant 64 : index
      %swap3A_78 = tpu.vector_load %arg6[%swap3A_76, %swap3A_77] {strides = array<i32>} : memref<130x128xi32, #tpu.memory_space<vmem>>, vector<1x16xi32>,
      %swap3A_79 = vector.shape_cast %swap3A_78 : vector<1x16xi32> to vector<16xi32>
      %swap3A_80 = vector.shape_cast %add3A_75 : vector<16xi32> to vector<1x16xi32>
      tpu.vector_store %arg6[%swap3A_76, %swap3A_77], %swap3A_80 {strides = array<i32>} : memref<130x128xi32, #tpu.memory_space<vmem>>, vector<1x16xi32>,
      %get3A_81 = arith.index_cast %add3A_12 : i32 to index
      %get3A_82 = arith.constant 80 : index
      %get3A_83 = tpu.vector_load %arg6[%get3A_81, %get3A_82] {strides = array<i32>} : memref<130x128xi32, #tpu.memory_space<vmem>>, vector<1x16xi32>,
      %get3A_84 = vector.shape_cast %get3A_83 : vector<1x16xi32> to vector<16xi32>
      %get3A_85 = arith.index_cast %add3A_12 : i32 to index
      %get3A_86 = arith.constant 80 : index
      %get3A_87 = tpu.vector_load %arg7[%get3A_85, %get3A_86] {strides = array<i32>} : memref<130x128xi32, #tpu.memory_space<vmem>>, vector<1x16xi32>,
      %get3A_88 = vector.shape_cast %get3A_87 : vector<1x16xi32> to vector<16xi32>
      %add3A_89 = arith.addi %get3A_84, %get3A_88 : vector<16xi32>
      %swap3A_90 = arith.index_cast %add3A_12 : i32 to index
      %swap3A_91 = arith.constant 80 : index
      %swap3A_92 = tpu.vector_load %arg6[%swap3A_90, %swap3A_91] {strides = array<i32>} : memref<130x128xi32, #tpu.memory_space<vmem>>, vector<1x16xi32>,
      %swap3A_93 = vector.shape_cast %swap3A_92 : vector<1x16xi32> to vector<16xi32>
      %swap3A_94 = vector.shape_cast %add3A_89 : vector<16xi32> to vector<1x16xi32>
      tpu.vector_store %arg6[%swap3A_90, %swap3A_91], %swap3A_94 {strides = array<i32>} : memref<130x128xi32, #tpu.memory_space<vmem>>, vector<1x16xi32>,
      %get3A_95 = arith.index_cast %add3A_12 : i32 to index
      %get3A_96 = arith.constant 96 : index
      %get3A_97 = tpu.vector_load %arg6[%get3A_95, %get3A_96] {strides = array<i32>} : memref<130x128xi32, #tpu.memory_space<vmem>>, vector<1x16xi32>,
      %get3A_98 = vector.shape_cast %get3A_97 : vector<1x16xi32> to vector<16xi32>
      %get3A_99 = arith.index_cast %add3A_12 : i32 to index
      %get3A_100 = arith.constant 96 : index
      %get3A_101 = tpu.vector_load %arg7[%get3A_99, %get3A_100] {strides = array<i32>} : memref<130x128xi32, #tpu.memory_space<vmem>>, vector<1x16xi32>,
      %get3A_102 = vector.shape_cast %get3A_101 : vector<1x16xi32> to vector<16xi32>
      %add3A_103 = arith.addi %get3A_98, %get3A_102 : vector<16xi32>
      %swap3A_104 = arith.index_cast %add3A_12 : i32 to index
      %swap3A_105 = arith.constant 96 : index
      %swap3A_106 = tpu.vector_load %arg6[%swap3A_104, %swap3A_105] {strides = array<i32>} : memref<130x128xi32, #tpu.memory_space<vmem>>, vector<1x16xi32>,
      %swap3A_107 = vector.shape_cast %swap3A_106 : vector<1x16xi32> to vector<16xi32>
      %swap3A_108 = vector.shape_cast %add3A_103 : vector<16xi32> to vector<1x16xi32>
      tpu.vector_store %arg6[%swap3A_104, %swap3A_105], %swap3A_108 {strides = array<i32>} : memref<130x128xi32, #tpu.memory_space<vmem>>, vector<1x16xi32>,
      %get3A_109 = arith.index_cast %add3A_12 : i32 to index
      %get3A_110 = arith.constant 112 : index
      %get3A_111 = tpu.vector_load %arg6[%get3A_109, %get3A_110] {strides = array<i32>} : memref<130x128xi32, #tpu.memory_space<vmem>>, vector<1x16xi32>,
      %get3A_112 = vector.shape_cast %get3A_111 : vector<1x16xi32> to vector<16xi32>
      %get3A_113 = arith.index_cast %add3A_12 : i32 to index
      %get3A_114 = arith.constant 112 : index
      %get3A_115 = tpu.vector_load %arg7[%get3A_113, %get3A_114] {strides = array<i32>} : memref<130x128xi32, #tpu.memory_space<vmem>>, vector<1x16xi32>,
      %get3A_116 = vector.shape_cast %get3A_115 : vector<1x16xi32> to vector<16xi32>
      %add3A_117 = arith.addi %get3A_112, %get3A_116 : vector<16xi32>
      %swap3A_118 = arith.index_cast %add3A_12 : i32 to index
      %swap3A_119 = arith.constant 112 : index
      %swap3A_120 = tpu.vector_load %arg6[%swap3A_118, %swap3A_119] {strides = array<i32>} : memref<130x128xi32, #tpu.memory_space<vmem>>, vector<1x16xi32>,
      %swap3A_121 = vector.shape_cast %swap3A_120 : vector<1x16xi32> to vector<16xi32>
      %swap3A_122 = vector.shape_cast %add3A_117 : vector<16xi32> to vector<1x16xi32>
      tpu.vector_store %arg6[%swap3A_118, %swap3A_119], %swap3A_122 {strides = array<i32>} : memref<130x128xi32, #tpu.memory_space<vmem>>, vector<1x16xi32>,
      %dma_start3A = arith.constant 0 : i32
      %dma_start3A_123 = arith.constant 0 : i32
      %dma_start3A_124 = tpu.memref_slice %arg8[%dma_start3A, %dma_start3A_123] : memref<1664x32xf32, #tpu.memory_space<vmem>> -> memref<128x32xf32, #tpu.memory_space<vmem>>
      %dma_start3A_125 = arith.constant 0 : i32
      %dma_start3A_126 = tpu.memref_slice %arg6[%add3A_12, %dma_start3A_125] : memref<130x128xi32, #tpu.memory_space<vmem>> -> memref<1x128xi32, #tpu.memory_space<vmem>>
      %dma_start3A_127 = tpu.memref_squeeze %dma_start3A_126 : memref<1x128xi32, #tpu.memory_space<vmem>> -> memref<128xi32, #tpu.memory_space<vmem>>
      %dma_start3A_128 = arith.constant 0 : i32
      %dma_start3A_129 = arith.constant 0 : i32
      %dma_start3A_130 = tpu.memref_slice %arg4[%dma_start3A_128, %dma_start3A_129] : memref<2600000x32xf32, #tpu.memory_space<hbm>> -> memref<2600000x32xf32, #tpu.memory_space<hbm>>
      tpu.enqueue_indirect_dma source(%dma_start3A_130 : memref<2600000x32xf32, #tpu.memory_space<hbm>>) target(%dma_start3A_124 : memref<128x32xf32, #tpu.memory_space<vmem>>) offsets(%dma_start3A_127 : memref<128xi32, #tpu.memory_space<vmem>>) semaphore(%arg9 : memref<!tpu.dma_semaphore, #tpu.memory_space<semaphore_mem>>)
      %mul3A_131 = arith.constant 13 : i32
      %mul3A_132 = arith.muli %scan3A_8, %mul3A_131 : i32
      %add3A_133 = arith.constant 1 : i32
      %add3A_134 = arith.addi %mul3A_132, %add3A_133 : i32
      %get3A_135 = arith.index_cast %add3A_134 : i32 to index
      %get3A_136 = arith.constant 0 : index
      %get3A_137 = tpu.vector_load %arg6[%get3A_135, %get3A_136] {strides = array<i32>} : memref<130x128xi32, #tpu.memory_space<vmem>>, vector<1x16xi32>,
      %get3A_138 = vector.shape_cast %get3A_137 : vector<1x16xi32> to vector<16xi32>
      %get3A_139 = arith.index_cast %add3A_134 : i32 to index
      %get3A_140 = arith.constant 0 : index
      %get3A_141 = tpu.vector_load %arg7[%get3A_139, %get3A_140] {strides = array<i32>} : memref<130x128xi32, #tpu.memory_space<vmem>>, vector<1x16xi32>,
      %get3A_142 = vector.shape_cast %get3A_141 : vector<1x16xi32> to vector<16xi32>
      %add3A_143 = arith.addi %get3A_138, %get3A_142 : vector<16xi32>
      %swap3A_144 = arith.index_cast %add3A_134 : i32 to index
      %swap3A_145 = arith.constant 0 : index
      %swap3A_146 = tpu.vector_load %arg6[%swap3A_144, %swap3A_145] {strides = array<i32>} : memref<130x128xi32, #tpu.memory_space<vmem>>, vector<1x16xi32>,
      %swap3A_147 = vector.shape_cast %swap3A_146 : vector<1x16xi32> to vector<16xi32>
      %swap3A_148 = vector.shape_cast %add3A_143 : vector<16xi32> to vector<1x16xi32>
      tpu.vector_store %arg6[%swap3A_144, %swap3A_145], %swap3A_148 {strides = array<i32>} : memref<130x128xi32, #tpu.memory_space<vmem>>, vector<1x16xi32>,
      %get3A_149 = arith.index_cast %add3A_134 : i32 to index
      %get3A_150 = arith.constant 16 : index
      %get3A_151 = tpu.vector_load %arg6[%get3A_149, %get3A_150] {strides = array<i32>} : memref<130x128xi32, #tpu.memory_space<vmem>>, vector<1x16xi32>,
      %get3A_152 = vector.shape_cast %get3A_151 : vector<1x16xi32> to vector<16xi32>
      %get3A_153 = arith.index_cast %add3A_134 : i32 to index
      %get3A_154 = arith.constant 16 : index
      %get3A_155 = tpu.vector_load %arg7[%get3A_153, %get3A_154] {strides = array<i32>} : memref<130x128xi32, #tpu.memory_space<vmem>>, vector<1x16xi32>,
      %get3A_156 = vector.shape_cast %get3A_155 : vector<1x16xi32> to vector<16xi32>
      %add3A_157 = arith.addi %get3A_152, %get3A_156 : vector<16xi32>
      %swap3A_158 = arith.index_cast %add3A_134 : i32 to index
      %swap3A_159 = arith.constant 16 : index
      %swap3A_160 = tpu.vector_load %arg6[%swap3A_158, %swap3A_159] {strides = array<i32>} : memref<130x128xi32, #tpu.memory_space<vmem>>, vector<1x16xi32>,
      %swap3A_161 = vector.shape_cast %swap3A_160 : vector<1x16xi32> to vector<16xi32>
      %swap3A_162 = vector.shape_cast %add3A_157 : vector<16xi32> to vector<1x16xi32>
      tpu.vector_store %arg6[%swap3A_158, %swap3A_159], %swap3A_162 {strides = array<i32>} : memref<130x128xi32, #tpu.memory_space<vmem>>, vector<1x16xi32>,
      %get3A_163 = arith.index_cast %add3A_134 : i32 to index
      %get3A_164 = arith.constant 32 : index
      %get3A_165 = tpu.vector_load %arg6[%get3A_163, %get3A_164] {strides = array<i32>} : memref<130x128xi32, #tpu.memory_space<vmem>>, vector<1x16xi32>,
      %get3A_166 = vector.shape_cast %get3A_165 : vector<1x16xi32> to vector<16xi32>
      %get3A_167 = arith.index_cast %add3A_134 : i32 to index
      %get3A_168 = arith.constant 32 : index
      %get3A_169 = tpu.vector_load %arg7[%get3A_167, %get3A_168] {strides = array<i32>} : memref<130x128xi32, #tpu.memory_space<vmem>>, vector<1x16xi32>,
      %get3A_170 = vector.shape_cast %get3A_169 : vector<1x16xi32> to vector<16xi32>
      %add3A_171 = arith.addi %get3A_166, %get3A_170 : vector<16xi32>
      %swap3A_172 = arith.index_cast %add3A_134 : i32 to index
      %swap3A_173 = arith.constant 32 : index
      %swap3A_174 = tpu.vector_load %arg6[%swap3A_172, %swap3A_173] {strides = array<i32>} : memref<130x128xi32, #tpu.memory_space<vmem>>, vector<1x16xi32>,
      %swap3A_175 = vector.shape_cast %swap3A_174 : vector<1x16xi32> to vector<16xi32>
      %swap3A_176 = vector.shape_cast %add3A_171 : vector<16xi32> to vector<1x16xi32>
      tpu.vector_store %arg6[%swap3A_172, %swap3A_173], %swap3A_176 {strides = array<i32>} : memref<130x128xi32, #tpu.memory_space<vmem>>, vector<1x16xi32>,
      %get3A_177 = arith.index_cast %add3A_134 : i32 to index
      %get3A_178 = arith.constant 48 : index
      %get3A_179 = tpu.vector_load %arg6[%get3A_177, %get3A_178] {strides = array<i32>} : memref<130x128xi32, #tpu.memory_space<vmem>>, vector<1x16xi32>,
      %get3A_180 = vector.shape_cast %get3A_179 : vector<1x16xi32> to vector<16xi32>
      %get3A_181 = arith.index_cast %add3A_134 : i32 to index
      %get3A_182 = arith.constant 48 : index
      %get3A_183 = tpu.vector_load %arg7[%get3A_181, %get3A_182] {strides = array<i32>} : memref<130x128xi32, #tpu.memory_space<vmem>>, vector<1x16xi32>,
      %get3A_184 = vector.shape_cast %get3A_183 : vector<1x16xi32> to vector<16xi32>
      %add3A_185 = arith.addi %get3A_180, %get3A_184 : vector<16xi32>
      %swap3A_186 = arith.index_cast %add3A_134 : i32 to index
      %swap3A_187 = arith.constant 48 : index
      %swap3A_188 = tpu.vector_load %arg6[%swap3A_186, %swap3A_187] {strides = array<i32>} : memref<130x128xi32, #tpu.memory_space<vmem>>, vector<1x16xi32>,
      %swap3A_189 = vector.shape_cast %swap3A_188 : vector<1x16xi32> to vector<16xi32>
      %swap3A_190 = vector.shape_cast %add3A_185 : vector<16xi32> to vector<1x16xi32>
      tpu.vector_store %arg6[%swap3A_186, %swap3A_187], %swap3A_190 {strides = array<i32>} : memref<130x128xi32, #tpu.memory_space<vmem>>, vector<1x16xi32>,
      %get3A_191 = arith.index_cast %add3A_134 : i32 to index
      %get3A_192 = arith.constant 64 : index
      %get3A_193 = tpu.vector_load %arg6[%get3A_191, %get3A_192] {strides = array<i32>} : memref<130x128xi32, #tpu.memory_space<vmem>>, vector<1x16xi32>,
      %get3A_194 = vector.shape_cast %get3A_193 : vector<1x16xi32> to vector<16xi32>
      %get3A_195 = arith.index_cast %add3A_134 : i32 to index
      %get3A_196 = arith.constant 64 : index
      %get3A_197 = tpu.vector_load %arg7[%get3A_195, %get3A_196] {strides = array<i32>} : memref<130x128xi32, #tpu.memory_space<vmem>>, vector<1x16xi32>,
      %get3A_198 = vector.shape_cast %get3A_197 : vector<1x16xi32> to vector<16xi32>
      %add3A_199 = arith.addi %get3A_194, %get3A_198 : vector<16xi32>
      %swap3A_200 = arith.index_cast %add3A_134 : i32 to index
      %swap3A_201 = arith.constant 64 : index
      %swap3A_202 = tpu.vector_load %arg6[%swap3A_200, %swap3A_201] {strides = array<i32>} : memref<130x128xi32, #tpu.memory_space<vmem>>, vector<1x16xi32>,
      %swap3A_203 = vector.shape_cast %swap3A_202 : vector<1x16xi32> to vector<16xi32>
      %swap3A_204 = vector.shape_cast %add3A_199 : vector<16xi32> to vector<1x16xi32>
      tpu.vector_store %arg6[%swap3A_200, %swap3A_201], %swap3A_204 {strides = array<i32>} : memref<130x128xi32, #tpu.memory_space<vmem>>, vector<1x16xi32>,
      %get3A_205 = arith.index_cast %add3A_134 : i32 to index
      %get3A_206 = arith.constant 80 : index
      %get3A_207 = tpu.vector_load %arg6[%get3A_205, %get3A_206] {strides = array<i32>} : memref<130x128xi32, #tpu.memory_space<vmem>>, vector<1x16xi32>,
      %get3A_208 = vector.shape_cast %get3A_207 : vector<1x16xi32> to vector<16xi32>
      %get3A_209 = arith.index_cast %add3A_134 : i32 to index
      %get3A_210 = arith.constant 80 : index
      %get3A_211 = tpu.vector_load %arg7[%get3A_209, %get3A_210] {strides = array<i32>} : memref<130x128xi32, #tpu.memory_space<vmem>>, vector<1x16xi32>,
      %get3A_212 = vector.shape_cast %get3A_211 : vector<1x16xi32> to vector<16xi32>
      %add3A_213 = arith.addi %get3A_208, %get3A_212 : vector<16xi32>
      %swap3A_214 = arith.index_cast %add3A_134 : i32 to index
      %swap3A_215 = arith.constant 80 : index
      %swap3A_216 = tpu.vector_load %arg6[%swap3A_214, %swap3A_215] {strides = array<i32>} : memref<130x128xi32, #tpu.memory_space<vmem>>, vector<1x16xi32>,
      %swap3A_217 = vector.shape_cast %swap3A_216 : vector<1x16xi32> to vector<16xi32>
      %swap3A_218 = vector.shape_cast %add3A_213 : vector<16xi32> to vector<1x16xi32>
      tpu.vector_store %arg6[%swap3A_214, %swap3A_215], %swap3A_218 {strides = array<i32>} : memref<130x128xi32, #tpu.memory_space<vmem>>, vector<1x16xi32>,
      %get3A_219 = arith.index_cast %add3A_134 : i32 to index
      %get3A_220 = arith.constant 96 : index
      %get3A_221 = tpu.vector_load %arg6[%get3A_219, %get3A_220] {strides = array<i32>} : memref<130x128xi32, #tpu.memory_space<vmem>>, vector<1x16xi32>,
      %get3A_222 = vector.shape_cast %get3A_221 : vector<1x16xi32> to vector<16xi32>
      %get3A_223 = arith.index_cast %add3A_134 : i32 to index
      %get3A_224 = arith.constant 96 : index
      %get3A_225 = tpu.vector_load %arg7[%get3A_223, %get3A_224] {strides = array<i32>} : memref<130x128xi32, #tpu.memory_space<vmem>>, vector<1x16xi32>,
      %get3A_226 = vector.shape_cast %get3A_225 : vector<1x16xi32> to vector<16xi32>
      %add3A_227 = arith.addi %get3A_222, %get3A_226 : vector<16xi32>
      %swap3A_228 = arith.index_cast %add3A_134 : i32 to index
      %swap3A_229 = arith.constant 96 : index
      %swap3A_230 = tpu.vector_load %arg6[%swap3A_228, %swap3A_229] {strides = array<i32>} : memref<130x128xi32, #tpu.memory_space<vmem>>, vector<1x16xi32>,
      %swap3A_231 = vector.shape_cast %swap3A_230 : vector<1x16xi32> to vector<16xi32>
      %swap3A_232 = vector.shape_cast %add3A_227 : vector<16xi32> to vector<1x16xi32>
      tpu.vector_store %arg6[%swap3A_228, %swap3A_229], %swap3A_232 {strides = array<i32>} : memref<130x128xi32, #tpu.memory_space<vmem>>, vector<1x16xi32>,
      %get3A_233 = arith.index_cast %add3A_134 : i32 to index
      %get3A_234 = arith.constant 112 : index
      %get3A_235 = tpu.vector_load %arg6[%get3A_233, %get3A_234] {strides = array<i32>} : memref<130x128xi32, #tpu.memory_space<vmem>>, vector<1x16xi32>,
      %get3A_236 = vector.shape_cast %get3A_235 : vector<1x16xi32> to vector<16xi32>
      %get3A_237 = arith.index_cast %add3A_134 : i32 to index
      %get3A_238 = arith.constant 112 : index
      %get3A_239 = tpu.vector_load %arg7[%get3A_237, %get3A_238] {strides = array<i32>} : memref<130x128xi32, #tpu.memory_space<vmem>>, vector<1x16xi32>,
      %get3A_240 = vector.shape_cast %get3A_239 : vector<1x16xi32> to vector<16xi32>
      %add3A_241 = arith.addi %get3A_236, %get3A_240 : vector<16xi32>
      %swap3A_242 = arith.index_cast %add3A_134 : i32 to index
      %swap3A_243 = arith.constant 112 : index
      %swap3A_244 = tpu.vector_load %arg6[%swap3A_242, %swap3A_243] {strides = array<i32>} : memref<130x128xi32, #tpu.memory_space<vmem>>, vector<1x16xi32>,
      %swap3A_245 = vector.shape_cast %swap3A_244 : vector<1x16xi32> to vector<16xi32>
      %swap3A_246 = vector.shape_cast %add3A_241 : vector<16xi32> to vector<1x16xi32>
      tpu.vector_store %arg6[%swap3A_242, %swap3A_243], %swap3A_246 {strides = array<i32>} : memref<130x128xi32, #tpu.memory_space<vmem>>, vector<1x16xi32>,
      %dma_start3A_247 = arith.constant 128 : i32
      %dma_start3A_248 = arith.constant 0 : i32
      %dma_start3A_249 = tpu.memref_slice %arg8[%dma_start3A_247, %dma_start3A_248] : memref<1664x32xf32, #tpu.memory_space<vmem>> -> memref<128x32xf32, #tpu.memory_space<vmem>>
      %dma_start3A_250 = arith.constant 0 : i32
      %dma_start3A_251 = tpu.memref_slice %arg6[%add3A_134, %dma_start3A_250] : memref<130x128xi32, #tpu.memory_space<vmem>> -> memref<1x128xi32, #tpu.memory_space<vmem>>
      %dma_start3A_252 = tpu.memref_squeeze %dma_start3A_251 : memref<1x128xi32, #tpu.memory_space<vmem>> -> memref<128xi32, #tpu.memory_space<vmem>>
      %dma_start3A_253 = arith.constant 0 : i32
      %dma_start3A_254 = arith.constant 0 : i32
      %dma_start3A_255 = tpu.memref_slice %arg4[%dma_start3A_253, %dma_start3A_254] : memref<2600000x32xf32, #tpu.memory_space<hbm>> -> memref<2600000x32xf32, #tpu.memory_space<hbm>>
      tpu.enqueue_indirect_dma source(%dma_start3A_255 : memref<2600000x32xf32, #tpu.memory_space<hbm>>) target(%dma_start3A_249 : memref<128x32xf32, #tpu.memory_space<vmem>>) offsets(%dma_start3A_252 : memref<128xi32, #tpu.memory_space<vmem>>) semaphore(%arg9 : memref<!tpu.dma_semaphore, #tpu.memory_space<semaphore_mem>>)
      %mul3A_256 = arith.constant 13 : i32
      %mul3A_257 = arith.muli %scan3A_8, %mul3A_256 : i32
      %add3A_258 = arith.constant 2 : i32
      %add3A_259 = arith.addi %mul3A_257, %add3A_258 : i32
      %get3A_260 = arith.index_cast %add3A_259 : i32 to index
      %get3A_261 = arith.constant 0 : index
      %get3A_262 = tpu.vector_load %arg6[%get3A_260, %get3A_261] {strides = array<i32>} : memref<130x128xi32, #tpu.memory_space<vmem>>, vector<1x16xi32>,
      %get3A_263 = vector.shape_cast %get3A_262 : vector<1x16xi32> to vector<16xi32>
      %get3A_264 = arith.index_cast %add3A_259 : i32 to index
      %get3A_265 = arith.constant 0 : index
      %get3A_266 = tpu.vector_load %arg7[%get3A_264, %get3A_265] {strides = array<i32>} : memref<130x128xi32, #tpu.memory_space<vmem>>, vector<1x16xi32>,
      %get3A_267 = vector.shape_cast %get3A_266 : vector<1x16xi32> to vector<16xi32>
      %add3A_268 = arith.addi %get3A_263, %get3A_267 : vector<16xi32>
      %swap3A_269 = arith.index_cast %add3A_259 : i32 to index
      %swap3A_270 = arith.constant 0 : index
      %swap3A_271 = tpu.vector_load %arg6[%swap3A_269, %swap3A_270] {strides = array<i32>} : memref<130x128xi32, #tpu.memory_space<vmem>>, vector<1x16xi32>,
      %swap3A_272 = vector.shape_cast %swap3A_271 : vector<1x16xi32> to vector<16xi32>
      %swap3A_273 = vector.shape_cast %add3A_268 : vector<16xi32> to vector<1x16xi32>
      tpu.vector_store %arg6[%swap3A_269, %swap3A_270], %swap3A_273 {strides = array<i32>} : memref<130x128xi32, #tpu.memory_space<vmem>>, vector<1x16xi32>,
      %get3A_274 = arith.index_cast %add3A_259 : i32 to index
      %get3A_275 = arith.constant 16 : index
      %get3A_276 = tpu.vector_load %arg6[%get3A_274, %get3A_275] {strides = array<i32>} : memref<130x128xi32, #tpu.memory_space<vmem>>, vector<1x16xi32>,
      %get3A_277 = vector.shape_cast %get3A_276 : vector<1x16xi32> to vector<16xi32>
      %get3A_278 = arith.index_cast %add3A_259 : i32 to index
      %get3A_279 = arith.constant 16 : index
      %get3A_280 = tpu.vector_load %arg7[%get3A_278, %get3A_279] {strides = array<i32>} : memref<130x128xi32, #tpu.memory_space<vmem>>, vector<1x16xi32>,
      %get3A_281 = vector.shape_cast %get3A_280 : vector<1x16xi32> to vector<16xi32>
      %add3A_282 = arith.addi %get3A_277, %get3A_281 : vector<16xi32>
      %swap3A_283 = arith.index_cast %add3A_259 : i32 to index
      %swap3A_284 = arith.constant 16 : index
      %swap3A_285 = tpu.vector_load %arg6[%swap3A_283, %swap3A_284] {strides = array<i32>} : memref<130x128xi32, #tpu.memory_space<vmem>>, vector<1x16xi32>,
      %swap3A_286 = vector.shape_cast %swap3A_285 : vector<1x16xi32> to vector<16xi32>
      %swap3A_287 = vector.shape_cast %add3A_282 : vector<16xi32> to vector<1x16xi32>
      tpu.vector_store %arg6[%swap3A_283, %swap3A_284], %swap3A_287 {strides = array<i32>} : memref<130x128xi32, #tpu.memory_space<vmem>>, vector<1x16xi32>,
      %get3A_288 = arith.index_cast %add3A_259 : i32 to index
      %get3A_289 = arith.constant 32 : index
      %get3A_290 = tpu.vector_load %arg6[%get3A_288, %get3A_289] {strides = array<i32>} : memref<130x128xi32, #tpu.memory_space<vmem>>, vector<1x16xi32>,
      %get3A_291 = vector.shape_cast %get3A_290 : vector<1x16xi32> to vector<16xi32>
      %get3A_292 = arith.index_cast %add3A_259 : i32 to index
      %get3A_293 = arith.constant 32 : index
      %get3A_294 = tpu.vector_load %arg7[%get3A_292, %get3A_293] {strides = array<i32>} : memref<130x128xi32, #tpu.memory_space<vmem>>, vector<1x16xi32>,
      %get3A_295 = vector.shape_cast %get3A_294 : vector<1x16xi32> to vector<16xi32>
      %add3A_296 = arith.addi %get3A_291, %get3A_295 : vector<16xi32>
      %swap3A_297 = arith.index_cast %add3A_259 : i32 to index
      %swap3A_298 = arith.constant 32 : index
      %swap3A_299 = tpu.vector_load %arg6[%swap3A_297, %swap3A_298] {strides = array<i32>} : memref<130x128xi32, #tpu.memory_space<vmem>>, vector<1x16xi32>,
      %swap3A_300 = vector.shape_cast %swap3A_299 : vector<1x16xi32> to vector<16xi32>
      %swap3A_301 = vector.shape_cast %add3A_296 : vector<16xi32> to vector<1x16xi32>
      tpu.vector_store %arg6[%swap3A_297, %swap3A_298], %swap3A_301 {strides = array<i32>} : memref<130x128xi32, #tpu.memory_space<vmem>>, vector<1x16xi32>,
      %get3A_302 = arith.index_cast %add3A_259 : i32 to index
      %get3A_303 = arith.constant 48 : index
      %get3A_304 = tpu.vector_load %arg6[%get3A_302, %get3A_303] {strides = array<i32>} : memref<130x128xi32, #tpu.memory_space<vmem>>, vector<1x16xi32>,
      %get3A_305 = vector.shape_cast %get3A_304 : vector<1x16xi32> to vector<16xi32>
      %get3A_306 = arith.index_cast %add3A_259 : i32 to index
      %get3A_307 = arith.constant 48 : index
      %get3A_308 = tpu.vector_load %arg7[%get3A_306, %get3A_307] {strides = array<i32>} : memref<130x128xi32, #tpu.memory_space<vmem>>, vector<1x16xi32>,
      %get3A_309 = vector.shape_cast %get3A_308 : vector<1x16xi32> to vector<16xi32>
      %add3A_310 = arith.addi %get3A_305, %get3A_309 : vector<16xi32>
      %swap3A_311 = arith.index_cast %add3A_259 : i32 to index
      %swap3A_312 = arith.constant 48 : index
      %swap3A_313 = tpu.vector_load %arg6[%swap3A_311, %swap3A_312] {strides = array<i32>} : memref<130x128xi32, #tpu.memory_space<vmem>>, vector<1x16xi32>,
      %swap3A_314 = vector.shape_cast %swap3A_313 : vector<1x16xi32> to vector<16xi32>
      %swap3A_315 = vector.shape_cast %add3A_310 : vector<16xi32> to vector<1x16xi32>
      tpu.vector_store %arg6[%swap3A_311, %swap3A_312], %swap3A_315 {strides = array<i32>} : memref<130x128xi32, #tpu.memory_space<vmem>>, vector<1x16xi32>,
      %get3A_316 = arith.index_cast %add3A_259 : i32 to index
      %get3A_317 = arith.constant 64 : index
      %get3A_318 = tpu.vector_load %arg6[%get3A_316, %get3A_317] {strides = array<i32>} : memref<130x128xi32, #tpu.memory_space<vmem>>, vector<1x16xi32>,
      %get3A_319 = vector.shape_cast %get3A_318 : vector<1x16xi32> to vector<16xi32>
      %get3A_320 = arith.index_cast %add3A_259 : i32 to index
      %get3A_321 = arith.constant 64 : index
      %get3A_322 = tpu.vector_load %arg7[%get3A_320, %get3A_321] {strides = array<i32>} : memref<130x128xi32, #tpu.memory_space<vmem>>, vector<1x16xi32>,
      %get3A_323 = vector.shape_cast %get3A_322 : vector<1x16xi32> to vector<16xi32>
      %add3A_324 = arith.addi %get3A_319, %get3A_323 : vector<16xi32>
      %swap3A_325 = arith.index_cast %add3A_259 : i32 to index
      %swap3A_326 = arith.constant 64 : index
      %swap3A_327 = tpu.vector_load %arg6[%swap3A_325, %swap3A_326] {strides = array<i32>} : memref<130x128xi32, #tpu.memory_space<vmem>>, vector<1x16xi32>,
      %swap3A_328 = vector.shape_cast %swap3A_327 : vector<1x16xi32> to vector<16xi32>
      %swap3A_329 = vector.shape_cast %add3A_324 : vector<16xi32> to vector<1x16xi32>
      tpu.vector_store %arg6[%swap3A_325, %swap3A_326], %swap3A_329 {strides = array<i32>} : memref<130x128xi32, #tpu.memory_space<vmem>>, vector<1x16xi32>,
      %get3A_330 = arith.index_cast %add3A_259 : i32 to index
      %get3A_331 = arith.constant 80 : index
      %get3A_332 = tpu.vector_load %arg6[%get3A_330, %get3A_331] {strides = array<i32>} : memref<130x128xi32, #tpu.memory_space<vmem>>, vector<1x16xi32>,
      %get3A_333 = vector.shape_cast %get3A_332 : vector<1x16xi32> to vector<16xi32>
      %get3A_334 = arith.index_cast %add3A_259 : i32 to index
      %get3A_335 = arith.constant 80 : index
      %get3A_336 = tpu.vector_load %arg7[%get3A_334, %get3A_335] {strides = array<i32>} : memref<130x128xi32, #tpu.memory_space<vmem>>, vector<1x16xi32>,
      %get3A_337 = vector.shape_cast %get3A_336 : vector<1x16xi32> to vector<16xi32>
      %add3A_338 = arith.addi %get3A_333, %get3A_337 : vector<16xi32>
      %swap3A_339 = arith.index_cast %add3A_259 : i32 to index
      %swap3A_340 = arith.constant 80 : index
      %swap3A_341 = tpu.vector_load %arg6[%swap3A_339, %swap3A_340] {strides = array<i32>} : memref<130x128xi32, #tpu.memory_space<vmem>>, vector<1x16xi32>,
      %swap3A_342 = vector.shape_cast %swap3A_341 : vector<1x16xi32> to vector<16xi32>
      %swap3A_343 = vector.shape_cast %add3A_338 : vector<16xi32> to vector<1x16xi32>
      tpu.vector_store %arg6[%swap3A_339, %swap3A_340], %swap3A_343 {strides = array<i32>} : memref<130x128xi32, #tpu.memory_space<vmem>>, vector<1x16xi32>,
      %get3A_344 = arith.index_cast %add3A_259 : i32 to index
      %get3A_345 = arith.constant 96 : index
      %get3A_346 = tpu.vector_load %arg6[%get3A_344, %get3A_345] {strides = array<i32>} : memref<130x128xi32, #tpu.memory_space<vmem>>, vector<1x16xi32>,
      %get3A_347 = vector.shape_cast %get3A_346 : vector<1x16xi32> to vector<16xi32>
      %get3A_348 = arith.index_cast %add3A_259 : i32 to index
      %get3A_349 = arith.constant 96 : index
      %get3A_350 = tpu.vector_load %arg7[%get3A_348, %get3A_349] {strides = array<i32>} : memref<130x128xi32, #tpu.memory_space<vmem>>, vector<1x16xi32>,
      %get3A_351 = vector.shape_cast %get3A_350 : vector<1x16xi32> to vector<16xi32>
      %add3A_352 = arith.addi %get3A_347, %get3A_351 : vector<16xi32>
      %swap3A_353 = arith.index_cast %add3A_259 : i32 to index
      %swap3A_354 = arith.constant 96 : index
      %swap3A_355 = tpu.vector_load %arg6[%swap3A_353, %swap3A_354] {strides = array<i32>} : memref<130x128xi32, #tpu.memory_space<vmem>>, vector<1x16xi32>,
      %swap3A_356 = vector.shape_cast %swap3A_355 : vector<1x16xi32> to vector<16xi32>
      %swap3A_357 = vector.shape_cast %add3A_352 : vector<16xi32> to vector<1x16xi32>
      tpu.vector_store %arg6[%swap3A_353, %swap3A_354], %swap3A_357 {strides = array<i32>} : memref<130x128xi32, #tpu.memory_space<vmem>>, vector<1x16xi32>,
      %get3A_358 = arith.index_cast %add3A_259 : i32 to index
      %get3A_359 = arith.constant 112 : index
      %get3A_360 = tpu.vector_load %arg6[%get3A_358, %get3A_359] {strides = array<i32>} : memref<130x128xi32, #tpu.memory_space<vmem>>, vector<1x16xi32>,
      %get3A_361 = vector.shape_cast %get3A_360 : vector<1x16xi32> to vector<16xi32>
      %get3A_362 = arith.index_cast %add3A_259 : i32 to index
      %get3A_363 = arith.constant 112 : index
      %get3A_364 = tpu.vector_load %arg7[%get3A_362, %get3A_363] {strides = array<i32>} : memref<130x128xi32, #tpu.memory_space<vmem>>, vector<1x16xi32>,
      %get3A_365 = vector.shape_cast %get3A_364 : vector<1x16xi32> to vector<16xi32>
      %add3A_366 = arith.addi %get3A_361, %get3A_365 : vector<16xi32>
      %swap3A_367 = arith.index_cast %add3A_259 : i32 to index
      %swap3A_368 = arith.constant 112 : index
      %swap3A_369 = tpu.vector_load %arg6[%swap3A_367, %swap3A_368] {strides = array<i32>} : memref<130x128xi32, #tpu.memory_space<vmem>>, vector<1x16xi32>,
      %swap3A_370 = vector.shape_cast %swap3A_369 : vector<1x16xi32> to vector<16xi32>
      %swap3A_371 = vector.shape_cast %add3A_366 : vector<16xi32> to vector<1x16xi32>
      tpu.vector_store %arg6[%swap3A_367, %swap3A_368], %swap3A_371 {strides = array<i32>} : memref<130x128xi32, #tpu.memory_space<vmem>>, vector<1x16xi32>,
      %dma_start3A_372 = arith.constant 256 : i32
      %dma_start3A_373 = arith.constant 0 : i32
      %dma_start3A_374 = tpu.memref_slice %arg8[%dma_start3A_372, %dma_start3A_373] : memref<1664x32xf32, #tpu.memory_space<vmem>> -> memref<128x32xf32, #tpu.memory_space<vmem>>
      %dma_start3A_375 = arith.constant 0 : i32
      %dma_start3A_376 = tpu.memref_slice %arg6[%add3A_259, %dma_start3A_375] : memref<130x128xi32, #tpu.memory_space<vmem>> -> memref<1x128xi32, #tpu.memory_space<vmem>>
      %dma_start3A_377 = tpu.memref_squeeze %dma_start3A_376 : memref<1x128xi32, #tpu.memory_space<vmem>> -> memref<128xi32, #tpu.memory_space<vmem>>
      %dma_start3A_378 = arith.constant 0 : i32
      %dma_start3A_379 = arith.constant 0 : i32
      %dma_start3A_380 = tpu.memref_slice %arg4[%dma_start3A_378, %dma_start3A_379] : memref<2600000x32xf32, #tpu.memory_space<hbm>> -> memref<2600000x32xf32, #tpu.memory_space<hbm>>
      tpu.enqueue_indirect_dma source(%dma_start3A_380 : memref<2600000x32xf32, #tpu.memory_space<hbm>>) target(%dma_start3A_374 : memref<128x32xf32, #tpu.memory_space<vmem>>) offsets(%dma_start3A_377 : memref<128xi32, #tpu.memory_space<vmem>>) semaphore(%arg9 : memref<!tpu.dma_semaphore, #tpu.memory_space<semaphore_mem>>)
      %mul3A_381 = arith.constant 13 : i32
      %mul3A_382 = arith.muli %scan3A_8, %mul3A_381 : i32
      %add3A_383 = arith.constant 3 : i32
      %add3A_384 = arith.addi %mul3A_382, %add3A_383 : i32
      %get3A_385 = arith.index_cast %add3A_384 : i32 to index
      %get3A_386 = arith.constant 0 : index
      %get3A_387 = tpu.vector_load %arg6[%get3A_385, %get3A_386] {strides = array<i32>} : memref<130x128xi32, #tpu.memory_space<vmem>>, vector<1x16xi32>,
      %get3A_388 = vector.shape_cast %get3A_387 : vector<1x16xi32> to vector<16xi32>
      %get3A_389 = arith.index_cast %add3A_384 : i32 to index
      %get3A_390 = arith.constant 0 : index
      %get3A_391 = tpu.vector_load %arg7[%get3A_389, %get3A_390] {strides = array<i32>} : memref<130x128xi32, #tpu.memory_space<vmem>>, vector<1x16xi32>,
      %get3A_392 = vector.shape_cast %get3A_391 : vector<1x16xi32> to vector<16xi32>
      %add3A_393 = arith.addi %get3A_388, %get3A_392 : vector<16xi32>
      %swap3A_394 = arith.index_cast %add3A_384 : i32 to index
      %swap3A_395 = arith.constant 0 : index
      %swap3A_396 = tpu.vector_load %arg6[%swap3A_394, %swap3A_395] {strides = array<i32>} : memref<130x128xi32, #tpu.memory_space<vmem>>, vector<1x16xi32>,
      %swap3A_397 = vector.shape_cast %swap3A_396 : vector<1x16xi32> to vector<16xi32>
      %swap3A_398 = vector.shape_cast %add3A_393 : vector<16xi32> to vector<1x16xi32>
      tpu.vector_store %arg6[%swap3A_394, %swap3A_395], %swap3A_398 {strides = array<i32>} : memref<130x128xi32, #tpu.memory_space<vmem>>, vector<1x16xi32>,
      %get3A_399 = arith.index_cast %add3A_384 : i32 to index
      %get3A_400 = arith.constant 16 : index
      %get3A_401 = tpu.vector_load %arg6[%get3A_399, %get3A_400] {strides = array<i32>} : memref<130x128xi32, #tpu.memory_space<vmem>>, vector<1x16xi32>,
      %get3A_402 = vector.shape_cast %get3A_401 : vector<1x16xi32> to vector<16xi32>
      %get3A_403 = arith.index_cast %add3A_384 : i32 to index
      %get3A_404 = arith.constant 16 : index
      %get3A_405 = tpu.vector_load %arg7[%get3A_403, %get3A_404] {strides = array<i32>} : memref<130x128xi32, #tpu.memory_space<vmem>>, vector<1x16xi32>,
      %get3A_406 = vector.shape_cast %get3A_405 : vector<1x16xi32> to vector<16xi32>
      %add3A_407 = arith.addi %get3A_402, %get3A_406 : vector<16xi32>
      %swap3A_408 = arith.index_cast %add3A_384 : i32 to index
      %swap3A_409 = arith.constant 16 : index
      %swap3A_410 = tpu.vector_load %arg6[%swap3A_408, %swap3A_409] {strides = array<i32>} : memref<130x128xi32, #tpu.memory_space<vmem>>, vector<1x16xi32>,
      %swap3A_411 = vector.shape_cast %swap3A_410 : vector<1x16xi32> to vector<16xi32>
      %swap3A_412 = vector.shape_cast %add3A_407 : vector<16xi32> to vector<1x16xi32>
      tpu.vector_store %arg6[%swap3A_408, %swap3A_409], %swap3A_412 {strides = array<i32>} : memref<130x128xi32, #tpu.memory_space<vmem>>, vector<1x16xi32>,
      %get3A_413 = arith.index_cast %add3A_384 : i32 to index
      %get3A_414 = arith.constant 32 : index
      %get3A_415 = tpu.vector_load %arg6[%get3A_413, %get3A_414] {strides = array<i32>} : memref<130x128xi32, #tpu.memory_space<vmem>>, vector<1x16xi32>,
      %get3A_416 = vector.shape_cast %get3A_415 : vector<1x16xi32> to vector<16xi32>
      %get3A_417 = arith.index_cast %add3A_384 : i32 to index
      %get3A_418 = arith.constant 32 : index
      %get3A_419 = tpu.vector_load %arg7[%get3A_417, %get3A_418] {strides = array<i32>} : memref<130x128xi32, #tpu.memory_space<vmem>>, vector<1x16xi32>,
      %get3A_420 = vector.shape_cast %get3A_419 : vector<1x16xi32> to vector<16xi32>
      %add3A_421 = arith.addi %get3A_416, %get3A_420 : vector<16xi32>
      %swap3A_422 = arith.index_cast %add3A_384 : i32 to index
      %swap3A_423 = arith.constant 32 : index
      %swap3A_424 = tpu.vector_load %arg6[%swap3A_422, %swap3A_423] {strides = array<i32>} : memref<130x128xi32, #tpu.memory_space<vmem>>, vector<1x16xi32>,
      %swap3A_425 = vector.shape_cast %swap3A_424 : vector<1x16xi32> to vector<16xi32>
      %swap3A_426 = vector.shape_cast %add3A_421 : vector<16xi32> to vector<1x16xi32>
      tpu.vector_store %arg6[%swap3A_422, %swap3A_423], %swap3A_426 {strides = array<i32>} : memref<130x128xi32, #tpu.memory_space<vmem>>, vector<1x16xi32>,
      %get3A_427 = arith.index_cast %add3A_384 : i32 to index
      %get3A_428 = arith.constant 48 : index
      %get3A_429 = tpu.vector_load %arg6[%get3A_427, %get3A_428] {strides = array<i32>} : memref<130x128xi32, #tpu.memory_space<vmem>>, vector<1x16xi32>,
      %get3A_430 = vector.shape_cast %get3A_429 : vector<1x16xi32> to vector<16xi32>
      %get3A_431 = arith.index_cast %add3A_384 : i32 to index
      %get3A_432 = arith.constant 48 : index
      %get3A_433 = tpu.vector_load %arg7[%get3A_431, %get3A_432] {strides = array<i32>} : memref<130x128xi32, #tpu.memory_space<vmem>>, vector<1x16xi32>,
      %get3A_434 = vector.shape_cast %get3A_433 : vector<1x16xi32> to vector<16xi32>
      %add3A_435 = arith.addi %get3A_430, %get3A_434 : vector<16xi32>
      %swap3A_436 = arith.index_cast %add3A_384 : i32 to index
      %swap3A_437 = arith.constant 48 : index
      %swap3A_438 = tpu.vector_load %arg6[%swap3A_436, %swap3A_437] {strides = array<i32>} : memref<130x128xi32, #tpu.memory_space<vmem>>, vector<1x16xi32>,
      %swap3A_439 = vector.shape_cast %swap3A_438 : vector<1x16xi32> to vector<16xi32>
      %swap3A_440 = vector.shape_cast %add3A_435 : vector<16xi32> to vector<1x16xi32>
      tpu.vector_store %arg6[%swap3A_436, %swap3A_437], %swap3A_440 {strides = array<i32>} : memref<130x128xi32, #tpu.memory_space<vmem>>, vector<1x16xi32>,
      %get3A_441 = arith.index_cast %add3A_384 : i32 to index
      %get3A_442 = arith.constant 64 : index
      %get3A_443 = tpu.vector_load %arg6[%get3A_441, %get3A_442] {strides = array<i32>} : memref<130x128xi32, #tpu.memory_space<vmem>>, vector<1x16xi32>,
      %get3A_444 = vector.shape_cast %get3A_443 : vector<1x16xi32> to vector<16xi32>
      %get3A_445 = arith.index_cast %add3A_384 : i32 to index
      %get3A_446 = arith.constant 64 : index
      %get3A_447 = tpu.vector_load %arg7[%get3A_445, %get3A_446] {strides = array<i32>} : memref<130x128xi32, #tpu.memory_space<vmem>>, vector<1x16xi32>,
      %get3A_448 = vector.shape_cast %get3A_447 : vector<1x16xi32> to vector<16xi32>
      %add3A_449 = arith.addi %get3A_444, %get3A_448 : vector<16xi32>
      %swap3A_450 = arith.index_cast %add3A_384 : i32 to index
      %swap3A_451 = arith.constant 64 : index
      %swap3A_452 = tpu.vector_load %arg6[%swap3A_450, %swap3A_451] {strides = array<i32>} : memref<130x128xi32, #tpu.memory_space<vmem>>, vector<1x16xi32>,
      %swap3A_453 = vector.shape_cast %swap3A_452 : vector<1x16xi32> to vector<16xi32>
      %swap3A_454 = vector.shape_cast %add3A_449 : vector<16xi32> to vector<1x16xi32>
      tpu.vector_store %arg6[%swap3A_450, %swap3A_451], %swap3A_454 {strides = array<i32>} : memref<130x128xi32, #tpu.memory_space<vmem>>, vector<1x16xi32>,
      %get3A_455 = arith.index_cast %add3A_384 : i32 to index
      %get3A_456 = arith.constant 80 : index
      %get3A_457 = tpu.vector_load %arg6[%get3A_455, %get3A_456] {strides = array<i32>} : memref<130x128xi32, #tpu.memory_space<vmem>>, vector<1x16xi32>,
      %get3A_458 = vector.shape_cast %get3A_457 : vector<1x16xi32> to vector<16xi32>
      %get3A_459 = arith.index_cast %add3A_384 : i32 to index
      %get3A_460 = arith.constant 80 : index
      %get3A_461 = tpu.vector_load %arg7[%get3A_459, %get3A_460] {strides = array<i32>} : memref<130x128xi32, #tpu.memory_space<vmem>>, vector<1x16xi32>,
      %get3A_462 = vector.shape_cast %get3A_461 : vector<1x16xi32> to vector<16xi32>
      %add3A_463 = arith.addi %get3A_458, %get3A_462 : vector<16xi32>
      %swap3A_464 = arith.index_cast %add3A_384 : i32 to index
      %swap3A_465 = arith.constant 80 : index
      %swap3A_466 = tpu.vector_load %arg6[%swap3A_464, %swap3A_465] {strides = array<i32>} : memref<130x128xi32, #tpu.memory_space<vmem>>, vector<1x16xi32>,
      %swap3A_467 = vector.shape_cast %swap3A_466 : vector<1x16xi32> to vector<16xi32>
      %swap3A_468 = vector.shape_cast %add3A_463 : vector<16xi32> to vector<1x16xi32>
      tpu.vector_store %arg6[%swap3A_464, %swap3A_465], %swap3A_468 {strides = array<i32>} : memref<130x128xi32, #tpu.memory_space<vmem>>, vector<1x16xi32>,
      %get3A_469 = arith.index_cast %add3A_384 : i32 to index
      %get3A_470 = arith.constant 96 : index
      %get3A_471 = tpu.vector_load %arg6[%get3A_469, %get3A_470] {strides = array<i32>} : memref<130x128xi32, #tpu.memory_space<vmem>>, vector<1x16xi32>,
      %get3A_472 = vector.shape_cast %get3A_471 : vector<1x16xi32> to vector<16xi32>
      %get3A_473 = arith.index_cast %add3A_384 : i32 to index
      %get3A_474 = arith.constant 96 : index
      %get3A_475 = tpu.vector_load %arg7[%get3A_473, %get3A_474] {strides = array<i32>} : memref<130x128xi32, #tpu.memory_space<vmem>>, vector<1x16xi32>,
      %get3A_476 = vector.shape_cast %get3A_475 : vector<1x16xi32> to vector<16xi32>
      %add3A_477 = arith.addi %get3A_472, %get3A_476 : vector<16xi32>
      %swap3A_478 = arith.index_cast %add3A_384 : i32 to index
      %swap3A_479 = arith.constant 96 : index
      %swap3A_480 = tpu.vector_load %arg6[%swap3A_478, %swap3A_479] {strides = array<i32>} : memref<130x128xi32, #tpu.memory_space<vmem>>, vector<1x16xi32>,
      %swap3A_481 = vector.shape_cast %swap3A_480 : vector<1x16xi32> to vector<16xi32>
      %swap3A_482 = vector.shape_cast %add3A_477 : vector<16xi32> to vector<1x16xi32>
      tpu.vector_store %arg6[%swap3A_478, %swap3A_479], %swap3A_482 {strides = array<i32>} : memref<130x128xi32, #tpu.memory_space<vmem>>, vector<1x16xi32>,
      %get3A_483 = arith.index_cast %add3A_384 : i32 to index
      %get3A_484 = arith.constant 112 : index
      %get3A_485 = tpu.vector_load %arg6[%get3A_483, %get3A_484] {strides = array<i32>} : memref<130x128xi32, #tpu.memory_space<vmem>>, vector<1x16xi32>,
      %get3A_486 = vector.shape_cast %get3A_485 : vector<1x16xi32> to vector<16xi32>
      %get3A_487 = arith.index_cast %add3A_384 : i32 to index
      %get3A_488 = arith.constant 112 : index
      %get3A_489 = tpu.vector_load %arg7[%get3A_487, %get3A_488] {strides = array<i32>} : memref<130x128xi32, #tpu.memory_space<vmem>>, vector<1x16xi32>,
      %get3A_490 = vector.shape_cast %get3A_489 : vector<1x16xi32> to vector<16xi32>
      %add3A_491 = arith.addi %get3A_486, %get3A_490 : vector<16xi32>
      %swap3A_492 = arith.index_cast %add3A_384 : i32 to index
      %swap3A_493 = arith.constant 112 : index
      %swap3A_494 = tpu.vector_load %arg6[%swap3A_492, %swap3A_493] {strides = array<i32>} : memref<130x128xi32, #tpu.memory_space<vmem>>, vector<1x16xi32>,
      %swap3A_495 = vector.shape_cast %swap3A_494 : vector<1x16xi32> to vector<16xi32>
      %swap3A_496 = vector.shape_cast %add3A_491 : vector<16xi32> to vector<1x16xi32>
      tpu.vector_store %arg6[%swap3A_492, %swap3A_493], %swap3A_496 {strides = array<i32>} : memref<130x128xi32, #tpu.memory_space<vmem>>, vector<1x16xi32>,
      %dma_start3A_497 = arith.constant 384 : i32
      %dma_start3A_498 = arith.constant 0 : i32
      %dma_start3A_499 = tpu.memref_slice %arg8[%dma_start3A_497, %dma_start3A_498] : memref<1664x32xf32, #tpu.memory_space<vmem>> -> memref<128x32xf32, #tpu.memory_space<vmem>>
      %dma_start3A_500 = arith.constant 0 : i32
      %dma_start3A_501 = tpu.memref_slice %arg6[%add3A_384, %dma_start3A_500] : memref<130x128xi32, #tpu.memory_space<vmem>> -> memref<1x128xi32, #tpu.memory_space<vmem>>
      %dma_start3A_502 = tpu.memref_squeeze %dma_start3A_501 : memref<1x128xi32, #tpu.memory_space<vmem>> -> memref<128xi32, #tpu.memory_space<vmem>>
      %dma_start3A_503 = arith.constant 0 : i32
      %dma_start3A_504 = arith.constant 0 : i32
      %dma_start3A_505 = tpu.memref_slice %arg4[%dma_start3A_503, %dma_start3A_504] : memref<2600000x32xf32, #tpu.memory_space<hbm>> -> memref<2600000x32xf32, #tpu.memory_space<hbm>>
      tpu.enqueue_indirect_dma source(%dma_start3A_505 : memref<2600000x32xf32, #tpu.memory_space<hbm>>) target(%dma_start3A_499 : memref<128x32xf32, #tpu.memory_space<vmem>>) offsets(%dma_start3A_502 : memref<128xi32, #tpu.memory_space<vmem>>) semaphore(%arg9 : memref<!tpu.dma_semaphore, #tpu.memory_space<semaphore_mem>>)
      %mul3A_506 = arith.constant 13 : i32
      %mul3A_507 = arith.muli %scan3A_8, %mul3A_506 : i32
      %add3A_508 = arith.constant 4 : i32
      %add3A_509 = arith.addi %mul3A_507, %add3A_508 : i32
      %get3A_510 = arith.index_cast %add3A_509 : i32 to index
      %get3A_511 = arith.constant 0 : index
      %get3A_512 = tpu.vector_load %arg6[%get3A_510, %get3A_511] {strides = array<i32>} : memref<130x128xi32, #tpu.memory_space<vmem>>, vector<1x16xi32>,
      %get3A_513 = vector.shape_cast %get3A_512 : vector<1x16xi32> to vector<16xi32>
      %get3A_514 = arith.index_cast %add3A_509 : i32 to index
      %get3A_515 = arith.constant 0 : index
      %get3A_516 = tpu.vector_load %arg7[%get3A_514, %get3A_515] {strides = array<i32>} : memref<130x128xi32, #tpu.memory_space<vmem>>, vector<1x16xi32>,
      %get3A_517 = vector.shape_cast %get3A_516 : vector<1x16xi32> to vector<16xi32>
      %add3A_518 = arith.addi %get3A_513, %get3A_517 : vector<16xi32>
      %swap3A_519 = arith.index_cast %add3A_509 : i32 to index
      %swap3A_520 = arith.constant 0 : index
      %swap3A_521 = tpu.vector_load %arg6[%swap3A_519, %swap3A_520] {strides = array<i32>} : memref<130x128xi32, #tpu.memory_space<vmem>>, vector<1x16xi32>,
      %swap3A_522 = vector.shape_cast %swap3A_521 : vector<1x16xi32> to vector<16xi32>
      %swap3A_523 = vector.shape_cast %add3A_518 : vector<16xi32> to vector<1x16xi32>
      tpu.vector_store %arg6[%swap3A_519, %swap3A_520], %swap3A_523 {strides = array<i32>} : memref<130x128xi32, #tpu.memory_space<vmem>>, vector<1x16xi32>,
      %get3A_524 = arith.index_cast %add3A_509 : i32 to index
      %get3A_525 = arith.constant 16 : index
      %get3A_526 = tpu.vector_load %arg6[%get3A_524, %get3A_525] {strides = array<i32>} : memref<130x128xi32, #tpu.memory_space<vmem>>, vector<1x16xi32>,
      %get3A_527 = vector.shape_cast %get3A_526 : vector<1x16xi32> to vector<16xi32>
      %get3A_528 = arith.index_cast %add3A_509 : i32 to index
      %get3A_529 = arith.constant 16 : index
      %get3A_530 = tpu.vector_load %arg7[%get3A_528, %get3A_529] {strides = array<i32>} : memref<130x128xi32, #tpu.memory_space<vmem>>, vector<1x16xi32>,
      %get3A_531 = vector.shape_cast %get3A_530 : vector<1x16xi32> to vector<16xi32>
      %add3A_532 = arith.addi %get3A_527, %get3A_531 : vector<16xi32>
      %swap3A_533 = arith.index_cast %add3A_509 : i32 to index
      %swap3A_534 = arith.constant 16 : index
      %swap3A_535 = tpu.vector_load %arg6[%swap3A_533, %swap3A_534] {strides = array<i32>} : memref<130x128xi32, #tpu.memory_space<vmem>>, vector<1x16xi32>,
      %swap3A_536 = vector.shape_cast %swap3A_535 : vector<1x16xi32> to vector<16xi32>
      %swap3A_537 = vector.shape_cast %add3A_532 : vector<16xi32> to vector<1x16xi32>
      tpu.vector_store %arg6[%swap3A_533, %swap3A_534], %swap3A_537 {strides = array<i32>} : memref<130x128xi32, #tpu.memory_space<vmem>>, vector<1x16xi32>,
      %get3A_538 = arith.index_cast %add3A_509 : i32 to index
      %get3A_539 = arith.constant 32 : index
      %get3A_540 = tpu.vector_load %arg6[%get3A_538, %get3A_539] {strides = array<i32>} : memref<130x128xi32, #tpu.memory_space<vmem>>, vector<1x16xi32>,
      %get3A_541 = vector.shape_cast %get3A_540 : vector<1x16xi32> to vector<16xi32>
      %get3A_542 = arith.index_cast %add3A_509 : i32 to index
      %get3A_543 = arith.constant 32 : index
      %get3A_544 = tpu.vector_load %arg7[%get3A_542, %get3A_543] {strides = array<i32>} : memref<130x128xi32, #tpu.memory_space<vmem>>, vector<1x16xi32>,
      %get3A_545 = vector.shape_cast %get3A_544 : vector<1x16xi32> to vector<16xi32>
      %add3A_546 = arith.addi %get3A_541, %get3A_545 : vector<16xi32>
      %swap3A_547 = arith.index_cast %add3A_509 : i32 to index
      %swap3A_548 = arith.constant 32 : index
      %swap3A_549 = tpu.vector_load %arg6[%swap3A_547, %swap3A_548] {strides = array<i32>} : memref<130x128xi32, #tpu.memory_space<vmem>>, vector<1x16xi32>,
      %swap3A_550 = vector.shape_cast %swap3A_549 : vector<1x16xi32> to vector<16xi32>
      %swap3A_551 = vector.shape_cast %add3A_546 : vector<16xi32> to vector<1x16xi32>
      tpu.vector_store %arg6[%swap3A_547, %swap3A_548], %swap3A_551 {strides = array<i32>} : memref<130x128xi32, #tpu.memory_space<vmem>>, vector<1x16xi32>,
      %get3A_552 = arith.index_cast %add3A_509 : i32 to index
      %get3A_553 = arith.constant 48 : index
      %get3A_554 = tpu.vector_load %arg6[%get3A_552, %get3A_553] {strides = array<i32>} : memref<130x128xi32, #tpu.memory_space<vmem>>, vector<1x16xi32>,
      %get3A_555 = vector.shape_cast %get3A_554 : vector<1x16xi32> to vector<16xi32>
      %get3A_556 = arith.index_cast %add3A_509 : i32 to index
      %get3A_557 = arith.constant 48 : index
      %get3A_558 = tpu.vector_load %arg7[%get3A_556, %get3A_557] {strides = array<i32>} : memref<130x128xi32, #tpu.memory_space<vmem>>, vector<1x16xi32>,
      %get3A_559 = vector.shape_cast %get3A_558 : vector<1x16xi32> to vector<16xi32>
      %add3A_560 = arith.addi %get3A_555, %get3A_559 : vector<16xi32>
      %swap3A_561 = arith.index_cast %add3A_509 : i32 to index
      %swap3A_562 = arith.constant 48 : index
      %swap3A_563 = tpu.vector_load %arg6[%swap3A_561, %swap3A_562] {strides = array<i32>} : memref<130x128xi32, #tpu.memory_space<vmem>>, vector<1x16xi32>,
      %swap3A_564 = vector.shape_cast %swap3A_563 : vector<1x16xi32> to vector<16xi32>
      %swap3A_565 = vector.shape_cast %add3A_560 : vector<16xi32> to vector<1x16xi32>
      tpu.vector_store %arg6[%swap3A_561, %swap3A_562], %swap3A_565 {strides = array<i32>} : memref<130x128xi32, #tpu.memory_space<vmem>>, vector<1x16xi32>,
      %get3A_566 = arith.index_cast %add3A_509 : i32 to index
      %get3A_567 = arith.constant 64 : index
      %get3A_568 = tpu.vector_load %arg6[%get3A_566, %get3A_567] {strides = array<i32>} : memref<130x128xi32, #tpu.memory_space<vmem>>, vector<1x16xi32>,
      %get3A_569 = vector.shape_cast %get3A_568 : vector<1x16xi32> to vector<16xi32>
      %get3A_570 = arith.index_cast %add3A_509 : i32 to index
      %get3A_571 = arith.constant 64 : index
      %get3A_572 = tpu.vector_load %arg7[%get3A_570, %get3A_571] {strides = array<i32>} : memref<130x128xi32, #tpu.memory_space<vmem>>, vector<1x16xi32>,
      %get3A_573 = vector.shape_cast %get3A_572 : vector<1x16xi32> to vector<16xi32>
      %add3A_574 = arith.addi %get3A_569, %get3A_573 : vector<16xi32>
      %swap3A_575 = arith.index_cast %add3A_509 : i32 to index
      %swap3A_576 = arith.constant 64 : index
      %swap3A_577 = tpu.vector_load %arg6[%swap3A_575, %swap3A_576] {strides = array<i32>} : memref<130x128xi32, #tpu.memory_space<vmem>>, vector<1x16xi32>,
      %swap3A_578 = vector.shape_cast %swap3A_577 : vector<1x16xi32> to vector<16xi32>
      %swap3A_579 = vector.shape_cast %add3A_574 : vector<16xi32> to vector<1x16xi32>
      tpu.vector_store %arg6[%swap3A_575, %swap3A_576], %swap3A_579 {strides = array<i32>} : memref<130x128xi32, #tpu.memory_space<vmem>>, vector<1x16xi32>,
      %get3A_580 = arith.index_cast %add3A_509 : i32 to index
      %get3A_581 = arith.constant 80 : index
      %get3A_582 = tpu.vector_load %arg6[%get3A_580, %get3A_581] {strides = array<i32>} : memref<130x128xi32, #tpu.memory_space<vmem>>, vector<1x16xi32>,
      %get3A_583 = vector.shape_cast %get3A_582 : vector<1x16xi32> to vector<16xi32>
      %get3A_584 = arith.index_cast %add3A_509 : i32 to index
      %get3A_585 = arith.constant 80 : index
      %get3A_586 = tpu.vector_load %arg7[%get3A_584, %get3A_585] {strides = array<i32>} : memref<130x128xi32, #tpu.memory_space<vmem>>, vector<1x16xi32>,
      %get3A_587 = vector.shape_cast %get3A_586 : vector<1x16xi32> to vector<16xi32>
      %add3A_588 = arith.addi %get3A_583, %get3A_587 : vector<16xi32>
      %swap3A_589 = arith.index_cast %add3A_509 : i32 to index
      %swap3A_590 = arith.constant 80 : index
      %swap3A_591 = tpu.vector_load %arg6[%swap3A_589, %swap3A_590] {strides = array<i32>} : memref<130x128xi32, #tpu.memory_space<vmem>>, vector<1x16xi32>,
      %swap3A_592 = vector.shape_cast %swap3A_591 : vector<1x16xi32> to vector<16xi32>
      %swap3A_593 = vector.shape_cast %add3A_588 : vector<16xi32> to vector<1x16xi32>
      tpu.vector_store %arg6[%swap3A_589, %swap3A_590], %swap3A_593 {strides = array<i32>} : memref<130x128xi32, #tpu.memory_space<vmem>>, vector<1x16xi32>,
      %get3A_594 = arith.index_cast %add3A_509 : i32 to index
      %get3A_595 = arith.constant 96 : index
      %get3A_596 = tpu.vector_load %arg6[%get3A_594, %get3A_595] {strides = array<i32>} : memref<130x128xi32, #tpu.memory_space<vmem>>, vector<1x16xi32>,
      %get3A_597 = vector.shape_cast %get3A_596 : vector<1x16xi32> to vector<16xi32>
      %get3A_598 = arith.index_cast %add3A_509 : i32 to index
      %get3A_599 = arith.constant 96 : index
      %get3A_600 = tpu.vector_load %arg7[%get3A_598, %get3A_599] {strides = array<i32>} : memref<130x128xi32, #tpu.memory_space<vmem>>, vector<1x16xi32>,
      %get3A_601 = vector.shape_cast %get3A_600 : vector<1x16xi32> to vector<16xi32>
      %add3A_602 = arith.addi %get3A_597, %get3A_601 : vector<16xi32>
      %swap3A_603 = arith.index_cast %add3A_509 : i32 to index
      %swap3A_604 = arith.constant 96 : index
      %swap3A_605 = tpu.vector_load %arg6[%swap3A_603, %swap3A_604] {strides = array<i32>} : memref<130x128xi32, #tpu.memory_space<vmem>>, vector<1x16xi32>,
      %swap3A_606 = vector.shape_cast %swap3A_605 : vector<1x16xi32> to vector<16xi32>
      %swap3A_607 = vector.shape_cast %add3A_602 : vector<16xi32> to vector<1x16xi32>
      tpu.vector_store %arg6[%swap3A_603, %swap3A_604], %swap3A_607 {strides = array<i32>} : memref<130x128xi32, #tpu.memory_space<vmem>>, vector<1x16xi32>,
      %get3A_608 = arith.index_cast %add3A_509 : i32 to index
      %get3A_609 = arith.constant 112 : index
      %get3A_610 = tpu.vector_load %arg6[%get3A_608, %get3A_609] {strides = array<i32>} : memref<130x128xi32, #tpu.memory_space<vmem>>, vector<1x16xi32>,
      %get3A_611 = vector.shape_cast %get3A_610 : vector<1x16xi32> to vector<16xi32>
      %get3A_612 = arith.index_cast %add3A_509 : i32 to index
      %get3A_613 = arith.constant 112 : index
      %get3A_614 = tpu.vector_load %arg7[%get3A_612, %get3A_613] {strides = array<i32>} : memref<130x128xi32, #tpu.memory_space<vmem>>, vector<1x16xi32>,
      %get3A_615 = vector.shape_cast %get3A_614 : vector<1x16xi32> to vector<16xi32>
      %add3A_616 = arith.addi %get3A_611, %get3A_615 : vector<16xi32>
      %swap3A_617 = arith.index_cast %add3A_509 : i32 to index
      %swap3A_618 = arith.constant 112 : index
      %swap3A_619 = tpu.vector_load %arg6[%swap3A_617, %swap3A_618] {strides = array<i32>} : memref<130x128xi32, #tpu.memory_space<vmem>>, vector<1x16xi32>,
      %swap3A_620 = vector.shape_cast %swap3A_619 : vector<1x16xi32> to vector<16xi32>
      %swap3A_621 = vector.shape_cast %add3A_616 : vector<16xi32> to vector<1x16xi32>
      tpu.vector_store %arg6[%swap3A_617, %swap3A_618], %swap3A_621 {strides = array<i32>} : memref<130x128xi32, #tpu.memory_space<vmem>>, vector<1x16xi32>,
      %dma_start3A_622 = arith.constant 512 : i32
      %dma_start3A_623 = arith.constant 0 : i32
      %dma_start3A_624 = tpu.memref_slice %arg8[%dma_start3A_622, %dma_start3A_623] : memref<1664x32xf32, #tpu.memory_space<vmem>> -> memref<128x32xf32, #tpu.memory_space<vmem>>
      %dma_start3A_625 = arith.constant 0 : i32
      %dma_start3A_626 = tpu.memref_slice %arg6[%add3A_509, %dma_start3A_625] : memref<130x128xi32, #tpu.memory_space<vmem>> -> memref<1x128xi32, #tpu.memory_space<vmem>>
      %dma_start3A_627 = tpu.memref_squeeze %dma_start3A_626 : memref<1x128xi32, #tpu.memory_space<vmem>> -> memref<128xi32, #tpu.memory_space<vmem>>
      %dma_start3A_628 = arith.constant 0 : i32
      %dma_start3A_629 = arith.constant 0 : i32
      %dma_start3A_630 = tpu.memref_slice %arg4[%dma_start3A_628, %dma_start3A_629] : memref<2600000x32xf32, #tpu.memory_space<hbm>> -> memref<2600000x32xf32, #tpu.memory_space<hbm>>
      tpu.enqueue_indirect_dma source(%dma_start3A_630 : memref<2600000x32xf32, #tpu.memory_space<hbm>>) target(%dma_start3A_624 : memref<128x32xf32, #tpu.memory_space<vmem>>) offsets(%dma_start3A_627 : memref<128xi32, #tpu.memory_space<vmem>>) semaphore(%arg9 : memref<!tpu.dma_semaphore, #tpu.memory_space<semaphore_mem>>)
      %mul3A_631 = arith.constant 13 : i32
      %mul3A_632 = arith.muli %scan3A_8, %mul3A_631 : i32
      %add3A_633 = arith.constant 5 : i32
      %add3A_634 = arith.addi %mul3A_632, %add3A_633 : i32
      %get3A_635 = arith.index_cast %add3A_634 : i32 to index
      %get3A_636 = arith.constant 0 : index
      %get3A_637 = tpu.vector_load %arg6[%get3A_635, %get3A_636] {strides = array<i32>} : memref<130x128xi32, #tpu.memory_space<vmem>>, vector<1x16xi32>,
      %get3A_638 = vector.shape_cast %get3A_637 : vector<1x16xi32> to vector<16xi32>
      %get3A_639 = arith.index_cast %add3A_634 : i32 to index
      %get3A_640 = arith.constant 0 : index
      %get3A_641 = tpu.vector_load %arg7[%get3A_639, %get3A_640] {strides = array<i32>} : memref<130x128xi32, #tpu.memory_space<vmem>>, vector<1x16xi32>,
      %get3A_642 = vector.shape_cast %get3A_641 : vector<1x16xi32> to vector<16xi32>
      %add3A_643 = arith.addi %get3A_638, %get3A_642 : vector<16xi32>
      %swap3A_644 = arith.index_cast %add3A_634 : i32 to index
      %swap3A_645 = arith.constant 0 : index
      %swap3A_646 = tpu.vector_load %arg6[%swap3A_644, %swap3A_645] {strides = array<i32>} : memref<130x128xi32, #tpu.memory_space<vmem>>, vector<1x16xi32>,
      %swap3A_647 = vector.shape_cast %swap3A_646 : vector<1x16xi32> to vector<16xi32>
      %swap3A_648 = vector.shape_cast %add3A_643 : vector<16xi32> to vector<1x16xi32>
      tpu.vector_store %arg6[%swap3A_644, %swap3A_645], %swap3A_648 {strides = array<i32>} : memref<130x128xi32, #tpu.memory_space<vmem>>, vector<1x16xi32>,
      %get3A_649 = arith.index_cast %add3A_634 : i32 to index
      %get3A_650 = arith.constant 16 : index
      %get3A_651 = tpu.vector_load %arg6[%get3A_649, %get3A_650] {strides = array<i32>} : memref<130x128xi32, #tpu.memory_space<vmem>>, vector<1x16xi32>,
      %get3A_652 = vector.shape_cast %get3A_651 : vector<1x16xi32> to vector<16xi32>
      %get3A_653 = arith.index_cast %add3A_634 : i32 to index
      %get3A_654 = arith.constant 16 : index
      %get3A_655 = tpu.vector_load %arg7[%get3A_653, %get3A_654] {strides = array<i32>} : memref<130x128xi32, #tpu.memory_space<vmem>>, vector<1x16xi32>,
      %get3A_656 = vector.shape_cast %get3A_655 : vector<1x16xi32> to vector<16xi32>
      %add3A_657 = arith.addi %get3A_652, %get3A_656 : vector<16xi32>
      %swap3A_658 = arith.index_cast %add3A_634 : i32 to index
      %swap3A_659 = arith.constant 16 : index
      %swap3A_660 = tpu.vector_load %arg6[%swap3A_658, %swap3A_659] {strides = array<i32>} : memref<130x128xi32, #tpu.memory_space<vmem>>, vector<1x16xi32>,
      %swap3A_661 = vector.shape_cast %swap3A_660 : vector<1x16xi32> to vector<16xi32>
      %swap3A_662 = vector.shape_cast %add3A_657 : vector<16xi32> to vector<1x16xi32>
      tpu.vector_store %arg6[%swap3A_658, %swap3A_659], %swap3A_662 {strides = array<i32>} : memref<130x128xi32, #tpu.memory_space<vmem>>, vector<1x16xi32>,
      %get3A_663 = arith.index_cast %add3A_634 : i32 to index
      %get3A_664 = arith.constant 32 : index
      %get3A_665 = tpu.vector_load %arg6[%get3A_663, %get3A_664] {strides = array<i32>} : memref<130x128xi32, #tpu.memory_space<vmem>>, vector<1x16xi32>,
      %get3A_666 = vector.shape_cast %get3A_665 : vector<1x16xi32> to vector<16xi32>
      %get3A_667 = arith.index_cast %add3A_634 : i32 to index
      %get3A_668 = arith.constant 32 : index
      %get3A_669 = tpu.vector_load %arg7[%get3A_667, %get3A_668] {strides = array<i32>} : memref<130x128xi32, #tpu.memory_space<vmem>>, vector<1x16xi32>,
      %get3A_670 = vector.shape_cast %get3A_669 : vector<1x16xi32> to vector<16xi32>
      %add3A_671 = arith.addi %get3A_666, %get3A_670 : vector<16xi32>
      %swap3A_672 = arith.index_cast %add3A_634 : i32 to index
      %swap3A_673 = arith.constant 32 : index
      %swap3A_674 = tpu.vector_load %arg6[%swap3A_672, %swap3A_673] {strides = array<i32>} : memref<130x128xi32, #tpu.memory_space<vmem>>, vector<1x16xi32>,
      %swap3A_675 = vector.shape_cast %swap3A_674 : vector<1x16xi32> to vector<16xi32>
      %swap3A_676 = vector.shape_cast %add3A_671 : vector<16xi32> to vector<1x16xi32>
      tpu.vector_store %arg6[%swap3A_672, %swap3A_673], %swap3A_676 {strides = array<i32>} : memref<130x128xi32, #tpu.memory_space<vmem>>, vector<1x16xi32>,
      %get3A_677 = arith.index_cast %add3A_634 : i32 to index
      %get3A_678 = arith.constant 48 : index
      %get3A_679 = tpu.vector_load %arg6[%get3A_677, %get3A_678] {strides = array<i32>} : memref<130x128xi32, #tpu.memory_space<vmem>>, vector<1x16xi32>,
      %get3A_680 = vector.shape_cast %get3A_679 : vector<1x16xi32> to vector<16xi32>
      %get3A_681 = arith.index_cast %add3A_634 : i32 to index
      %get3A_682 = arith.constant 48 : index
      %get3A_683 = tpu.vector_load %arg7[%get3A_681, %get3A_682] {strides = array<i32>} : memref<130x128xi32, #tpu.memory_space<vmem>>, vector<1x16xi32>,
      %get3A_684 = vector.shape_cast %get3A_683 : vector<1x16xi32> to vector<16xi32>
      %add3A_685 = arith.addi %get3A_680, %get3A_684 : vector<16xi32>
      %swap3A_686 = arith.index_cast %add3A_634 : i32 to index
      %swap3A_687 = arith.constant 48 : index
      %swap3A_688 = tpu.vector_load %arg6[%swap3A_686, %swap3A_687] {strides = array<i32>} : memref<130x128xi32, #tpu.memory_space<vmem>>, vector<1x16xi32>,
      %swap3A_689 = vector.shape_cast %swap3A_688 : vector<1x16xi32> to vector<16xi32>
      %swap3A_690 = vector.shape_cast %add3A_685 : vector<16xi32> to vector<1x16xi32>
      tpu.vector_store %arg6[%swap3A_686, %swap3A_687], %swap3A_690 {strides = array<i32>} : memref<130x128xi32, #tpu.memory_space<vmem>>, vector<1x16xi32>,
      %get3A_691 = arith.index_cast %add3A_634 : i32 to index
      %get3A_692 = arith.constant 64 : index
      %get3A_693 = tpu.vector_load %arg6[%get3A_691, %get3A_692] {strides = array<i32>} : memref<130x128xi32, #tpu.memory_space<vmem>>, vector<1x16xi32>,
      %get3A_694 = vector.shape_cast %get3A_693 : vector<1x16xi32> to vector<16xi32>
      %get3A_695 = arith.index_cast %add3A_634 : i32 to index
      %get3A_696 = arith.constant 64 : index
      %get3A_697 = tpu.vector_load %arg7[%get3A_695, %get3A_696] {strides = array<i32>} : memref<130x128xi32, #tpu.memory_space<vmem>>, vector<1x16xi32>,
      %get3A_698 = vector.shape_cast %get3A_697 : vector<1x16xi32> to vector<16xi32>
      %add3A_699 = arith.addi %get3A_694, %get3A_698 : vector<16xi32>
      %swap3A_700 = arith.index_cast %add3A_634 : i32 to index
      %swap3A_701 = arith.constant 64 : index
      %swap3A_702 = tpu.vector_load %arg6[%swap3A_700, %swap3A_701] {strides = array<i32>} : memref<130x128xi32, #tpu.memory_space<vmem>>, vector<1x16xi32>,
      %swap3A_703 = vector.shape_cast %swap3A_702 : vector<1x16xi32> to vector<16xi32>
      %swap3A_704 = vector.shape_cast %add3A_699 : vector<16xi32> to vector<1x16xi32>
      tpu.vector_store %arg6[%swap3A_700, %swap3A_701], %swap3A_704 {strides = array<i32>} : memref<130x128xi32, #tpu.memory_space<vmem>>, vector<1x16xi32>,
      %get3A_705 = arith.index_cast %add3A_634 : i32 to index
      %get3A_706 = arith.constant 80 : index
      %get3A_707 = tpu.vector_load %arg6[%get3A_705, %get3A_706] {strides = array<i32>} : memref<130x128xi32, #tpu.memory_space<vmem>>, vector<1x16xi32>,
      %get3A_708 = vector.shape_cast %get3A_707 : vector<1x16xi32> to vector<16xi32>
      %get3A_709 = arith.index_cast %add3A_634 : i32 to index
      %get3A_710 = arith.constant 80 : index
      %get3A_711 = tpu.vector_load %arg7[%get3A_709, %get3A_710] {strides = array<i32>} : memref<130x128xi32, #tpu.memory_space<vmem>>, vector<1x16xi32>,
      %get3A_712 = vector.shape_cast %get3A_711 : vector<1x16xi32> to vector<16xi32>
      %add3A_713 = arith.addi %get3A_708, %get3A_712 : vector<16xi32>
      %swap3A_714 = arith.index_cast %add3A_634 : i32 to index
      %swap3A_715 = arith.constant 80 : index
      %swap3A_716 = tpu.vector_load %arg6[%swap3A_714, %swap3A_715] {strides = array<i32>} : memref<130x128xi32, #tpu.memory_space<vmem>>, vector<1x16xi32>,
      %swap3A_717 = vector.shape_cast %swap3A_716 : vector<1x16xi32> to vector<16xi32>
      %swap3A_718 = vector.shape_cast %add3A_713 : vector<16xi32> to vector<1x16xi32>
      tpu.vector_store %arg6[%swap3A_714, %swap3A_715], %swap3A_718 {strides = array<i32>} : memref<130x128xi32, #tpu.memory_space<vmem>>, vector<1x16xi32>,
      %get3A_719 = arith.index_cast %add3A_634 : i32 to index
      %get3A_720 = arith.constant 96 : index
      %get3A_721 = tpu.vector_load %arg6[%get3A_719, %get3A_720] {strides = array<i32>} : memref<130x128xi32, #tpu.memory_space<vmem>>, vector<1x16xi32>,
      %get3A_722 = vector.shape_cast %get3A_721 : vector<1x16xi32> to vector<16xi32>
      %get3A_723 = arith.index_cast %add3A_634 : i32 to index
      %get3A_724 = arith.constant 96 : index
      %get3A_725 = tpu.vector_load %arg7[%get3A_723, %get3A_724] {strides = array<i32>} : memref<130x128xi32, #tpu.memory_space<vmem>>, vector<1x16xi32>,
      %get3A_726 = vector.shape_cast %get3A_725 : vector<1x16xi32> to vector<16xi32>
      %add3A_727 = arith.addi %get3A_722, %get3A_726 : vector<16xi32>
      %swap3A_728 = arith.index_cast %add3A_634 : i32 to index
      %swap3A_729 = arith.constant 96 : index
      %swap3A_730 = tpu.vector_load %arg6[%swap3A_728, %swap3A_729] {strides = array<i32>} : memref<130x128xi32, #tpu.memory_space<vmem>>, vector<1x16xi32>,
      %swap3A_731 = vector.shape_cast %swap3A_730 : vector<1x16xi32> to vector<16xi32>
      %swap3A_732 = vector.shape_cast %add3A_727 : vector<16xi32> to vector<1x16xi32>
      tpu.vector_store %arg6[%swap3A_728, %swap3A_729], %swap3A_732 {strides = array<i32>} : memref<130x128xi32, #tpu.memory_space<vmem>>, vector<1x16xi32>,
      %get3A_733 = arith.index_cast %add3A_634 : i32 to index
      %get3A_734 = arith.constant 112 : index
      %get3A_735 = tpu.vector_load %arg6[%get3A_733, %get3A_734] {strides = array<i32>} : memref<130x128xi32, #tpu.memory_space<vmem>>, vector<1x16xi32>,
      %get3A_736 = vector.shape_cast %get3A_735 : vector<1x16xi32> to vector<16xi32>
      %get3A_737 = arith.index_cast %add3A_634 : i32 to index
      %get3A_738 = arith.constant 112 : index
      %get3A_739 = tpu.vector_load %arg7[%get3A_737, %get3A_738] {strides = array<i32>} : memref<130x128xi32, #tpu.memory_space<vmem>>, vector<1x16xi32>,
      %get3A_740 = vector.shape_cast %get3A_739 : vector<1x16xi32> to vector<16xi32>
      %add3A_741 = arith.addi %get3A_736, %get3A_740 : vector<16xi32>
      %swap3A_742 = arith.index_cast %add3A_634 : i32 to index
      %swap3A_743 = arith.constant 112 : index
      %swap3A_744 = tpu.vector_load %arg6[%swap3A_742, %swap3A_743] {strides = array<i32>} : memref<130x128xi32, #tpu.memory_space<vmem>>, vector<1x16xi32>,
      %swap3A_745 = vector.shape_cast %swap3A_744 : vector<1x16xi32> to vector<16xi32>
      %swap3A_746 = vector.shape_cast %add3A_741 : vector<16xi32> to vector<1x16xi32>
      tpu.vector_store %arg6[%swap3A_742, %swap3A_743], %swap3A_746 {strides = array<i32>} : memref<130x128xi32, #tpu.memory_space<vmem>>, vector<1x16xi32>,
      %dma_start3A_747 = arith.constant 640 : i32
      %dma_start3A_748 = arith.constant 0 : i32
      %dma_start3A_749 = tpu.memref_slice %arg8[%dma_start3A_747, %dma_start3A_748] : memref<1664x32xf32, #tpu.memory_space<vmem>> -> memref<128x32xf32, #tpu.memory_space<vmem>>
      %dma_start3A_750 = arith.constant 0 : i32
      %dma_start3A_751 = tpu.memref_slice %arg6[%add3A_634, %dma_start3A_750] : memref<130x128xi32, #tpu.memory_space<vmem>> -> memref<1x128xi32, #tpu.memory_space<vmem>>
      %dma_start3A_752 = tpu.memref_squeeze %dma_start3A_751 : memref<1x128xi32, #tpu.memory_space<vmem>> -> memref<128xi32, #tpu.memory_space<vmem>>
      %dma_start3A_753 = arith.constant 0 : i32
      %dma_start3A_754 = arith.constant 0 : i32
      %dma_start3A_755 = tpu.memref_slice %arg4[%dma_start3A_753, %dma_start3A_754] : memref<2600000x32xf32, #tpu.memory_space<hbm>> -> memref<2600000x32xf32, #tpu.memory_space<hbm>>
      tpu.enqueue_indirect_dma source(%dma_start3A_755 : memref<2600000x32xf32, #tpu.memory_space<hbm>>) target(%dma_start3A_749 : memref<128x32xf32, #tpu.memory_space<vmem>>) offsets(%dma_start3A_752 : memref<128xi32, #tpu.memory_space<vmem>>) semaphore(%arg9 : memref<!tpu.dma_semaphore, #tpu.memory_space<semaphore_mem>>)
      %mul3A_756 = arith.constant 13 : i32
      %mul3A_757 = arith.muli %scan3A_8, %mul3A_756 : i32
      %add3A_758 = arith.constant 6 : i32
      %add3A_759 = arith.addi %mul3A_757, %add3A_758 : i32
      %get3A_760 = arith.index_cast %add3A_759 : i32 to index
      %get3A_761 = arith.constant 0 : index
      %get3A_762 = tpu.vector_load %arg6[%get3A_760, %get3A_761] {strides = array<i32>} : memref<130x128xi32, #tpu.memory_space<vmem>>, vector<1x16xi32>,
      %get3A_763 = vector.shape_cast %get3A_762 : vector<1x16xi32> to vector<16xi32>
      %get3A_764 = arith.index_cast %add3A_759 : i32 to index
      %get3A_765 = arith.constant 0 : index
      %get3A_766 = tpu.vector_load %arg7[%get3A_764, %get3A_765] {strides = array<i32>} : memref<130x128xi32, #tpu.memory_space<vmem>>, vector<1x16xi32>,
      %get3A_767 = vector.shape_cast %get3A_766 : vector<1x16xi32> to vector<16xi32>
      %add3A_768 = arith.addi %get3A_763, %get3A_767 : vector<16xi32>
      %swap3A_769 = arith.index_cast %add3A_759 : i32 to index
      %swap3A_770 = arith.constant 0 : index
      %swap3A_771 = tpu.vector_load %arg6[%swap3A_769, %swap3A_770] {strides = array<i32>} : memref<130x128xi32, #tpu.memory_space<vmem>>, vector<1x16xi32>,
      %swap3A_772 = vector.shape_cast %swap3A_771 : vector<1x16xi32> to vector<16xi32>
      %swap3A_773 = vector.shape_cast %add3A_768 : vector<16xi32> to vector<1x16xi32>
      tpu.vector_store %arg6[%swap3A_769, %swap3A_770], %swap3A_773 {strides = array<i32>} : memref<130x128xi32, #tpu.memory_space<vmem>>, vector<1x16xi32>,
      %get3A_774 = arith.index_cast %add3A_759 : i32 to index
      %get3A_775 = arith.constant 16 : index
      %get3A_776 = tpu.vector_load %arg6[%get3A_774, %get3A_775] {strides = array<i32>} : memref<130x128xi32, #tpu.memory_space<vmem>>, vector<1x16xi32>,
      %get3A_777 = vector.shape_cast %get3A_776 : vector<1x16xi32> to vector<16xi32>
      %get3A_778 = arith.index_cast %add3A_759 : i32 to index
      %get3A_779 = arith.constant 16 : index
      %get3A_780 = tpu.vector_load %arg7[%get3A_778, %get3A_779] {strides = array<i32>} : memref<130x128xi32, #tpu.memory_space<vmem>>, vector<1x16xi32>,
      %get3A_781 = vector.shape_cast %get3A_780 : vector<1x16xi32> to vector<16xi32>
      %add3A_782 = arith.addi %get3A_777, %get3A_781 : vector<16xi32>
      %swap3A_783 = arith.index_cast %add3A_759 : i32 to index
      %swap3A_784 = arith.constant 16 : index
      %swap3A_785 = tpu.vector_load %arg6[%swap3A_783, %swap3A_784] {strides = array<i32>} : memref<130x128xi32, #tpu.memory_space<vmem>>, vector<1x16xi32>,
      %swap3A_786 = vector.shape_cast %swap3A_785 : vector<1x16xi32> to vector<16xi32>
      %swap3A_787 = vector.shape_cast %add3A_782 : vector<16xi32> to vector<1x16xi32>
      tpu.vector_store %arg6[%swap3A_783, %swap3A_784], %swap3A_787 {strides = array<i32>} : memref<130x128xi32, #tpu.memory_space<vmem>>, vector<1x16xi32>,
      %get3A_788 = arith.index_cast %add3A_759 : i32 to index
      %get3A_789 = arith.constant 32 : index
      %get3A_790 = tpu.vector_load %arg6[%get3A_788, %get3A_789] {strides = array<i32>} : memref<130x128xi32, #tpu.memory_space<vmem>>, vector<1x16xi32>,
      %get3A_791 = vector.shape_cast %get3A_790 : vector<1x16xi32> to vector<16xi32>
      %get3A_792 = arith.index_cast %add3A_759 : i32 to index
      %get3A_793 = arith.constant 32 : index
      %get3A_794 = tpu.vector_load %arg7[%get3A_792, %get3A_793] {strides = array<i32>} : memref<130x128xi32, #tpu.memory_space<vmem>>, vector<1x16xi32>,
      %get3A_795 = vector.shape_cast %get3A_794 : vector<1x16xi32> to vector<16xi32>
      %add3A_796 = arith.addi %get3A_791, %get3A_795 : vector<16xi32>
      %swap3A_797 = arith.index_cast %add3A_759 : i32 to index
      %swap3A_798 = arith.constant 32 : index
      %swap3A_799 = tpu.vector_load %arg6[%swap3A_797, %swap3A_798] {strides = array<i32>} : memref<130x128xi32, #tpu.memory_space<vmem>>, vector<1x16xi32>,
      %swap3A_800 = vector.shape_cast %swap3A_799 : vector<1x16xi32> to vector<16xi32>
      %swap3A_801 = vector.shape_cast %add3A_796 : vector<16xi32> to vector<1x16xi32>
      tpu.vector_store %arg6[%swap3A_797, %swap3A_798], %swap3A_801 {strides = array<i32>} : memref<130x128xi32, #tpu.memory_space<vmem>>, vector<1x16xi32>,
      %get3A_802 = arith.index_cast %add3A_759 : i32 to index
      %get3A_803 = arith.constant 48 : index
      %get3A_804 = tpu.vector_load %arg6[%get3A_802, %get3A_803] {strides = array<i32>} : memref<130x128xi32, #tpu.memory_space<vmem>>, vector<1x16xi32>,
      %get3A_805 = vector.shape_cast %get3A_804 : vector<1x16xi32> to vector<16xi32>
      %get3A_806 = arith.index_cast %add3A_759 : i32 to index
      %get3A_807 = arith.constant 48 : index
      %get3A_808 = tpu.vector_load %arg7[%get3A_806, %get3A_807] {strides = array<i32>} : memref<130x128xi32, #tpu.memory_space<vmem>>, vector<1x16xi32>,
      %get3A_809 = vector.shape_cast %get3A_808 : vector<1x16xi32> to vector<16xi32>
      %add3A_810 = arith.addi %get3A_805, %get3A_809 : vector<16xi32>
      %swap3A_811 = arith.index_cast %add3A_759 : i32 to index
      %swap3A_812 = arith.constant 48 : index
      %swap3A_813 = tpu.vector_load %arg6[%swap3A_811, %swap3A_812] {strides = array<i32>} : memref<130x128xi32, #tpu.memory_space<vmem>>, vector<1x16xi32>,
      %swap3A_814 = vector.shape_cast %swap3A_813 : vector<1x16xi32> to vector<16xi32>
      %swap3A_815 = vector.shape_cast %add3A_810 : vector<16xi32> to vector<1x16xi32>
      tpu.vector_store %arg6[%swap3A_811, %swap3A_812], %swap3A_815 {strides = array<i32>} : memref<130x128xi32, #tpu.memory_space<vmem>>, vector<1x16xi32>,
      %get3A_816 = arith.index_cast %add3A_759 : i32 to index
      %get3A_817 = arith.constant 64 : index
      %get3A_818 = tpu.vector_load %arg6[%get3A_816, %get3A_817] {strides = array<i32>} : memref<130x128xi32, #tpu.memory_space<vmem>>, vector<1x16xi32>,
      %get3A_819 = vector.shape_cast %get3A_818 : vector<1x16xi32> to vector<16xi32>
      %get3A_820 = arith.index_cast %add3A_759 : i32 to index
      %get3A_821 = arith.constant 64 : index
      %get3A_822 = tpu.vector_load %arg7[%get3A_820, %get3A_821] {strides = array<i32>} : memref<130x128xi32, #tpu.memory_space<vmem>>, vector<1x16xi32>,
      %get3A_823 = vector.shape_cast %get3A_822 : vector<1x16xi32> to vector<16xi32>
      %add3A_824 = arith.addi %get3A_819, %get3A_823 : vector<16xi32>
      %swap3A_825 = arith.index_cast %add3A_759 : i32 to index
      %swap3A_826 = arith.constant 64 : index
      %swap3A_827 = tpu.vector_load %arg6[%swap3A_825, %swap3A_826] {strides = array<i32>} : memref<130x128xi32, #tpu.memory_space<vmem>>, vector<1x16xi32>,
      %swap3A_828 = vector.shape_cast %swap3A_827 : vector<1x16xi32> to vector<16xi32>
      %swap3A_829 = vector.shape_cast %add3A_824 : vector<16xi32> to vector<1x16xi32>
      tpu.vector_store %arg6[%swap3A_825, %swap3A_826], %swap3A_829 {strides = array<i32>} : memref<130x128xi32, #tpu.memory_space<vmem>>, vector<1x16xi32>,
      %get3A_830 = arith.index_cast %add3A_759 : i32 to index
      %get3A_831 = arith.constant 80 : index
      %get3A_832 = tpu.vector_load %arg6[%get3A_830, %get3A_831] {strides = array<i32>} : memref<130x128xi32, #tpu.memory_space<vmem>>, vector<1x16xi32>,
      %get3A_833 = vector.shape_cast %get3A_832 : vector<1x16xi32> to vector<16xi32>
      %get3A_834 = arith.index_cast %add3A_759 : i32 to index
      %get3A_835 = arith.constant 80 : index
      %get3A_836 = tpu.vector_load %arg7[%get3A_834, %get3A_835] {strides = array<i32>} : memref<130x128xi32, #tpu.memory_space<vmem>>, vector<1x16xi32>,
      %get3A_837 = vector.shape_cast %get3A_836 : vector<1x16xi32> to vector<16xi32>
      %add3A_838 = arith.addi %get3A_833, %get3A_837 : vector<16xi32>
      %swap3A_839 = arith.index_cast %add3A_759 : i32 to index
      %swap3A_840 = arith.constant 80 : index
      %swap3A_841 = tpu.vector_load %arg6[%swap3A_839, %swap3A_840] {strides = array<i32>} : memref<130x128xi32, #tpu.memory_space<vmem>>, vector<1x16xi32>,
      %swap3A_842 = vector.shape_cast %swap3A_841 : vector<1x16xi32> to vector<16xi32>
      %swap3A_843 = vector.shape_cast %add3A_838 : vector<16xi32> to vector<1x16xi32>
      tpu.vector_store %arg6[%swap3A_839, %swap3A_840], %swap3A_843 {strides = array<i32>} : memref<130x128xi32, #tpu.memory_space<vmem>>, vector<1x16xi32>,
      %get3A_844 = arith.index_cast %add3A_759 : i32 to index
      %get3A_845 = arith.constant 96 : index
      %get3A_846 = tpu.vector_load %arg6[%get3A_844, %get3A_845] {strides = array<i32>} : memref<130x128xi32, #tpu.memory_space<vmem>>, vector<1x16xi32>,
      %get3A_847 = vector.shape_cast %get3A_846 : vector<1x16xi32> to vector<16xi32>
      %get3A_848 = arith.index_cast %add3A_759 : i32 to index
      %get3A_849 = arith.constant 96 : index
      %get3A_850 = tpu.vector_load %arg7[%get3A_848, %get3A_849] {strides = array<i32>} : memref<130x128xi32, #tpu.memory_space<vmem>>, vector<1x16xi32>,
      %get3A_851 = vector.shape_cast %get3A_850 : vector<1x16xi32> to vector<16xi32>
      %add3A_852 = arith.addi %get3A_847, %get3A_851 : vector<16xi32>
      %swap3A_853 = arith.index_cast %add3A_759 : i32 to index
      %swap3A_854 = arith.constant 96 : index
      %swap3A_855 = tpu.vector_load %arg6[%swap3A_853, %swap3A_854] {strides = array<i32>} : memref<130x128xi32, #tpu.memory_space<vmem>>, vector<1x16xi32>,
      %swap3A_856 = vector.shape_cast %swap3A_855 : vector<1x16xi32> to vector<16xi32>
      %swap3A_857 = vector.shape_cast %add3A_852 : vector<16xi32> to vector<1x16xi32>
      tpu.vector_store %arg6[%swap3A_853, %swap3A_854], %swap3A_857 {strides = array<i32>} : memref<130x128xi32, #tpu.memory_space<vmem>>, vector<1x16xi32>,
      %get3A_858 = arith.index_cast %add3A_759 : i32 to index
      %get3A_859 = arith.constant 112 : index
      %get3A_860 = tpu.vector_load %arg6[%get3A_858, %get3A_859] {strides = array<i32>} : memref<130x128xi32, #tpu.memory_space<vmem>>, vector<1x16xi32>,
      %get3A_861 = vector.shape_cast %get3A_860 : vector<1x16xi32> to vector<16xi32>
      %get3A_862 = arith.index_cast %add3A_759 : i32 to index
      %get3A_863 = arith.constant 112 : index
      %get3A_864 = tpu.vector_load %arg7[%get3A_862, %get3A_863] {strides = array<i32>} : memref<130x128xi32, #tpu.memory_space<vmem>>, vector<1x16xi32>,
      %get3A_865 = vector.shape_cast %get3A_864 : vector<1x16xi32> to vector<16xi32>
      %add3A_866 = arith.addi %get3A_861, %get3A_865 : vector<16xi32>
      %swap3A_867 = arith.index_cast %add3A_759 : i32 to index
      %swap3A_868 = arith.constant 112 : index
      %swap3A_869 = tpu.vector_load %arg6[%swap3A_867, %swap3A_868] {strides = array<i32>} : memref<130x128xi32, #tpu.memory_space<vmem>>, vector<1x16xi32>,
      %swap3A_870 = vector.shape_cast %swap3A_869 : vector<1x16xi32> to vector<16xi32>
      %swap3A_871 = vector.shape_cast %add3A_866 : vector<16xi32> to vector<1x16xi32>
      tpu.vector_store %arg6[%swap3A_867, %swap3A_868], %swap3A_871 {strides = array<i32>} : memref<130x128xi32, #tpu.memory_space<vmem>>, vector<1x16xi32>,
      %dma_start3A_872 = arith.constant 768 : i32
      %dma_start3A_873 = arith.constant 0 : i32
      %dma_start3A_874 = tpu.memref_slice %arg8[%dma_start3A_872, %dma_start3A_873] : memref<1664x32xf32, #tpu.memory_space<vmem>> -> memref<128x32xf32, #tpu.memory_space<vmem>>
      %dma_start3A_875 = arith.constant 0 : i32
      %dma_start3A_876 = tpu.memref_slice %arg6[%add3A_759, %dma_start3A_875] : memref<130x128xi32, #tpu.memory_space<vmem>> -> memref<1x128xi32, #tpu.memory_space<vmem>>
      %dma_start3A_877 = tpu.memref_squeeze %dma_start3A_876 : memref<1x128xi32, #tpu.memory_space<vmem>> -> memref<128xi32, #tpu.memory_space<vmem>>
      %dma_start3A_878 = arith.constant 0 : i32
      %dma_start3A_879 = arith.constant 0 : i32
      %dma_start3A_880 = tpu.memref_slice %arg4[%dma_start3A_878, %dma_start3A_879] : memref<2600000x32xf32, #tpu.memory_space<hbm>> -> memref<2600000x32xf32, #tpu.memory_space<hbm>>
      tpu.enqueue_indirect_dma source(%dma_start3A_880 : memref<2600000x32xf32, #tpu.memory_space<hbm>>) target(%dma_start3A_874 : memref<128x32xf32, #tpu.memory_space<vmem>>) offsets(%dma_start3A_877 : memref<128xi32, #tpu.memory_space<vmem>>) semaphore(%arg9 : memref<!tpu.dma_semaphore, #tpu.memory_space<semaphore_mem>>)
      %mul3A_881 = arith.constant 13 : i32
      %mul3A_882 = arith.muli %scan3A_8, %mul3A_881 : i32
      %add3A_883 = arith.constant 7 : i32
      %add3A_884 = arith.addi %mul3A_882, %add3A_883 : i32
      %get3A_885 = arith.index_cast %add3A_884 : i32 to index
      %get3A_886 = arith.constant 0 : index
      %get3A_887 = tpu.vector_load %arg6[%get3A_885, %get3A_886] {strides = array<i32>} : memref<130x128xi32, #tpu.memory_space<vmem>>, vector<1x16xi32>,
      %get3A_888 = vector.shape_cast %get3A_887 : vector<1x16xi32> to vector<16xi32>
      %get3A_889 = arith.index_cast %add3A_884 : i32 to index
      %get3A_890 = arith.constant 0 : index
      %get3A_891 = tpu.vector_load %arg7[%get3A_889, %get3A_890] {strides = array<i32>} : memref<130x128xi32, #tpu.memory_space<vmem>>, vector<1x16xi32>,
      %get3A_892 = vector.shape_cast %get3A_891 : vector<1x16xi32> to vector<16xi32>
      %add3A_893 = arith.addi %get3A_888, %get3A_892 : vector<16xi32>
      %swap3A_894 = arith.index_cast %add3A_884 : i32 to index
      %swap3A_895 = arith.constant 0 : index
      %swap3A_896 = tpu.vector_load %arg6[%swap3A_894, %swap3A_895] {strides = array<i32>} : memref<130x128xi32, #tpu.memory_space<vmem>>, vector<1x16xi32>,
      %swap3A_897 = vector.shape_cast %swap3A_896 : vector<1x16xi32> to vector<16xi32>
      %swap3A_898 = vector.shape_cast %add3A_893 : vector<16xi32> to vector<1x16xi32>
      tpu.vector_store %arg6[%swap3A_894, %swap3A_895], %swap3A_898 {strides = array<i32>} : memref<130x128xi32, #tpu.memory_space<vmem>>, vector<1x16xi32>,
      %get3A_899 = arith.index_cast %add3A_884 : i32 to index
      %get3A_900 = arith.constant 16 : index
      %get3A_901 = tpu.vector_load %arg6[%get3A_899, %get3A_900] {strides = array<i32>} : memref<130x128xi32, #tpu.memory_space<vmem>>, vector<1x16xi32>,
      %get3A_902 = vector.shape_cast %get3A_901 : vector<1x16xi32> to vector<16xi32>
      %get3A_903 = arith.index_cast %add3A_884 : i32 to index
      %get3A_904 = arith.constant 16 : index
      %get3A_905 = tpu.vector_load %arg7[%get3A_903, %get3A_904] {strides = array<i32>} : memref<130x128xi32, #tpu.memory_space<vmem>>, vector<1x16xi32>,
      %get3A_906 = vector.shape_cast %get3A_905 : vector<1x16xi32> to vector<16xi32>
      %add3A_907 = arith.addi %get3A_902, %get3A_906 : vector<16xi32>
      %swap3A_908 = arith.index_cast %add3A_884 : i32 to index
      %swap3A_909 = arith.constant 16 : index
      %swap3A_910 = tpu.vector_load %arg6[%swap3A_908, %swap3A_909] {strides = array<i32>} : memref<130x128xi32, #tpu.memory_space<vmem>>, vector<1x16xi32>,
      %swap3A_911 = vector.shape_cast %swap3A_910 : vector<1x16xi32> to vector<16xi32>
      %swap3A_912 = vector.shape_cast %add3A_907 : vector<16xi32> to vector<1x16xi32>
      tpu.vector_store %arg6[%swap3A_908, %swap3A_909], %swap3A_912 {strides = array<i32>} : memref<130x128xi32, #tpu.memory_space<vmem>>, vector<1x16xi32>,
      %get3A_913 = arith.index_cast %add3A_884 : i32 to index
      %get3A_914 = arith.constant 32 : index
      %get3A_915 = tpu.vector_load %arg6[%get3A_913, %get3A_914] {strides = array<i32>} : memref<130x128xi32, #tpu.memory_space<vmem>>, vector<1x16xi32>,
      %get3A_916 = vector.shape_cast %get3A_915 : vector<1x16xi32> to vector<16xi32>
      %get3A_917 = arith.index_cast %add3A_884 : i32 to index
      %get3A_918 = arith.constant 32 : index
      %get3A_919 = tpu.vector_load %arg7[%get3A_917, %get3A_918] {strides = array<i32>} : memref<130x128xi32, #tpu.memory_space<vmem>>, vector<1x16xi32>,
      %get3A_920 = vector.shape_cast %get3A_919 : vector<1x16xi32> to vector<16xi32>
      %add3A_921 = arith.addi %get3A_916, %get3A_920 : vector<16xi32>
      %swap3A_922 = arith.index_cast %add3A_884 : i32 to index
      %swap3A_923 = arith.constant 32 : index
      %swap3A_924 = tpu.vector_load %arg6[%swap3A_922, %swap3A_923] {strides = array<i32>} : memref<130x128xi32, #tpu.memory_space<vmem>>, vector<1x16xi32>,
      %swap3A_925 = vector.shape_cast %swap3A_924 : vector<1x16xi32> to vector<16xi32>
      %swap3A_926 = vector.shape_cast %add3A_921 : vector<16xi32> to vector<1x16xi32>
      tpu.vector_store %arg6[%swap3A_922, %swap3A_923], %swap3A_926 {strides = array<i32>} : memref<130x128xi32, #tpu.memory_space<vmem>>, vector<1x16xi32>,
      %get3A_927 = arith.index_cast %add3A_884 : i32 to index
      %get3A_928 = arith.constant 48 : index
      %get3A_929 = tpu.vector_load %arg6[%get3A_927, %get3A_928] {strides = array<i32>} : memref<130x128xi32, #tpu.memory_space<vmem>>, vector<1x16xi32>,
      %get3A_930 = vector.shape_cast %get3A_929 : vector<1x16xi32> to vector<16xi32>
      %get3A_931 = arith.index_cast %add3A_884 : i32 to index
      %get3A_932 = arith.constant 48 : index
      %get3A_933 = tpu.vector_load %arg7[%get3A_931, %get3A_932] {strides = array<i32>} : memref<130x128xi32, #tpu.memory_space<vmem>>, vector<1x16xi32>,
      %get3A_934 = vector.shape_cast %get3A_933 : vector<1x16xi32> to vector<16xi32>
      %add3A_935 = arith.addi %get3A_930, %get3A_934 : vector<16xi32>
      %swap3A_936 = arith.index_cast %add3A_884 : i32 to index
      %swap3A_937 = arith.constant 48 : index
      %swap3A_938 = tpu.vector_load %arg6[%swap3A_936, %swap3A_937] {strides = array<i32>} : memref<130x128xi32, #tpu.memory_space<vmem>>, vector<1x16xi32>,
      %swap3A_939 = vector.shape_cast %swap3A_938 : vector<1x16xi32> to vector<16xi32>
      %swap3A_940 = vector.shape_cast %add3A_935 : vector<16xi32> to vector<1x16xi32>
      tpu.vector_store %arg6[%swap3A_936, %swap3A_937], %swap3A_940 {strides = array<i32>} : memref<130x128xi32, #tpu.memory_space<vmem>>, vector<1x16xi32>,
      %get3A_941 = arith.index_cast %add3A_884 : i32 to index
      %get3A_942 = arith.constant 64 : index
      %get3A_943 = tpu.vector_load %arg6[%get3A_941, %get3A_942] {strides = array<i32>} : memref<130x128xi32, #tpu.memory_space<vmem>>, vector<1x16xi32>,
      %get3A_944 = vector.shape_cast %get3A_943 : vector<1x16xi32> to vector<16xi32>
      %get3A_945 = arith.index_cast %add3A_884 : i32 to index
      %get3A_946 = arith.constant 64 : index
      %get3A_947 = tpu.vector_load %arg7[%get3A_945, %get3A_946] {strides = array<i32>} : memref<130x128xi32, #tpu.memory_space<vmem>>, vector<1x16xi32>,
      %get3A_948 = vector.shape_cast %get3A_947 : vector<1x16xi32> to vector<16xi32>
      %add3A_949 = arith.addi %get3A_944, %get3A_948 : vector<16xi32>
      %swap3A_950 = arith.index_cast %add3A_884 : i32 to index
      %swap3A_951 = arith.constant 64 : index
      %swap3A_952 = tpu.vector_load %arg6[%swap3A_950, %swap3A_951] {strides = array<i32>} : memref<130x128xi32, #tpu.memory_space<vmem>>, vector<1x16xi32>,
      %swap3A_953 = vector.shape_cast %swap3A_952 : vector<1x16xi32> to vector<16xi32>
      %swap3A_954 = vector.shape_cast %add3A_949 : vector<16xi32> to vector<1x16xi32>
      tpu.vector_store %arg6[%swap3A_950, %swap3A_951], %swap3A_954 {strides = array<i32>} : memref<130x128xi32, #tpu.memory_space<vmem>>, vector<1x16xi32>,
      %get3A_955 = arith.index_cast %add3A_884 : i32 to index
      %get3A_956 = arith.constant 80 : index
      %get3A_957 = tpu.vector_load %arg6[%get3A_955, %get3A_956] {strides = array<i32>} : memref<130x128xi32, #tpu.memory_space<vmem>>, vector<1x16xi32>,
      %get3A_958 = vector.shape_cast %get3A_957 : vector<1x16xi32> to vector<16xi32>
      %get3A_959 = arith.index_cast %add3A_884 : i32 to index
      %get3A_960 = arith.constant 80 : index
      %get3A_961 = tpu.vector_load %arg7[%get3A_959, %get3A_960] {strides = array<i32>} : memref<130x128xi32, #tpu.memory_space<vmem>>, vector<1x16xi32>,
      %get3A_962 = vector.shape_cast %get3A_961 : vector<1x16xi32> to vector<16xi32>
      %add3A_963 = arith.addi %get3A_958, %get3A_962 : vector<16xi32>
      %swap3A_964 = arith.index_cast %add3A_884 : i32 to index
      %swap3A_965 = arith.constant 80 : index
      %swap3A_966 = tpu.vector_load %arg6[%swap3A_964, %swap3A_965] {strides = array<i32>} : memref<130x128xi32, #tpu.memory_space<vmem>>, vector<1x16xi32>,
      %swap3A_967 = vector.shape_cast %swap3A_966 : vector<1x16xi32> to vector<16xi32>
      %swap3A_968 = vector.shape_cast %add3A_963 : vector<16xi32> to vector<1x16xi32>
      tpu.vector_store %arg6[%swap3A_964, %swap3A_965], %swap3A_968 {strides = array<i32>} : memref<130x128xi32, #tpu.memory_space<vmem>>, vector<1x16xi32>,
      %get3A_969 = arith.index_cast %add3A_884 : i32 to index
      %get3A_970 = arith.constant 96 : index
      %get3A_971 = tpu.vector_load %arg6[%get3A_969, %get3A_970] {strides = array<i32>} : memref<130x128xi32, #tpu.memory_space<vmem>>, vector<1x16xi32>,
      %get3A_972 = vector.shape_cast %get3A_971 : vector<1x16xi32> to vector<16xi32>
      %get3A_973 = arith.index_cast %add3A_884 : i32 to index
      %get3A_974 = arith.constant 96 : index
      %get3A_975 = tpu.vector_load %arg7[%get3A_973, %get3A_974] {strides = array<i32>} : memref<130x128xi32, #tpu.memory_space<vmem>>, vector<1x16xi32>,
      %get3A_976 = vector.shape_cast %get3A_975 : vector<1x16xi32> to vector<16xi32>
      %add3A_977 = arith.addi %get3A_972, %get3A_976 : vector<16xi32>
      %swap3A_978 = arith.index_cast %add3A_884 : i32 to index
      %swap3A_979 = arith.constant 96 : index
      %swap3A_980 = tpu.vector_load %arg6[%swap3A_978, %swap3A_979] {strides = array<i32>} : memref<130x128xi32, #tpu.memory_space<vmem>>, vector<1x16xi32>,
      %swap3A_981 = vector.shape_cast %swap3A_980 : vector<1x16xi32> to vector<16xi32>
      %swap3A_982 = vector.shape_cast %add3A_977 : vector<16xi32> to vector<1x16xi32>
      tpu.vector_store %arg6[%swap3A_978, %swap3A_979], %swap3A_982 {strides = array<i32>} : memref<130x128xi32, #tpu.memory_space<vmem>>, vector<1x16xi32>,
      %get3A_983 = arith.index_cast %add3A_884 : i32 to index
      %get3A_984 = arith.constant 112 : index
      %get3A_985 = tpu.vector_load %arg6[%get3A_983, %get3A_984] {strides = array<i32>} : memref<130x128xi32, #tpu.memory_space<vmem>>, vector<1x16xi32>,
      %get3A_986 = vector.shape_cast %get3A_985 : vector<1x16xi32> to vector<16xi32>
      %get3A_987 = arith.index_cast %add3A_884 : i32 to index
      %get3A_988 = arith.constant 112 : index
      %get3A_989 = tpu.vector_load %arg7[%get3A_987, %get3A_988] {strides = array<i32>} : memref<130x128xi32, #tpu.memory_space<vmem>>, vector<1x16xi32>,
      %get3A_990 = vector.shape_cast %get3A_989 : vector<1x16xi32> to vector<16xi32>
      %add3A_991 = arith.addi %get3A_986, %get3A_990 : vector<16xi32>
      %swap3A_992 = arith.index_cast %add3A_884 : i32 to index
      %swap3A_993 = arith.constant 112 : index
      %swap3A_994 = tpu.vector_load %arg6[%swap3A_992, %swap3A_993] {strides = array<i32>} : memref<130x128xi32, #tpu.memory_space<vmem>>, vector<1x16xi32>,
      %swap3A_995 = vector.shape_cast %swap3A_994 : vector<1x16xi32> to vector<16xi32>
      %swap3A_996 = vector.shape_cast %add3A_991 : vector<16xi32> to vector<1x16xi32>
      tpu.vector_store %arg6[%swap3A_992, %swap3A_993], %swap3A_996 {strides = array<i32>} : memref<130x128xi32, #tpu.memory_space<vmem>>, vector<1x16xi32>,
      %dma_start3A_997 = arith.constant 896 : i32
      %dma_start3A_998 = arith.constant 0 : i32
      %dma_start3A_999 = tpu.memref_slice %arg8[%dma_start3A_997, %dma_start3A_998] : memref<1664x32xf32, #tpu.memory_space<vmem>> -> memref<128x32xf32, #tpu.memory_space<vmem>>
      %dma_start3A_1000 = arith.constant 0 : i32
      %dma_start3A_1001 = tpu.memref_slice %arg6[%add3A_884, %dma_start3A_1000] : memref<130x128xi32, #tpu.memory_space<vmem>> -> memref<1x128xi32, #tpu.memory_space<vmem>>
      %dma_start3A_1002 = tpu.memref_squeeze %dma_start3A_1001 : memref<1x128xi32, #tpu.memory_space<vmem>> -> memref<128xi32, #tpu.memory_space<vmem>>
      %dma_start3A_1003 = arith.constant 0 : i32
      %dma_start3A_1004 = arith.constant 0 : i32
      %dma_start3A_1005 = tpu.memref_slice %arg4[%dma_start3A_1003, %dma_start3A_1004] : memref<2600000x32xf32, #tpu.memory_space<hbm>> -> memref<2600000x32xf32, #tpu.memory_space<hbm>>
      tpu.enqueue_indirect_dma source(%dma_start3A_1005 : memref<2600000x32xf32, #tpu.memory_space<hbm>>) target(%dma_start3A_999 : memref<128x32xf32, #tpu.memory_space<vmem>>) offsets(%dma_start3A_1002 : memref<128xi32, #tpu.memory_space<vmem>>) semaphore(%arg9 : memref<!tpu.dma_semaphore, #tpu.memory_space<semaphore_mem>>)
      %mul3A_1006 = arith.constant 13 : i32
      %mul3A_1007 = arith.muli %scan3A_8, %mul3A_1006 : i32
      %add3A_1008 = arith.constant 8 : i32
      %add3A_1009 = arith.addi %mul3A_1007, %add3A_1008 : i32
      %get3A_1010 = arith.index_cast %add3A_1009 : i32 to index
      %get3A_1011 = arith.constant 0 : index
      %get3A_1012 = tpu.vector_load %arg6[%get3A_1010, %get3A_1011] {strides = array<i32>} : memref<130x128xi32, #tpu.memory_space<vmem>>, vector<1x16xi32>,
      %get3A_1013 = vector.shape_cast %get3A_1012 : vector<1x16xi32> to vector<16xi32>
      %get3A_1014 = arith.index_cast %add3A_1009 : i32 to index
      %get3A_1015 = arith.constant 0 : index
      %get3A_1016 = tpu.vector_load %arg7[%get3A_1014, %get3A_1015] {strides = array<i32>} : memref<130x128xi32, #tpu.memory_space<vmem>>, vector<1x16xi32>,
      %get3A_1017 = vector.shape_cast %get3A_1016 : vector<1x16xi32> to vector<16xi32>
      %add3A_1018 = arith.addi %get3A_1013, %get3A_1017 : vector<16xi32>
      %swap3A_1019 = arith.index_cast %add3A_1009 : i32 to index
      %swap3A_1020 = arith.constant 0 : index
      %swap3A_1021 = tpu.vector_load %arg6[%swap3A_1019, %swap3A_1020] {strides = array<i32>} : memref<130x128xi32, #tpu.memory_space<vmem>>, vector<1x16xi32>,
      %swap3A_1022 = vector.shape_cast %swap3A_1021 : vector<1x16xi32> to vector<16xi32>
      %swap3A_1023 = vector.shape_cast %add3A_1018 : vector<16xi32> to vector<1x16xi32>
      tpu.vector_store %arg6[%swap3A_1019, %swap3A_1020], %swap3A_1023 {strides = array<i32>} : memref<130x128xi32, #tpu.memory_space<vmem>>, vector<1x16xi32>,
      %get3A_1024 = arith.index_cast %add3A_1009 : i32 to index
      %get3A_1025 = arith.constant 16 : index
      %get3A_1026 = tpu.vector_load %arg6[%get3A_1024, %get3A_1025] {strides = array<i32>} : memref<130x128xi32, #tpu.memory_space<vmem>>, vector<1x16xi32>,
      %get3A_1027 = vector.shape_cast %get3A_1026 : vector<1x16xi32> to vector<16xi32>
      %get3A_1028 = arith.index_cast %add3A_1009 : i32 to index
      %get3A_1029 = arith.constant 16 : index
      %get3A_1030 = tpu.vector_load %arg7[%get3A_1028, %get3A_1029] {strides = array<i32>} : memref<130x128xi32, #tpu.memory_space<vmem>>, vector<1x16xi32>,
      %get3A_1031 = vector.shape_cast %get3A_1030 : vector<1x16xi32> to vector<16xi32>
      %add3A_1032 = arith.addi %get3A_1027, %get3A_1031 : vector<16xi32>
      %swap3A_1033 = arith.index_cast %add3A_1009 : i32 to index
      %swap3A_1034 = arith.constant 16 : index
      %swap3A_1035 = tpu.vector_load %arg6[%swap3A_1033, %swap3A_1034] {strides = array<i32>} : memref<130x128xi32, #tpu.memory_space<vmem>>, vector<1x16xi32>,
      %swap3A_1036 = vector.shape_cast %swap3A_1035 : vector<1x16xi32> to vector<16xi32>
      %swap3A_1037 = vector.shape_cast %add3A_1032 : vector<16xi32> to vector<1x16xi32>
      tpu.vector_store %arg6[%swap3A_1033, %swap3A_1034], %swap3A_1037 {strides = array<i32>} : memref<130x128xi32, #tpu.memory_space<vmem>>, vector<1x16xi32>,
      %get3A_1038 = arith.index_cast %add3A_1009 : i32 to index
      %get3A_1039 = arith.constant 32 : index
      %get3A_1040 = tpu.vector_load %arg6[%get3A_1038, %get3A_1039] {strides = array<i32>} : memref<130x128xi32, #tpu.memory_space<vmem>>, vector<1x16xi32>,
      %get3A_1041 = vector.shape_cast %get3A_1040 : vector<1x16xi32> to vector<16xi32>
      %get3A_1042 = arith.index_cast %add3A_1009 : i32 to index
      %get3A_1043 = arith.constant 32 : index
      %get3A_1044 = tpu.vector_load %arg7[%get3A_1042, %get3A_1043] {strides = array<i32>} : memref<130x128xi32, #tpu.memory_space<vmem>>, vector<1x16xi32>,
      %get3A_1045 = vector.shape_cast %get3A_1044 : vector<1x16xi32> to vector<16xi32>
      %add3A_1046 = arith.addi %get3A_1041, %get3A_1045 : vector<16xi32>
      %swap3A_1047 = arith.index_cast %add3A_1009 : i32 to index
      %swap3A_1048 = arith.constant 32 : index
      %swap3A_1049 = tpu.vector_load %arg6[%swap3A_1047, %swap3A_1048] {strides = array<i32>} : memref<130x128xi32, #tpu.memory_space<vmem>>, vector<1x16xi32>,
      %swap3A_1050 = vector.shape_cast %swap3A_1049 : vector<1x16xi32> to vector<16xi32>
      %swap3A_1051 = vector.shape_cast %add3A_1046 : vector<16xi32> to vector<1x16xi32>
      tpu.vector_store %arg6[%swap3A_1047, %swap3A_1048], %swap3A_1051 {strides = array<i32>} : memref<130x128xi32, #tpu.memory_space<vmem>>, vector<1x16xi32>,
      %get3A_1052 = arith.index_cast %add3A_1009 : i32 to index
      %get3A_1053 = arith.constant 48 : index
      %get3A_1054 = tpu.vector_load %arg6[%get3A_1052, %get3A_1053] {strides = array<i32>} : memref<130x128xi32, #tpu.memory_space<vmem>>, vector<1x16xi32>,
      %get3A_1055 = vector.shape_cast %get3A_1054 : vector<1x16xi32> to vector<16xi32>
      %get3A_1056 = arith.index_cast %add3A_1009 : i32 to index
      %get3A_1057 = arith.constant 48 : index
      %get3A_1058 = tpu.vector_load %arg7[%get3A_1056, %get3A_1057] {strides = array<i32>} : memref<130x128xi32, #tpu.memory_space<vmem>>, vector<1x16xi32>,
      %get3A_1059 = vector.shape_cast %get3A_1058 : vector<1x16xi32> to vector<16xi32>
      %add3A_1060 = arith.addi %get3A_1055, %get3A_1059 : vector<16xi32>
      %swap3A_1061 = arith.index_cast %add3A_1009 : i32 to index
      %swap3A_1062 = arith.constant 48 : index
      %swap3A_1063 = tpu.vector_load %arg6[%swap3A_1061, %swap3A_1062] {strides = array<i32>} : memref<130x128xi32, #tpu.memory_space<vmem>>, vector<1x16xi32>,
      %swap3A_1064 = vector.shape_cast %swap3A_1063 : vector<1x16xi32> to vector<16xi32>
      %swap3A_1065 = vector.shape_cast %add3A_1060 : vector<16xi32> to vector<1x16xi32>
      tpu.vector_store %arg6[%swap3A_1061, %swap3A_1062], %swap3A_1065 {strides = array<i32>} : memref<130x128xi32, #tpu.memory_space<vmem>>, vector<1x16xi32>,
      %get3A_1066 = arith.index_cast %add3A_1009 : i32 to index
      %get3A_1067 = arith.constant 64 : index
      %get3A_1068 = tpu.vector_load %arg6[%get3A_1066, %get3A_1067] {strides = array<i32>} : memref<130x128xi32, #tpu.memory_space<vmem>>, vector<1x16xi32>,
      %get3A_1069 = vector.shape_cast %get3A_1068 : vector<1x16xi32> to vector<16xi32>
      %get3A_1070 = arith.index_cast %add3A_1009 : i32 to index
      %get3A_1071 = arith.constant 64 : index
      %get3A_1072 = tpu.vector_load %arg7[%get3A_1070, %get3A_1071] {strides = array<i32>} : memref<130x128xi32, #tpu.memory_space<vmem>>, vector<1x16xi32>,
      %get3A_1073 = vector.shape_cast %get3A_1072 : vector<1x16xi32> to vector<16xi32>
      %add3A_1074 = arith.addi %get3A_1069, %get3A_1073 : vector<16xi32>
      %swap3A_1075 = arith.index_cast %add3A_1009 : i32 to index
      %swap3A_1076 = arith.constant 64 : index
      %swap3A_1077 = tpu.vector_load %arg6[%swap3A_1075, %swap3A_1076] {strides = array<i32>} : memref<130x128xi32, #tpu.memory_space<vmem>>, vector<1x16xi32>,
      %swap3A_1078 = vector.shape_cast %swap3A_1077 : vector<1x16xi32> to vector<16xi32>
      %swap3A_1079 = vector.shape_cast %add3A_1074 : vector<16xi32> to vector<1x16xi32>
      tpu.vector_store %arg6[%swap3A_1075, %swap3A_1076], %swap3A_1079 {strides = array<i32>} : memref<130x128xi32, #tpu.memory_space<vmem>>, vector<1x16xi32>,
      %get3A_1080 = arith.index_cast %add3A_1009 : i32 to index
      %get3A_1081 = arith.constant 80 : index
      %get3A_1082 = tpu.vector_load %arg6[%get3A_1080, %get3A_1081] {strides = array<i32>} : memref<130x128xi32, #tpu.memory_space<vmem>>, vector<1x16xi32>,
      %get3A_1083 = vector.shape_cast %get3A_1082 : vector<1x16xi32> to vector<16xi32>
      %get3A_1084 = arith.index_cast %add3A_1009 : i32 to index
      %get3A_1085 = arith.constant 80 : index
      %get3A_1086 = tpu.vector_load %arg7[%get3A_1084, %get3A_1085] {strides = array<i32>} : memref<130x128xi32, #tpu.memory_space<vmem>>, vector<1x16xi32>,
      %get3A_1087 = vector.shape_cast %get3A_1086 : vector<1x16xi32> to vector<16xi32>
      %add3A_1088 = arith.addi %get3A_1083, %get3A_1087 : vector<16xi32>
      %swap3A_1089 = arith.index_cast %add3A_1009 : i32 to index
      %swap3A_1090 = arith.constant 80 : index
      %swap3A_1091 = tpu.vector_load %arg6[%swap3A_1089, %swap3A_1090] {strides = array<i32>} : memref<130x128xi32, #tpu.memory_space<vmem>>, vector<1x16xi32>,
      %swap3A_1092 = vector.shape_cast %swap3A_1091 : vector<1x16xi32> to vector<16xi32>
      %swap3A_1093 = vector.shape_cast %add3A_1088 : vector<16xi32> to vector<1x16xi32>
      tpu.vector_store %arg6[%swap3A_1089, %swap3A_1090], %swap3A_1093 {strides = array<i32>} : memref<130x128xi32, #tpu.memory_space<vmem>>, vector<1x16xi32>,
      %get3A_1094 = arith.index_cast %add3A_1009 : i32 to index
      %get3A_1095 = arith.constant 96 : index
      %get3A_1096 = tpu.vector_load %arg6[%get3A_1094, %get3A_1095] {strides = array<i32>} : memref<130x128xi32, #tpu.memory_space<vmem>>, vector<1x16xi32>,
      %get3A_1097 = vector.shape_cast %get3A_1096 : vector<1x16xi32> to vector<16xi32>
      %get3A_1098 = arith.index_cast %add3A_1009 : i32 to index
      %get3A_1099 = arith.constant 96 : index
      %get3A_1100 = tpu.vector_load %arg7[%get3A_1098, %get3A_1099] {strides = array<i32>} : memref<130x128xi32, #tpu.memory_space<vmem>>, vector<1x16xi32>,
      %get3A_1101 = vector.shape_cast %get3A_1100 : vector<1x16xi32> to vector<16xi32>
      %add3A_1102 = arith.addi %get3A_1097, %get3A_1101 : vector<16xi32>
      %swap3A_1103 = arith.index_cast %add3A_1009 : i32 to index
      %swap3A_1104 = arith.constant 96 : index
      %swap3A_1105 = tpu.vector_load %arg6[%swap3A_1103, %swap3A_1104] {strides = array<i32>} : memref<130x128xi32, #tpu.memory_space<vmem>>, vector<1x16xi32>,
      %swap3A_1106 = vector.shape_cast %swap3A_1105 : vector<1x16xi32> to vector<16xi32>
      %swap3A_1107 = vector.shape_cast %add3A_1102 : vector<16xi32> to vector<1x16xi32>
      tpu.vector_store %arg6[%swap3A_1103, %swap3A_1104], %swap3A_1107 {strides = array<i32>} : memref<130x128xi32, #tpu.memory_space<vmem>>, vector<1x16xi32>,
      %get3A_1108 = arith.index_cast %add3A_1009 : i32 to index
      %get3A_1109 = arith.constant 112 : index
      %get3A_1110 = tpu.vector_load %arg6[%get3A_1108, %get3A_1109] {strides = array<i32>} : memref<130x128xi32, #tpu.memory_space<vmem>>, vector<1x16xi32>,
      %get3A_1111 = vector.shape_cast %get3A_1110 : vector<1x16xi32> to vector<16xi32>
      %get3A_1112 = arith.index_cast %add3A_1009 : i32 to index
      %get3A_1113 = arith.constant 112 : index
      %get3A_1114 = tpu.vector_load %arg7[%get3A_1112, %get3A_1113] {strides = array<i32>} : memref<130x128xi32, #tpu.memory_space<vmem>>, vector<1x16xi32>,
      %get3A_1115 = vector.shape_cast %get3A_1114 : vector<1x16xi32> to vector<16xi32>
      %add3A_1116 = arith.addi %get3A_1111, %get3A_1115 : vector<16xi32>
      %swap3A_1117 = arith.index_cast %add3A_1009 : i32 to index
      %swap3A_1118 = arith.constant 112 : index
      %swap3A_1119 = tpu.vector_load %arg6[%swap3A_1117, %swap3A_1118] {strides = array<i32>} : memref<130x128xi32, #tpu.memory_space<vmem>>, vector<1x16xi32>,
      %swap3A_1120 = vector.shape_cast %swap3A_1119 : vector<1x16xi32> to vector<16xi32>
      %swap3A_1121 = vector.shape_cast %add3A_1116 : vector<16xi32> to vector<1x16xi32>
      tpu.vector_store %arg6[%swap3A_1117, %swap3A_1118], %swap3A_1121 {strides = array<i32>} : memref<130x128xi32, #tpu.memory_space<vmem>>, vector<1x16xi32>,
      %dma_start3A_1122 = arith.constant 1024 : i32
      %dma_start3A_1123 = arith.constant 0 : i32
      %dma_start3A_1124 = tpu.memref_slice %arg8[%dma_start3A_1122, %dma_start3A_1123] : memref<1664x32xf32, #tpu.memory_space<vmem>> -> memref<128x32xf32, #tpu.memory_space<vmem>>
      %dma_start3A_1125 = arith.constant 0 : i32
      %dma_start3A_1126 = tpu.memref_slice %arg6[%add3A_1009, %dma_start3A_1125] : memref<130x128xi32, #tpu.memory_space<vmem>> -> memref<1x128xi32, #tpu.memory_space<vmem>>
      %dma_start3A_1127 = tpu.memref_squeeze %dma_start3A_1126 : memref<1x128xi32, #tpu.memory_space<vmem>> -> memref<128xi32, #tpu.memory_space<vmem>>
      %dma_start3A_1128 = arith.constant 0 : i32
      %dma_start3A_1129 = arith.constant 0 : i32
      %dma_start3A_1130 = tpu.memref_slice %arg4[%dma_start3A_1128, %dma_start3A_1129] : memref<2600000x32xf32, #tpu.memory_space<hbm>> -> memref<2600000x32xf32, #tpu.memory_space<hbm>>
      tpu.enqueue_indirect_dma source(%dma_start3A_1130 : memref<2600000x32xf32, #tpu.memory_space<hbm>>) target(%dma_start3A_1124 : memref<128x32xf32, #tpu.memory_space<vmem>>) offsets(%dma_start3A_1127 : memref<128xi32, #tpu.memory_space<vmem>>) semaphore(%arg9 : memref<!tpu.dma_semaphore, #tpu.memory_space<semaphore_mem>>)
      %mul3A_1131 = arith.constant 13 : i32
      %mul3A_1132 = arith.muli %scan3A_8, %mul3A_1131 : i32
      %add3A_1133 = arith.constant 9 : i32
      %add3A_1134 = arith.addi %mul3A_1132, %add3A_1133 : i32
      %get3A_1135 = arith.index_cast %add3A_1134 : i32 to index
      %get3A_1136 = arith.constant 0 : index
      %get3A_1137 = tpu.vector_load %arg6[%get3A_1135, %get3A_1136] {strides = array<i32>} : memref<130x128xi32, #tpu.memory_space<vmem>>, vector<1x16xi32>,
      %get3A_1138 = vector.shape_cast %get3A_1137 : vector<1x16xi32> to vector<16xi32>
      %get3A_1139 = arith.index_cast %add3A_1134 : i32 to index
      %get3A_1140 = arith.constant 0 : index
      %get3A_1141 = tpu.vector_load %arg7[%get3A_1139, %get3A_1140] {strides = array<i32>} : memref<130x128xi32, #tpu.memory_space<vmem>>, vector<1x16xi32>,
      %get3A_1142 = vector.shape_cast %get3A_1141 : vector<1x16xi32> to vector<16xi32>
      %add3A_1143 = arith.addi %get3A_1138, %get3A_1142 : vector<16xi32>
      %swap3A_1144 = arith.index_cast %add3A_1134 : i32 to index
      %swap3A_1145 = arith.constant 0 : index
      %swap3A_1146 = tpu.vector_load %arg6[%swap3A_1144, %swap3A_1145] {strides = array<i32>} : memref<130x128xi32, #tpu.memory_space<vmem>>, vector<1x16xi32>,
      %swap3A_1147 = vector.shape_cast %swap3A_1146 : vector<1x16xi32> to vector<16xi32>
      %swap3A_1148 = vector.shape_cast %add3A_1143 : vector<16xi32> to vector<1x16xi32>
      tpu.vector_store %arg6[%swap3A_1144, %swap3A_1145], %swap3A_1148 {strides = array<i32>} : memref<130x128xi32, #tpu.memory_space<vmem>>, vector<1x16xi32>,
      %get3A_1149 = arith.index_cast %add3A_1134 : i32 to index
      %get3A_1150 = arith.constant 16 : index
      %get3A_1151 = tpu.vector_load %arg6[%get3A_1149, %get3A_1150] {strides = array<i32>} : memref<130x128xi32, #tpu.memory_space<vmem>>, vector<1x16xi32>,
      %get3A_1152 = vector.shape_cast %get3A_1151 : vector<1x16xi32> to vector<16xi32>
      %get3A_1153 = arith.index_cast %add3A_1134 : i32 to index
      %get3A_1154 = arith.constant 16 : index
      %get3A_1155 = tpu.vector_load %arg7[%get3A_1153, %get3A_1154] {strides = array<i32>} : memref<130x128xi32, #tpu.memory_space<vmem>>, vector<1x16xi32>,
      %get3A_1156 = vector.shape_cast %get3A_1155 : vector<1x16xi32> to vector<16xi32>
      %add3A_1157 = arith.addi %get3A_1152, %get3A_1156 : vector<16xi32>
      %swap3A_1158 = arith.index_cast %add3A_1134 : i32 to index
      %swap3A_1159 = arith.constant 16 : index
      %swap3A_1160 = tpu.vector_load %arg6[%swap3A_1158, %swap3A_1159] {strides = array<i32>} : memref<130x128xi32, #tpu.memory_space<vmem>>, vector<1x16xi32>,
      %swap3A_1161 = vector.shape_cast %swap3A_1160 : vector<1x16xi32> to vector<16xi32>
      %swap3A_1162 = vector.shape_cast %add3A_1157 : vector<16xi32> to vector<1x16xi32>
      tpu.vector_store %arg6[%swap3A_1158, %swap3A_1159], %swap3A_1162 {strides = array<i32>} : memref<130x128xi32, #tpu.memory_space<vmem>>, vector<1x16xi32>,
      %get3A_1163 = arith.index_cast %add3A_1134 : i32 to index
      %get3A_1164 = arith.constant 32 : index
      %get3A_1165 = tpu.vector_load %arg6[%get3A_1163, %get3A_1164] {strides = array<i32>} : memref<130x128xi32, #tpu.memory_space<vmem>>, vector<1x16xi32>,
      %get3A_1166 = vector.shape_cast %get3A_1165 : vector<1x16xi32> to vector<16xi32>
      %get3A_1167 = arith.index_cast %add3A_1134 : i32 to index
      %get3A_1168 = arith.constant 32 : index
      %get3A_1169 = tpu.vector_load %arg7[%get3A_1167, %get3A_1168] {strides = array<i32>} : memref<130x128xi32, #tpu.memory_space<vmem>>, vector<1x16xi32>,
      %get3A_1170 = vector.shape_cast %get3A_1169 : vector<1x16xi32> to vector<16xi32>
      %add3A_1171 = arith.addi %get3A_1166, %get3A_1170 : vector<16xi32>
      %swap3A_1172 = arith.index_cast %add3A_1134 : i32 to index
      %swap3A_1173 = arith.constant 32 : index
      %swap3A_1174 = tpu.vector_load %arg6[%swap3A_1172, %swap3A_1173] {strides = array<i32>} : memref<130x128xi32, #tpu.memory_space<vmem>>, vector<1x16xi32>,
      %swap3A_1175 = vector.shape_cast %swap3A_1174 : vector<1x16xi32> to vector<16xi32>
      %swap3A_1176 = vector.shape_cast %add3A_1171 : vector<16xi32> to vector<1x16xi32>
      tpu.vector_store %arg6[%swap3A_1172, %swap3A_1173], %swap3A_1176 {strides = array<i32>} : memref<130x128xi32, #tpu.memory_space<vmem>>, vector<1x16xi32>,
      %get3A_1177 = arith.index_cast %add3A_1134 : i32 to index
      %get3A_1178 = arith.constant 48 : index
      %get3A_1179 = tpu.vector_load %arg6[%get3A_1177, %get3A_1178] {strides = array<i32>} : memref<130x128xi32, #tpu.memory_space<vmem>>, vector<1x16xi32>,
      %get3A_1180 = vector.shape_cast %get3A_1179 : vector<1x16xi32> to vector<16xi32>
      %get3A_1181 = arith.index_cast %add3A_1134 : i32 to index
      %get3A_1182 = arith.constant 48 : index
      %get3A_1183 = tpu.vector_load %arg7[%get3A_1181, %get3A_1182] {strides = array<i32>} : memref<130x128xi32, #tpu.memory_space<vmem>>, vector<1x16xi32>,
      %get3A_1184 = vector.shape_cast %get3A_1183 : vector<1x16xi32> to vector<16xi32>
      %add3A_1185 = arith.addi %get3A_1180, %get3A_1184 : vector<16xi32>
      %swap3A_1186 = arith.index_cast %add3A_1134 : i32 to index
      %swap3A_1187 = arith.constant 48 : index
      %swap3A_1188 = tpu.vector_load %arg6[%swap3A_1186, %swap3A_1187] {strides = array<i32>} : memref<130x128xi32, #tpu.memory_space<vmem>>, vector<1x16xi32>,
      %swap3A_1189 = vector.shape_cast %swap3A_1188 : vector<1x16xi32> to vector<16xi32>
      %swap3A_1190 = vector.shape_cast %add3A_1185 : vector<16xi32> to vector<1x16xi32>
      tpu.vector_store %arg6[%swap3A_1186, %swap3A_1187], %swap3A_1190 {strides = array<i32>} : memref<130x128xi32, #tpu.memory_space<vmem>>, vector<1x16xi32>,
      %get3A_1191 = arith.index_cast %add3A_1134 : i32 to index
      %get3A_1192 = arith.constant 64 : index
      %get3A_1193 = tpu.vector_load %arg6[%get3A_1191, %get3A_1192] {strides = array<i32>} : memref<130x128xi32, #tpu.memory_space<vmem>>, vector<1x16xi32>,
      %get3A_1194 = vector.shape_cast %get3A_1193 : vector<1x16xi32> to vector<16xi32>
      %get3A_1195 = arith.index_cast %add3A_1134 : i32 to index
      %get3A_1196 = arith.constant 64 : index
      %get3A_1197 = tpu.vector_load %arg7[%get3A_1195, %get3A_1196] {strides = array<i32>} : memref<130x128xi32, #tpu.memory_space<vmem>>, vector<1x16xi32>,
      %get3A_1198 = vector.shape_cast %get3A_1197 : vector<1x16xi32> to vector<16xi32>
      %add3A_1199 = arith.addi %get3A_1194, %get3A_1198 : vector<16xi32>
      %swap3A_1200 = arith.index_cast %add3A_1134 : i32 to index
      %swap3A_1201 = arith.constant 64 : index
      %swap3A_1202 = tpu.vector_load %arg6[%swap3A_1200, %swap3A_1201] {strides = array<i32>} : memref<130x128xi32, #tpu.memory_space<vmem>>, vector<1x16xi32>,
      %swap3A_1203 = vector.shape_cast %swap3A_1202 : vector<1x16xi32> to vector<16xi32>
      %swap3A_1204 = vector.shape_cast %add3A_1199 : vector<16xi32> to vector<1x16xi32>
      tpu.vector_store %arg6[%swap3A_1200, %swap3A_1201], %swap3A_1204 {strides = array<i32>} : memref<130x128xi32, #tpu.memory_space<vmem>>, vector<1x16xi32>,
      %get3A_1205 = arith.index_cast %add3A_1134 : i32 to index
      %get3A_1206 = arith.constant 80 : index
      %get3A_1207 = tpu.vector_load %arg6[%get3A_1205, %get3A_1206] {strides = array<i32>} : memref<130x128xi32, #tpu.memory_space<vmem>>, vector<1x16xi32>,
      %get3A_1208 = vector.shape_cast %get3A_1207 : vector<1x16xi32> to vector<16xi32>
      %get3A_1209 = arith.index_cast %add3A_1134 : i32 to index
      %get3A_1210 = arith.constant 80 : index
      %get3A_1211 = tpu.vector_load %arg7[%get3A_1209, %get3A_1210] {strides = array<i32>} : memref<130x128xi32, #tpu.memory_space<vmem>>, vector<1x16xi32>,
      %get3A_1212 = vector.shape_cast %get3A_1211 : vector<1x16xi32> to vector<16xi32>
      %add3A_1213 = arith.addi %get3A_1208, %get3A_1212 : vector<16xi32>
      %swap3A_1214 = arith.index_cast %add3A_1134 : i32 to index
      %swap3A_1215 = arith.constant 80 : index
      %swap3A_1216 = tpu.vector_load %arg6[%swap3A_1214, %swap3A_1215] {strides = array<i32>} : memref<130x128xi32, #tpu.memory_space<vmem>>, vector<1x16xi32>,
      %swap3A_1217 = vector.shape_cast %swap3A_1216 : vector<1x16xi32> to vector<16xi32>
      %swap3A_1218 = vector.shape_cast %add3A_1213 : vector<16xi32> to vector<1x16xi32>
      tpu.vector_store %arg6[%swap3A_1214, %swap3A_1215], %swap3A_1218 {strides = array<i32>} : memref<130x128xi32, #tpu.memory_space<vmem>>, vector<1x16xi32>,
      %get3A_1219 = arith.index_cast %add3A_1134 : i32 to index
      %get3A_1220 = arith.constant 96 : index
      %get3A_1221 = tpu.vector_load %arg6[%get3A_1219, %get3A_1220] {strides = array<i32>} : memref<130x128xi32, #tpu.memory_space<vmem>>, vector<1x16xi32>,
      %get3A_1222 = vector.shape_cast %get3A_1221 : vector<1x16xi32> to vector<16xi32>
      %get3A_1223 = arith.index_cast %add3A_1134 : i32 to index
      %get3A_1224 = arith.constant 96 : index
      %get3A_1225 = tpu.vector_load %arg7[%get3A_1223, %get3A_1224] {strides = array<i32>} : memref<130x128xi32, #tpu.memory_space<vmem>>, vector<1x16xi32>,
      %get3A_1226 = vector.shape_cast %get3A_1225 : vector<1x16xi32> to vector<16xi32>
      %add3A_1227 = arith.addi %get3A_1222, %get3A_1226 : vector<16xi32>
      %swap3A_1228 = arith.index_cast %add3A_1134 : i32 to index
      %swap3A_1229 = arith.constant 96 : index
      %swap3A_1230 = tpu.vector_load %arg6[%swap3A_1228, %swap3A_1229] {strides = array<i32>} : memref<130x128xi32, #tpu.memory_space<vmem>>, vector<1x16xi32>,
      %swap3A_1231 = vector.shape_cast %swap3A_1230 : vector<1x16xi32> to vector<16xi32>
      %swap3A_1232 = vector.shape_cast %add3A_1227 : vector<16xi32> to vector<1x16xi32>
      tpu.vector_store %arg6[%swap3A_1228, %swap3A_1229], %swap3A_1232 {strides = array<i32>} : memref<130x128xi32, #tpu.memory_space<vmem>>, vector<1x16xi32>,
      %get3A_1233 = arith.index_cast %add3A_1134 : i32 to index
      %get3A_1234 = arith.constant 112 : index
      %get3A_1235 = tpu.vector_load %arg6[%get3A_1233, %get3A_1234] {strides = array<i32>} : memref<130x128xi32, #tpu.memory_space<vmem>>, vector<1x16xi32>,
      %get3A_1236 = vector.shape_cast %get3A_1235 : vector<1x16xi32> to vector<16xi32>
      %get3A_1237 = arith.index_cast %add3A_1134 : i32 to index
      %get3A_1238 = arith.constant 112 : index
      %get3A_1239 = tpu.vector_load %arg7[%get3A_1237, %get3A_1238] {strides = array<i32>} : memref<130x128xi32, #tpu.memory_space<vmem>>, vector<1x16xi32>,
      %get3A_1240 = vector.shape_cast %get3A_1239 : vector<1x16xi32> to vector<16xi32>
      %add3A_1241 = arith.addi %get3A_1236, %get3A_1240 : vector<16xi32>
      %swap3A_1242 = arith.index_cast %add3A_1134 : i32 to index
      %swap3A_1243 = arith.constant 112 : index
      %swap3A_1244 = tpu.vector_load %arg6[%swap3A_1242, %swap3A_1243] {strides = array<i32>} : memref<130x128xi32, #tpu.memory_space<vmem>>, vector<1x16xi32>,
      %swap3A_1245 = vector.shape_cast %swap3A_1244 : vector<1x16xi32> to vector<16xi32>
      %swap3A_1246 = vector.shape_cast %add3A_1241 : vector<16xi32> to vector<1x16xi32>
      tpu.vector_store %arg6[%swap3A_1242, %swap3A_1243], %swap3A_1246 {strides = array<i32>} : memref<130x128xi32, #tpu.memory_space<vmem>>, vector<1x16xi32>,
      %dma_start3A_1247 = arith.constant 1152 : i32
      %dma_start3A_1248 = arith.constant 0 : i32
      %dma_start3A_1249 = tpu.memref_slice %arg8[%dma_start3A_1247, %dma_start3A_1248] : memref<1664x32xf32, #tpu.memory_space<vmem>> -> memref<128x32xf32, #tpu.memory_space<vmem>>
      %dma_start3A_1250 = arith.constant 0 : i32
      %dma_start3A_1251 = tpu.memref_slice %arg6[%add3A_1134, %dma_start3A_1250] : memref<130x128xi32, #tpu.memory_space<vmem>> -> memref<1x128xi32, #tpu.memory_space<vmem>>
      %dma_start3A_1252 = tpu.memref_squeeze %dma_start3A_1251 : memref<1x128xi32, #tpu.memory_space<vmem>> -> memref<128xi32, #tpu.memory_space<vmem>>
      %dma_start3A_1253 = arith.constant 0 : i32
      %dma_start3A_1254 = arith.constant 0 : i32
      %dma_start3A_1255 = tpu.memref_slice %arg4[%dma_start3A_1253, %dma_start3A_1254] : memref<2600000x32xf32, #tpu.memory_space<hbm>> -> memref<2600000x32xf32, #tpu.memory_space<hbm>>
      tpu.enqueue_indirect_dma source(%dma_start3A_1255 : memref<2600000x32xf32, #tpu.memory_space<hbm>>) target(%dma_start3A_1249 : memref<128x32xf32, #tpu.memory_space<vmem>>) offsets(%dma_start3A_1252 : memref<128xi32, #tpu.memory_space<vmem>>) semaphore(%arg9 : memref<!tpu.dma_semaphore, #tpu.memory_space<semaphore_mem>>)
      %mul3A_1256 = arith.constant 13 : i32
      %mul3A_1257 = arith.muli %scan3A_8, %mul3A_1256 : i32
      %add3A_1258 = arith.constant 10 : i32
      %add3A_1259 = arith.addi %mul3A_1257, %add3A_1258 : i32
      %get3A_1260 = arith.index_cast %add3A_1259 : i32 to index
      %get3A_1261 = arith.constant 0 : index
      %get3A_1262 = tpu.vector_load %arg6[%get3A_1260, %get3A_1261] {strides = array<i32>} : memref<130x128xi32, #tpu.memory_space<vmem>>, vector<1x16xi32>,
      %get3A_1263 = vector.shape_cast %get3A_1262 : vector<1x16xi32> to vector<16xi32>
      %get3A_1264 = arith.index_cast %add3A_1259 : i32 to index
      %get3A_1265 = arith.constant 0 : index
      %get3A_1266 = tpu.vector_load %arg7[%get3A_1264, %get3A_1265] {strides = array<i32>} : memref<130x128xi32, #tpu.memory_space<vmem>>, vector<1x16xi32>,
      %get3A_1267 = vector.shape_cast %get3A_1266 : vector<1x16xi32> to vector<16xi32>
      %add3A_1268 = arith.addi %get3A_1263, %get3A_1267 : vector<16xi32>
      %swap3A_1269 = arith.index_cast %add3A_1259 : i32 to index
      %swap3A_1270 = arith.constant 0 : index
      %swap3A_1271 = tpu.vector_load %arg6[%swap3A_1269, %swap3A_1270] {strides = array<i32>} : memref<130x128xi32, #tpu.memory_space<vmem>>, vector<1x16xi32>,
      %swap3A_1272 = vector.shape_cast %swap3A_1271 : vector<1x16xi32> to vector<16xi32>
      %swap3A_1273 = vector.shape_cast %add3A_1268 : vector<16xi32> to vector<1x16xi32>
      tpu.vector_store %arg6[%swap3A_1269, %swap3A_1270], %swap3A_1273 {strides = array<i32>} : memref<130x128xi32, #tpu.memory_space<vmem>>, vector<1x16xi32>,
      %get3A_1274 = arith.index_cast %add3A_1259 : i32 to index
      %get3A_1275 = arith.constant 16 : index
      %get3A_1276 = tpu.vector_load %arg6[%get3A_1274, %get3A_1275] {strides = array<i32>} : memref<130x128xi32, #tpu.memory_space<vmem>>, vector<1x16xi32>,
      %get3A_1277 = vector.shape_cast %get3A_1276 : vector<1x16xi32> to vector<16xi32>
      %get3A_1278 = arith.index_cast %add3A_1259 : i32 to index
      %get3A_1279 = arith.constant 16 : index
      %get3A_1280 = tpu.vector_load %arg7[%get3A_1278, %get3A_1279] {strides = array<i32>} : memref<130x128xi32, #tpu.memory_space<vmem>>, vector<1x16xi32>,
      %get3A_1281 = vector.shape_cast %get3A_1280 : vector<1x16xi32> to vector<16xi32>
      %add3A_1282 = arith.addi %get3A_1277, %get3A_1281 : vector<16xi32>
      %swap3A_1283 = arith.index_cast %add3A_1259 : i32 to index
      %swap3A_1284 = arith.constant 16 : index
      %swap3A_1285 = tpu.vector_load %arg6[%swap3A_1283, %swap3A_1284] {strides = array<i32>} : memref<130x128xi32, #tpu.memory_space<vmem>>, vector<1x16xi32>,
      %swap3A_1286 = vector.shape_cast %swap3A_1285 : vector<1x16xi32> to vector<16xi32>
      %swap3A_1287 = vector.shape_cast %add3A_1282 : vector<16xi32> to vector<1x16xi32>
      tpu.vector_store %arg6[%swap3A_1283, %swap3A_1284], %swap3A_1287 {strides = array<i32>} : memref<130x128xi32, #tpu.memory_space<vmem>>, vector<1x16xi32>,
      %get3A_1288 = arith.index_cast %add3A_1259 : i32 to index
      %get3A_1289 = arith.constant 32 : index
      %get3A_1290 = tpu.vector_load %arg6[%get3A_1288, %get3A_1289] {strides = array<i32>} : memref<130x128xi32, #tpu.memory_space<vmem>>, vector<1x16xi32>,
      %get3A_1291 = vector.shape_cast %get3A_1290 : vector<1x16xi32> to vector<16xi32>
      %get3A_1292 = arith.index_cast %add3A_1259 : i32 to index
      %get3A_1293 = arith.constant 32 : index
      %get3A_1294 = tpu.vector_load %arg7[%get3A_1292, %get3A_1293] {strides = array<i32>} : memref<130x128xi32, #tpu.memory_space<vmem>>, vector<1x16xi32>,
      %get3A_1295 = vector.shape_cast %get3A_1294 : vector<1x16xi32> to vector<16xi32>
      %add3A_1296 = arith.addi %get3A_1291, %get3A_1295 : vector<16xi32>
      %swap3A_1297 = arith.index_cast %add3A_1259 : i32 to index
      %swap3A_1298 = arith.constant 32 : index
      %swap3A_1299 = tpu.vector_load %arg6[%swap3A_1297, %swap3A_1298] {strides = array<i32>} : memref<130x128xi32, #tpu.memory_space<vmem>>, vector<1x16xi32>,
      %swap3A_1300 = vector.shape_cast %swap3A_1299 : vector<1x16xi32> to vector<16xi32>
      %swap3A_1301 = vector.shape_cast %add3A_1296 : vector<16xi32> to vector<1x16xi32>
      tpu.vector_store %arg6[%swap3A_1297, %swap3A_1298], %swap3A_1301 {strides = array<i32>} : memref<130x128xi32, #tpu.memory_space<vmem>>, vector<1x16xi32>,
      %get3A_1302 = arith.index_cast %add3A_1259 : i32 to index
      %get3A_1303 = arith.constant 48 : index
      %get3A_1304 = tpu.vector_load %arg6[%get3A_1302, %get3A_1303] {strides = array<i32>} : memref<130x128xi32, #tpu.memory_space<vmem>>, vector<1x16xi32>,
      %get3A_1305 = vector.shape_cast %get3A_1304 : vector<1x16xi32> to vector<16xi32>
      %get3A_1306 = arith.index_cast %add3A_1259 : i32 to index
      %get3A_1307 = arith.constant 48 : index
      %get3A_1308 = tpu.vector_load %arg7[%get3A_1306, %get3A_1307] {strides = array<i32>} : memref<130x128xi32, #tpu.memory_space<vmem>>, vector<1x16xi32>,
      %get3A_1309 = vector.shape_cast %get3A_1308 : vector<1x16xi32> to vector<16xi32>
      %add3A_1310 = arith.addi %get3A_1305, %get3A_1309 : vector<16xi32>
      %swap3A_1311 = arith.index_cast %add3A_1259 : i32 to index
      %swap3A_1312 = arith.constant 48 : index
      %swap3A_1313 = tpu.vector_load %arg6[%swap3A_1311, %swap3A_1312] {strides = array<i32>} : memref<130x128xi32, #tpu.memory_space<vmem>>, vector<1x16xi32>,
      %swap3A_1314 = vector.shape_cast %swap3A_1313 : vector<1x16xi32> to vector<16xi32>
      %swap3A_1315 = vector.shape_cast %add3A_1310 : vector<16xi32> to vector<1x16xi32>
      tpu.vector_store %arg6[%swap3A_1311, %swap3A_1312], %swap3A_1315 {strides = array<i32>} : memref<130x128xi32, #tpu.memory_space<vmem>>, vector<1x16xi32>,
      %get3A_1316 = arith.index_cast %add3A_1259 : i32 to index
      %get3A_1317 = arith.constant 64 : index
      %get3A_1318 = tpu.vector_load %arg6[%get3A_1316, %get3A_1317] {strides = array<i32>} : memref<130x128xi32, #tpu.memory_space<vmem>>, vector<1x16xi32>,
      %get3A_1319 = vector.shape_cast %get3A_1318 : vector<1x16xi32> to vector<16xi32>
      %get3A_1320 = arith.index_cast %add3A_1259 : i32 to index
      %get3A_1321 = arith.constant 64 : index
      %get3A_1322 = tpu.vector_load %arg7[%get3A_1320, %get3A_1321] {strides = array<i32>} : memref<130x128xi32, #tpu.memory_space<vmem>>, vector<1x16xi32>,
      %get3A_1323 = vector.shape_cast %get3A_1322 : vector<1x16xi32> to vector<16xi32>
      %add3A_1324 = arith.addi %get3A_1319, %get3A_1323 : vector<16xi32>
      %swap3A_1325 = arith.index_cast %add3A_1259 : i32 to index
      %swap3A_1326 = arith.constant 64 : index
      %swap3A_1327 = tpu.vector_load %arg6[%swap3A_1325, %swap3A_1326] {strides = array<i32>} : memref<130x128xi32, #tpu.memory_space<vmem>>, vector<1x16xi32>,
      %swap3A_1328 = vector.shape_cast %swap3A_1327 : vector<1x16xi32> to vector<16xi32>
      %swap3A_1329 = vector.shape_cast %add3A_1324 : vector<16xi32> to vector<1x16xi32>
      tpu.vector_store %arg6[%swap3A_1325, %swap3A_1326], %swap3A_1329 {strides = array<i32>} : memref<130x128xi32, #tpu.memory_space<vmem>>, vector<1x16xi32>,
      %get3A_1330 = arith.index_cast %add3A_1259 : i32 to index
      %get3A_1331 = arith.constant 80 : index
      %get3A_1332 = tpu.vector_load %arg6[%get3A_1330, %get3A_1331] {strides = array<i32>} : memref<130x128xi32, #tpu.memory_space<vmem>>, vector<1x16xi32>,
      %get3A_1333 = vector.shape_cast %get3A_1332 : vector<1x16xi32> to vector<16xi32>
      %get3A_1334 = arith.index_cast %add3A_1259 : i32 to index
      %get3A_1335 = arith.constant 80 : index
      %get3A_1336 = tpu.vector_load %arg7[%get3A_1334, %get3A_1335] {strides = array<i32>} : memref<130x128xi32, #tpu.memory_space<vmem>>, vector<1x16xi32>,
      %get3A_1337 = vector.shape_cast %get3A_1336 : vector<1x16xi32> to vector<16xi32>
      %add3A_1338 = arith.addi %get3A_1333, %get3A_1337 : vector<16xi32>
      %swap3A_1339 = arith.index_cast %add3A_1259 : i32 to index
      %swap3A_1340 = arith.constant 80 : index
      %swap3A_1341 = tpu.vector_load %arg6[%swap3A_1339, %swap3A_1340] {strides = array<i32>} : memref<130x128xi32, #tpu.memory_space<vmem>>, vector<1x16xi32>,
      %swap3A_1342 = vector.shape_cast %swap3A_1341 : vector<1x16xi32> to vector<16xi32>
      %swap3A_1343 = vector.shape_cast %add3A_1338 : vector<16xi32> to vector<1x16xi32>
      tpu.vector_store %arg6[%swap3A_1339, %swap3A_1340], %swap3A_1343 {strides = array<i32>} : memref<130x128xi32, #tpu.memory_space<vmem>>, vector<1x16xi32>,
      %get3A_1344 = arith.index_cast %add3A_1259 : i32 to index
      %get3A_1345 = arith.constant 96 : index
      %get3A_1346 = tpu.vector_load %arg6[%get3A_1344, %get3A_1345] {strides = array<i32>} : memref<130x128xi32, #tpu.memory_space<vmem>>, vector<1x16xi32>,
      %get3A_1347 = vector.shape_cast %get3A_1346 : vector<1x16xi32> to vector<16xi32>
      %get3A_1348 = arith.index_cast %add3A_1259 : i32 to index
      %get3A_1349 = arith.constant 96 : index
      %get3A_1350 = tpu.vector_load %arg7[%get3A_1348, %get3A_1349] {strides = array<i32>} : memref<130x128xi32, #tpu.memory_space<vmem>>, vector<1x16xi32>,
      %get3A_1351 = vector.shape_cast %get3A_1350 : vector<1x16xi32> to vector<16xi32>
      %add3A_1352 = arith.addi %get3A_1347, %get3A_1351 : vector<16xi32>
      %swap3A_1353 = arith.index_cast %add3A_1259 : i32 to index
      %swap3A_1354 = arith.constant 96 : index
      %swap3A_1355 = tpu.vector_load %arg6[%swap3A_1353, %swap3A_1354] {strides = array<i32>} : memref<130x128xi32, #tpu.memory_space<vmem>>, vector<1x16xi32>,
      %swap3A_1356 = vector.shape_cast %swap3A_1355 : vector<1x16xi32> to vector<16xi32>
      %swap3A_1357 = vector.shape_cast %add3A_1352 : vector<16xi32> to vector<1x16xi32>
      tpu.vector_store %arg6[%swap3A_1353, %swap3A_1354], %swap3A_1357 {strides = array<i32>} : memref<130x128xi32, #tpu.memory_space<vmem>>, vector<1x16xi32>,
      %get3A_1358 = arith.index_cast %add3A_1259 : i32 to index
      %get3A_1359 = arith.constant 112 : index
      %get3A_1360 = tpu.vector_load %arg6[%get3A_1358, %get3A_1359] {strides = array<i32>} : memref<130x128xi32, #tpu.memory_space<vmem>>, vector<1x16xi32>,
      %get3A_1361 = vector.shape_cast %get3A_1360 : vector<1x16xi32> to vector<16xi32>
      %get3A_1362 = arith.index_cast %add3A_1259 : i32 to index
      %get3A_1363 = arith.constant 112 : index
      %get3A_1364 = tpu.vector_load %arg7[%get3A_1362, %get3A_1363] {strides = array<i32>} : memref<130x128xi32, #tpu.memory_space<vmem>>, vector<1x16xi32>,
      %get3A_1365 = vector.shape_cast %get3A_1364 : vector<1x16xi32> to vector<16xi32>
      %add3A_1366 = arith.addi %get3A_1361, %get3A_1365 : vector<16xi32>
      %swap3A_1367 = arith.index_cast %add3A_1259 : i32 to index
      %swap3A_1368 = arith.constant 112 : index
      %swap3A_1369 = tpu.vector_load %arg6[%swap3A_1367, %swap3A_1368] {strides = array<i32>} : memref<130x128xi32, #tpu.memory_space<vmem>>, vector<1x16xi32>,
      %swap3A_1370 = vector.shape_cast %swap3A_1369 : vector<1x16xi32> to vector<16xi32>
      %swap3A_1371 = vector.shape_cast %add3A_1366 : vector<16xi32> to vector<1x16xi32>
      tpu.vector_store %arg6[%swap3A_1367, %swap3A_1368], %swap3A_1371 {strides = array<i32>} : memref<130x128xi32, #tpu.memory_space<vmem>>, vector<1x16xi32>,
      %dma_start3A_1372 = arith.constant 1280 : i32
      %dma_start3A_1373 = arith.constant 0 : i32
      %dma_start3A_1374 = tpu.memref_slice %arg8[%dma_start3A_1372, %dma_start3A_1373] : memref<1664x32xf32, #tpu.memory_space<vmem>> -> memref<128x32xf32, #tpu.memory_space<vmem>>
      %dma_start3A_1375 = arith.constant 0 : i32
      %dma_start3A_1376 = tpu.memref_slice %arg6[%add3A_1259, %dma_start3A_1375] : memref<130x128xi32, #tpu.memory_space<vmem>> -> memref<1x128xi32, #tpu.memory_space<vmem>>
      %dma_start3A_1377 = tpu.memref_squeeze %dma_start3A_1376 : memref<1x128xi32, #tpu.memory_space<vmem>> -> memref<128xi32, #tpu.memory_space<vmem>>
      %dma_start3A_1378 = arith.constant 0 : i32
      %dma_start3A_1379 = arith.constant 0 : i32
      %dma_start3A_1380 = tpu.memref_slice %arg4[%dma_start3A_1378, %dma_start3A_1379] : memref<2600000x32xf32, #tpu.memory_space<hbm>> -> memref<2600000x32xf32, #tpu.memory_space<hbm>>
      tpu.enqueue_indirect_dma source(%dma_start3A_1380 : memref<2600000x32xf32, #tpu.memory_space<hbm>>) target(%dma_start3A_1374 : memref<128x32xf32, #tpu.memory_space<vmem>>) offsets(%dma_start3A_1377 : memref<128xi32, #tpu.memory_space<vmem>>) semaphore(%arg9 : memref<!tpu.dma_semaphore, #tpu.memory_space<semaphore_mem>>)
      %mul3A_1381 = arith.constant 13 : i32
      %mul3A_1382 = arith.muli %scan3A_8, %mul3A_1381 : i32
      %add3A_1383 = arith.constant 11 : i32
      %add3A_1384 = arith.addi %mul3A_1382, %add3A_1383 : i32
      %get3A_1385 = arith.index_cast %add3A_1384 : i32 to index
      %get3A_1386 = arith.constant 0 : index
      %get3A_1387 = tpu.vector_load %arg6[%get3A_1385, %get3A_1386] {strides = array<i32>} : memref<130x128xi32, #tpu.memory_space<vmem>>, vector<1x16xi32>,
      %get3A_1388 = vector.shape_cast %get3A_1387 : vector<1x16xi32> to vector<16xi32>
      %get3A_1389 = arith.index_cast %add3A_1384 : i32 to index
      %get3A_1390 = arith.constant 0 : index
      %get3A_1391 = tpu.vector_load %arg7[%get3A_1389, %get3A_1390] {strides = array<i32>} : memref<130x128xi32, #tpu.memory_space<vmem>>, vector<1x16xi32>,
      %get3A_1392 = vector.shape_cast %get3A_1391 : vector<1x16xi32> to vector<16xi32>
      %add3A_1393 = arith.addi %get3A_1388, %get3A_1392 : vector<16xi32>
      %swap3A_1394 = arith.index_cast %add3A_1384 : i32 to index
      %swap3A_1395 = arith.constant 0 : index
      %swap3A_1396 = tpu.vector_load %arg6[%swap3A_1394, %swap3A_1395] {strides = array<i32>} : memref<130x128xi32, #tpu.memory_space<vmem>>, vector<1x16xi32>,
      %swap3A_1397 = vector.shape_cast %swap3A_1396 : vector<1x16xi32> to vector<16xi32>
      %swap3A_1398 = vector.shape_cast %add3A_1393 : vector<16xi32> to vector<1x16xi32>
      tpu.vector_store %arg6[%swap3A_1394, %swap3A_1395], %swap3A_1398 {strides = array<i32>} : memref<130x128xi32, #tpu.memory_space<vmem>>, vector<1x16xi32>,
      %get3A_1399 = arith.index_cast %add3A_1384 : i32 to index
      %get3A_1400 = arith.constant 16 : index
      %get3A_1401 = tpu.vector_load %arg6[%get3A_1399, %get3A_1400] {strides = array<i32>} : memref<130x128xi32, #tpu.memory_space<vmem>>, vector<1x16xi32>,
      %get3A_1402 = vector.shape_cast %get3A_1401 : vector<1x16xi32> to vector<16xi32>
      %get3A_1403 = arith.index_cast %add3A_1384 : i32 to index
      %get3A_1404 = arith.constant 16 : index
      %get3A_1405 = tpu.vector_load %arg7[%get3A_1403, %get3A_1404] {strides = array<i32>} : memref<130x128xi32, #tpu.memory_space<vmem>>, vector<1x16xi32>,
      %get3A_1406 = vector.shape_cast %get3A_1405 : vector<1x16xi32> to vector<16xi32>
      %add3A_1407 = arith.addi %get3A_1402, %get3A_1406 : vector<16xi32>
      %swap3A_1408 = arith.index_cast %add3A_1384 : i32 to index
      %swap3A_1409 = arith.constant 16 : index
      %swap3A_1410 = tpu.vector_load %arg6[%swap3A_1408, %swap3A_1409] {strides = array<i32>} : memref<130x128xi32, #tpu.memory_space<vmem>>, vector<1x16xi32>,
      %swap3A_1411 = vector.shape_cast %swap3A_1410 : vector<1x16xi32> to vector<16xi32>
      %swap3A_1412 = vector.shape_cast %add3A_1407 : vector<16xi32> to vector<1x16xi32>
      tpu.vector_store %arg6[%swap3A_1408, %swap3A_1409], %swap3A_1412 {strides = array<i32>} : memref<130x128xi32, #tpu.memory_space<vmem>>, vector<1x16xi32>,
      %get3A_1413 = arith.index_cast %add3A_1384 : i32 to index
      %get3A_1414 = arith.constant 32 : index
      %get3A_1415 = tpu.vector_load %arg6[%get3A_1413, %get3A_1414] {strides = array<i32>} : memref<130x128xi32, #tpu.memory_space<vmem>>, vector<1x16xi32>,
      %get3A_1416 = vector.shape_cast %get3A_1415 : vector<1x16xi32> to vector<16xi32>
      %get3A_1417 = arith.index_cast %add3A_1384 : i32 to index
      %get3A_1418 = arith.constant 32 : index
      %get3A_1419 = tpu.vector_load %arg7[%get3A_1417, %get3A_1418] {strides = array<i32>} : memref<130x128xi32, #tpu.memory_space<vmem>>, vector<1x16xi32>,
      %get3A_1420 = vector.shape_cast %get3A_1419 : vector<1x16xi32> to vector<16xi32>
      %add3A_1421 = arith.addi %get3A_1416, %get3A_1420 : vector<16xi32>
      %swap3A_1422 = arith.index_cast %add3A_1384 : i32 to index
      %swap3A_1423 = arith.constant 32 : index
      %swap3A_1424 = tpu.vector_load %arg6[%swap3A_1422, %swap3A_1423] {strides = array<i32>} : memref<130x128xi32, #tpu.memory_space<vmem>>, vector<1x16xi32>,
      %swap3A_1425 = vector.shape_cast %swap3A_1424 : vector<1x16xi32> to vector<16xi32>
      %swap3A_1426 = vector.shape_cast %add3A_1421 : vector<16xi32> to vector<1x16xi32>
      tpu.vector_store %arg6[%swap3A_1422, %swap3A_1423], %swap3A_1426 {strides = array<i32>} : memref<130x128xi32, #tpu.memory_space<vmem>>, vector<1x16xi32>,
      %get3A_1427 = arith.index_cast %add3A_1384 : i32 to index
      %get3A_1428 = arith.constant 48 : index
      %get3A_1429 = tpu.vector_load %arg6[%get3A_1427, %get3A_1428] {strides = array<i32>} : memref<130x128xi32, #tpu.memory_space<vmem>>, vector<1x16xi32>,
      %get3A_1430 = vector.shape_cast %get3A_1429 : vector<1x16xi32> to vector<16xi32>
      %get3A_1431 = arith.index_cast %add3A_1384 : i32 to index
      %get3A_1432 = arith.constant 48 : index
      %get3A_1433 = tpu.vector_load %arg7[%get3A_1431, %get3A_1432] {strides = array<i32>} : memref<130x128xi32, #tpu.memory_space<vmem>>, vector<1x16xi32>,
      %get3A_1434 = vector.shape_cast %get3A_1433 : vector<1x16xi32> to vector<16xi32>
      %add3A_1435 = arith.addi %get3A_1430, %get3A_1434 : vector<16xi32>
      %swap3A_1436 = arith.index_cast %add3A_1384 : i32 to index
      %swap3A_1437 = arith.constant 48 : index
      %swap3A_1438 = tpu.vector_load %arg6[%swap3A_1436, %swap3A_1437] {strides = array<i32>} : memref<130x128xi32, #tpu.memory_space<vmem>>, vector<1x16xi32>,
      %swap3A_1439 = vector.shape_cast %swap3A_1438 : vector<1x16xi32> to vector<16xi32>
      %swap3A_1440 = vector.shape_cast %add3A_1435 : vector<16xi32> to vector<1x16xi32>
      tpu.vector_store %arg6[%swap3A_1436, %swap3A_1437], %swap3A_1440 {strides = array<i32>} : memref<130x128xi32, #tpu.memory_space<vmem>>, vector<1x16xi32>,
      %get3A_1441 = arith.index_cast %add3A_1384 : i32 to index
      %get3A_1442 = arith.constant 64 : index
      %get3A_1443 = tpu.vector_load %arg6[%get3A_1441, %get3A_1442] {strides = array<i32>} : memref<130x128xi32, #tpu.memory_space<vmem>>, vector<1x16xi32>,
      %get3A_1444 = vector.shape_cast %get3A_1443 : vector<1x16xi32> to vector<16xi32>
      %get3A_1445 = arith.index_cast %add3A_1384 : i32 to index
      %get3A_1446 = arith.constant 64 : index
      %get3A_1447 = tpu.vector_load %arg7[%get3A_1445, %get3A_1446] {strides = array<i32>} : memref<130x128xi32, #tpu.memory_space<vmem>>, vector<1x16xi32>,
      %get3A_1448 = vector.shape_cast %get3A_1447 : vector<1x16xi32> to vector<16xi32>
      %add3A_1449 = arith.addi %get3A_1444, %get3A_1448 : vector<16xi32>
      %swap3A_1450 = arith.index_cast %add3A_1384 : i32 to index
      %swap3A_1451 = arith.constant 64 : index
      %swap3A_1452 = tpu.vector_load %arg6[%swap3A_1450, %swap3A_1451] {strides = array<i32>} : memref<130x128xi32, #tpu.memory_space<vmem>>, vector<1x16xi32>,
      %swap3A_1453 = vector.shape_cast %swap3A_1452 : vector<1x16xi32> to vector<16xi32>
      %swap3A_1454 = vector.shape_cast %add3A_1449 : vector<16xi32> to vector<1x16xi32>
      tpu.vector_store %arg6[%swap3A_1450, %swap3A_1451], %swap3A_1454 {strides = array<i32>} : memref<130x128xi32, #tpu.memory_space<vmem>>, vector<1x16xi32>,
      %get3A_1455 = arith.index_cast %add3A_1384 : i32 to index
      %get3A_1456 = arith.constant 80 : index
      %get3A_1457 = tpu.vector_load %arg6[%get3A_1455, %get3A_1456] {strides = array<i32>} : memref<130x128xi32, #tpu.memory_space<vmem>>, vector<1x16xi32>,
      %get3A_1458 = vector.shape_cast %get3A_1457 : vector<1x16xi32> to vector<16xi32>
      %get3A_1459 = arith.index_cast %add3A_1384 : i32 to index
      %get3A_1460 = arith.constant 80 : index
      %get3A_1461 = tpu.vector_load %arg7[%get3A_1459, %get3A_1460] {strides = array<i32>} : memref<130x128xi32, #tpu.memory_space<vmem>>, vector<1x16xi32>,
      %get3A_1462 = vector.shape_cast %get3A_1461 : vector<1x16xi32> to vector<16xi32>
      %add3A_1463 = arith.addi %get3A_1458, %get3A_1462 : vector<16xi32>
      %swap3A_1464 = arith.index_cast %add3A_1384 : i32 to index
      %swap3A_1465 = arith.constant 80 : index
      %swap3A_1466 = tpu.vector_load %arg6[%swap3A_1464, %swap3A_1465] {strides = array<i32>} : memref<130x128xi32, #tpu.memory_space<vmem>>, vector<1x16xi32>,
      %swap3A_1467 = vector.shape_cast %swap3A_1466 : vector<1x16xi32> to vector<16xi32>
      %swap3A_1468 = vector.shape_cast %add3A_1463 : vector<16xi32> to vector<1x16xi32>
      tpu.vector_store %arg6[%swap3A_1464, %swap3A_1465], %swap3A_1468 {strides = array<i32>} : memref<130x128xi32, #tpu.memory_space<vmem>>, vector<1x16xi32>,
      %get3A_1469 = arith.index_cast %add3A_1384 : i32 to index
      %get3A_1470 = arith.constant 96 : index
      %get3A_1471 = tpu.vector_load %arg6[%get3A_1469, %get3A_1470] {strides = array<i32>} : memref<130x128xi32, #tpu.memory_space<vmem>>, vector<1x16xi32>,
      %get3A_1472 = vector.shape_cast %get3A_1471 : vector<1x16xi32> to vector<16xi32>
      %get3A_1473 = arith.index_cast %add3A_1384 : i32 to index
      %get3A_1474 = arith.constant 96 : index
      %get3A_1475 = tpu.vector_load %arg7[%get3A_1473, %get3A_1474] {strides = array<i32>} : memref<130x128xi32, #tpu.memory_space<vmem>>, vector<1x16xi32>,
      %get3A_1476 = vector.shape_cast %get3A_1475 : vector<1x16xi32> to vector<16xi32>
      %add3A_1477 = arith.addi %get3A_1472, %get3A_1476 : vector<16xi32>
      %swap3A_1478 = arith.index_cast %add3A_1384 : i32 to index
      %swap3A_1479 = arith.constant 96 : index
      %swap3A_1480 = tpu.vector_load %arg6[%swap3A_1478, %swap3A_1479] {strides = array<i32>} : memref<130x128xi32, #tpu.memory_space<vmem>>, vector<1x16xi32>,
      %swap3A_1481 = vector.shape_cast %swap3A_1480 : vector<1x16xi32> to vector<16xi32>
      %swap3A_1482 = vector.shape_cast %add3A_1477 : vector<16xi32> to vector<1x16xi32>
      tpu.vector_store %arg6[%swap3A_1478, %swap3A_1479], %swap3A_1482 {strides = array<i32>} : memref<130x128xi32, #tpu.memory_space<vmem>>, vector<1x16xi32>,
      %get3A_1483 = arith.index_cast %add3A_1384 : i32 to index
      %get3A_1484 = arith.constant 112 : index
      %get3A_1485 = tpu.vector_load %arg6[%get3A_1483, %get3A_1484] {strides = array<i32>} : memref<130x128xi32, #tpu.memory_space<vmem>>, vector<1x16xi32>,
      %get3A_1486 = vector.shape_cast %get3A_1485 : vector<1x16xi32> to vector<16xi32>
      %get3A_1487 = arith.index_cast %add3A_1384 : i32 to index
      %get3A_1488 = arith.constant 112 : index
      %get3A_1489 = tpu.vector_load %arg7[%get3A_1487, %get3A_1488] {strides = array<i32>} : memref<130x128xi32, #tpu.memory_space<vmem>>, vector<1x16xi32>,
      %get3A_1490 = vector.shape_cast %get3A_1489 : vector<1x16xi32> to vector<16xi32>
      %add3A_1491 = arith.addi %get3A_1486, %get3A_1490 : vector<16xi32>
      %swap3A_1492 = arith.index_cast %add3A_1384 : i32 to index
      %swap3A_1493 = arith.constant 112 : index
      %swap3A_1494 = tpu.vector_load %arg6[%swap3A_1492, %swap3A_1493] {strides = array<i32>} : memref<130x128xi32, #tpu.memory_space<vmem>>, vector<1x16xi32>,
      %swap3A_1495 = vector.shape_cast %swap3A_1494 : vector<1x16xi32> to vector<16xi32>
      %swap3A_1496 = vector.shape_cast %add3A_1491 : vector<16xi32> to vector<1x16xi32>
      tpu.vector_store %arg6[%swap3A_1492, %swap3A_1493], %swap3A_1496 {strides = array<i32>} : memref<130x128xi32, #tpu.memory_space<vmem>>, vector<1x16xi32>,
      %dma_start3A_1497 = arith.constant 1408 : i32
      %dma_start3A_1498 = arith.constant 0 : i32
      %dma_start3A_1499 = tpu.memref_slice %arg8[%dma_start3A_1497, %dma_start3A_1498] : memref<1664x32xf32, #tpu.memory_space<vmem>> -> memref<128x32xf32, #tpu.memory_space<vmem>>
      %dma_start3A_1500 = arith.constant 0 : i32
      %dma_start3A_1501 = tpu.memref_slice %arg6[%add3A_1384, %dma_start3A_1500] : memref<130x128xi32, #tpu.memory_space<vmem>> -> memref<1x128xi32, #tpu.memory_space<vmem>>
      %dma_start3A_1502 = tpu.memref_squeeze %dma_start3A_1501 : memref<1x128xi32, #tpu.memory_space<vmem>> -> memref<128xi32, #tpu.memory_space<vmem>>
      %dma_start3A_1503 = arith.constant 0 : i32
      %dma_start3A_1504 = arith.constant 0 : i32
      %dma_start3A_1505 = tpu.memref_slice %arg4[%dma_start3A_1503, %dma_start3A_1504] : memref<2600000x32xf32, #tpu.memory_space<hbm>> -> memref<2600000x32xf32, #tpu.memory_space<hbm>>
      tpu.enqueue_indirect_dma source(%dma_start3A_1505 : memref<2600000x32xf32, #tpu.memory_space<hbm>>) target(%dma_start3A_1499 : memref<128x32xf32, #tpu.memory_space<vmem>>) offsets(%dma_start3A_1502 : memref<128xi32, #tpu.memory_space<vmem>>) semaphore(%arg9 : memref<!tpu.dma_semaphore, #tpu.memory_space<semaphore_mem>>)
      %mul3A_1506 = arith.constant 13 : i32
      %mul3A_1507 = arith.muli %scan3A_8, %mul3A_1506 : i32
      %add3A_1508 = arith.constant 12 : i32
      %add3A_1509 = arith.addi %mul3A_1507, %add3A_1508 : i32
      %get3A_1510 = arith.index_cast %add3A_1509 : i32 to index
      %get3A_1511 = arith.constant 0 : index
      %get3A_1512 = tpu.vector_load %arg6[%get3A_1510, %get3A_1511] {strides = array<i32>} : memref<130x128xi32, #tpu.memory_space<vmem>>, vector<1x16xi32>,
      %get3A_1513 = vector.shape_cast %get3A_1512 : vector<1x16xi32> to vector<16xi32>
      %get3A_1514 = arith.index_cast %add3A_1509 : i32 to index
      %get3A_1515 = arith.constant 0 : index
      %get3A_1516 = tpu.vector_load %arg7[%get3A_1514, %get3A_1515] {strides = array<i32>} : memref<130x128xi32, #tpu.memory_space<vmem>>, vector<1x16xi32>,
      %get3A_1517 = vector.shape_cast %get3A_1516 : vector<1x16xi32> to vector<16xi32>
      %add3A_1518 = arith.addi %get3A_1513, %get3A_1517 : vector<16xi32>
      %swap3A_1519 = arith.index_cast %add3A_1509 : i32 to index
      %swap3A_1520 = arith.constant 0 : index
      %swap3A_1521 = tpu.vector_load %arg6[%swap3A_1519, %swap3A_1520] {strides = array<i32>} : memref<130x128xi32, #tpu.memory_space<vmem>>, vector<1x16xi32>,
      %swap3A_1522 = vector.shape_cast %swap3A_1521 : vector<1x16xi32> to vector<16xi32>
      %swap3A_1523 = vector.shape_cast %add3A_1518 : vector<16xi32> to vector<1x16xi32>
      tpu.vector_store %arg6[%swap3A_1519, %swap3A_1520], %swap3A_1523 {strides = array<i32>} : memref<130x128xi32, #tpu.memory_space<vmem>>, vector<1x16xi32>,
      %get3A_1524 = arith.index_cast %add3A_1509 : i32 to index
      %get3A_1525 = arith.constant 16 : index
      %get3A_1526 = tpu.vector_load %arg6[%get3A_1524, %get3A_1525] {strides = array<i32>} : memref<130x128xi32, #tpu.memory_space<vmem>>, vector<1x16xi32>,
      %get3A_1527 = vector.shape_cast %get3A_1526 : vector<1x16xi32> to vector<16xi32>
      %get3A_1528 = arith.index_cast %add3A_1509 : i32 to index
      %get3A_1529 = arith.constant 16 : index
      %get3A_1530 = tpu.vector_load %arg7[%get3A_1528, %get3A_1529] {strides = array<i32>} : memref<130x128xi32, #tpu.memory_space<vmem>>, vector<1x16xi32>,
      %get3A_1531 = vector.shape_cast %get3A_1530 : vector<1x16xi32> to vector<16xi32>
      %add3A_1532 = arith.addi %get3A_1527, %get3A_1531 : vector<16xi32>
      %swap3A_1533 = arith.index_cast %add3A_1509 : i32 to index
      %swap3A_1534 = arith.constant 16 : index
      %swap3A_1535 = tpu.vector_load %arg6[%swap3A_1533, %swap3A_1534] {strides = array<i32>} : memref<130x128xi32, #tpu.memory_space<vmem>>, vector<1x16xi32>,
      %swap3A_1536 = vector.shape_cast %swap3A_1535 : vector<1x16xi32> to vector<16xi32>
      %swap3A_1537 = vector.shape_cast %add3A_1532 : vector<16xi32> to vector<1x16xi32>
      tpu.vector_store %arg6[%swap3A_1533, %swap3A_1534], %swap3A_1537 {strides = array<i32>} : memref<130x128xi32, #tpu.memory_space<vmem>>, vector<1x16xi32>,
      %get3A_1538 = arith.index_cast %add3A_1509 : i32 to index
      %get3A_1539 = arith.constant 32 : index
      %get3A_1540 = tpu.vector_load %arg6[%get3A_1538, %get3A_1539] {strides = array<i32>} : memref<130x128xi32, #tpu.memory_space<vmem>>, vector<1x16xi32>,
      %get3A_1541 = vector.shape_cast %get3A_1540 : vector<1x16xi32> to vector<16xi32>
      %get3A_1542 = arith.index_cast %add3A_1509 : i32 to index
      %get3A_1543 = arith.constant 32 : index
      %get3A_1544 = tpu.vector_load %arg7[%get3A_1542, %get3A_1543] {strides = array<i32>} : memref<130x128xi32, #tpu.memory_space<vmem>>, vector<1x16xi32>,
      %get3A_1545 = vector.shape_cast %get3A_1544 : vector<1x16xi32> to vector<16xi32>
      %add3A_1546 = arith.addi %get3A_1541, %get3A_1545 : vector<16xi32>
      %swap3A_1547 = arith.index_cast %add3A_1509 : i32 to index
      %swap3A_1548 = arith.constant 32 : index
      %swap3A_1549 = tpu.vector_load %arg6[%swap3A_1547, %swap3A_1548] {strides = array<i32>} : memref<130x128xi32, #tpu.memory_space<vmem>>, vector<1x16xi32>,
      %swap3A_1550 = vector.shape_cast %swap3A_1549 : vector<1x16xi32> to vector<16xi32>
      %swap3A_1551 = vector.shape_cast %add3A_1546 : vector<16xi32> to vector<1x16xi32>
      tpu.vector_store %arg6[%swap3A_1547, %swap3A_1548], %swap3A_1551 {strides = array<i32>} : memref<130x128xi32, #tpu.memory_space<vmem>>, vector<1x16xi32>,
      %get3A_1552 = arith.index_cast %add3A_1509 : i32 to index
      %get3A_1553 = arith.constant 48 : index
      %get3A_1554 = tpu.vector_load %arg6[%get3A_1552, %get3A_1553] {strides = array<i32>} : memref<130x128xi32, #tpu.memory_space<vmem>>, vector<1x16xi32>,
      %get3A_1555 = vector.shape_cast %get3A_1554 : vector<1x16xi32> to vector<16xi32>
      %get3A_1556 = arith.index_cast %add3A_1509 : i32 to index
      %get3A_1557 = arith.constant 48 : index
      %get3A_1558 = tpu.vector_load %arg7[%get3A_1556, %get3A_1557] {strides = array<i32>} : memref<130x128xi32, #tpu.memory_space<vmem>>, vector<1x16xi32>,
      %get3A_1559 = vector.shape_cast %get3A_1558 : vector<1x16xi32> to vector<16xi32>
      %add3A_1560 = arith.addi %get3A_1555, %get3A_1559 : vector<16xi32>
      %swap3A_1561 = arith.index_cast %add3A_1509 : i32 to index
      %swap3A_1562 = arith.constant 48 : index
      %swap3A_1563 = tpu.vector_load %arg6[%swap3A_1561, %swap3A_1562] {strides = array<i32>} : memref<130x128xi32, #tpu.memory_space<vmem>>, vector<1x16xi32>,
      %swap3A_1564 = vector.shape_cast %swap3A_1563 : vector<1x16xi32> to vector<16xi32>
      %swap3A_1565 = vector.shape_cast %add3A_1560 : vector<16xi32> to vector<1x16xi32>
      tpu.vector_store %arg6[%swap3A_1561, %swap3A_1562], %swap3A_1565 {strides = array<i32>} : memref<130x128xi32, #tpu.memory_space<vmem>>, vector<1x16xi32>,
      %get3A_1566 = arith.index_cast %add3A_1509 : i32 to index
      %get3A_1567 = arith.constant 64 : index
      %get3A_1568 = tpu.vector_load %arg6[%get3A_1566, %get3A_1567] {strides = array<i32>} : memref<130x128xi32, #tpu.memory_space<vmem>>, vector<1x16xi32>,
      %get3A_1569 = vector.shape_cast %get3A_1568 : vector<1x16xi32> to vector<16xi32>
      %get3A_1570 = arith.index_cast %add3A_1509 : i32 to index
      %get3A_1571 = arith.constant 64 : index
      %get3A_1572 = tpu.vector_load %arg7[%get3A_1570, %get3A_1571] {strides = array<i32>} : memref<130x128xi32, #tpu.memory_space<vmem>>, vector<1x16xi32>,
      %get3A_1573 = vector.shape_cast %get3A_1572 : vector<1x16xi32> to vector<16xi32>
      %add3A_1574 = arith.addi %get3A_1569, %get3A_1573 : vector<16xi32>
      %swap3A_1575 = arith.index_cast %add3A_1509 : i32 to index
      %swap3A_1576 = arith.constant 64 : index
      %swap3A_1577 = tpu.vector_load %arg6[%swap3A_1575, %swap3A_1576] {strides = array<i32>} : memref<130x128xi32, #tpu.memory_space<vmem>>, vector<1x16xi32>,
      %swap3A_1578 = vector.shape_cast %swap3A_1577 : vector<1x16xi32> to vector<16xi32>
      %swap3A_1579 = vector.shape_cast %add3A_1574 : vector<16xi32> to vector<1x16xi32>
      tpu.vector_store %arg6[%swap3A_1575, %swap3A_1576], %swap3A_1579 {strides = array<i32>} : memref<130x128xi32, #tpu.memory_space<vmem>>, vector<1x16xi32>,
      %get3A_1580 = arith.index_cast %add3A_1509 : i32 to index
      %get3A_1581 = arith.constant 80 : index
      %get3A_1582 = tpu.vector_load %arg6[%get3A_1580, %get3A_1581] {strides = array<i32>} : memref<130x128xi32, #tpu.memory_space<vmem>>, vector<1x16xi32>,
      %get3A_1583 = vector.shape_cast %get3A_1582 : vector<1x16xi32> to vector<16xi32>
      %get3A_1584 = arith.index_cast %add3A_1509 : i32 to index
      %get3A_1585 = arith.constant 80 : index
      %get3A_1586 = tpu.vector_load %arg7[%get3A_1584, %get3A_1585] {strides = array<i32>} : memref<130x128xi32, #tpu.memory_space<vmem>>, vector<1x16xi32>,
      %get3A_1587 = vector.shape_cast %get3A_1586 : vector<1x16xi32> to vector<16xi32>
      %add3A_1588 = arith.addi %get3A_1583, %get3A_1587 : vector<16xi32>
      %swap3A_1589 = arith.index_cast %add3A_1509 : i32 to index
      %swap3A_1590 = arith.constant 80 : index
      %swap3A_1591 = tpu.vector_load %arg6[%swap3A_1589, %swap3A_1590] {strides = array<i32>} : memref<130x128xi32, #tpu.memory_space<vmem>>, vector<1x16xi32>,
      %swap3A_1592 = vector.shape_cast %swap3A_1591 : vector<1x16xi32> to vector<16xi32>
      %swap3A_1593 = vector.shape_cast %add3A_1588 : vector<16xi32> to vector<1x16xi32>
      tpu.vector_store %arg6[%swap3A_1589, %swap3A_1590], %swap3A_1593 {strides = array<i32>} : memref<130x128xi32, #tpu.memory_space<vmem>>, vector<1x16xi32>,
      %get3A_1594 = arith.index_cast %add3A_1509 : i32 to index
      %get3A_1595 = arith.constant 96 : index
      %get3A_1596 = tpu.vector_load %arg6[%get3A_1594, %get3A_1595] {strides = array<i32>} : memref<130x128xi32, #tpu.memory_space<vmem>>, vector<1x16xi32>,
      %get3A_1597 = vector.shape_cast %get3A_1596 : vector<1x16xi32> to vector<16xi32>
      %get3A_1598 = arith.index_cast %add3A_1509 : i32 to index
      %get3A_1599 = arith.constant 96 : index
      %get3A_1600 = tpu.vector_load %arg7[%get3A_1598, %get3A_1599] {strides = array<i32>} : memref<130x128xi32, #tpu.memory_space<vmem>>, vector<1x16xi32>,
      %get3A_1601 = vector.shape_cast %get3A_1600 : vector<1x16xi32> to vector<16xi32>
      %add3A_1602 = arith.addi %get3A_1597, %get3A_1601 : vector<16xi32>
      %swap3A_1603 = arith.index_cast %add3A_1509 : i32 to index
      %swap3A_1604 = arith.constant 96 : index
      %swap3A_1605 = tpu.vector_load %arg6[%swap3A_1603, %swap3A_1604] {strides = array<i32>} : memref<130x128xi32, #tpu.memory_space<vmem>>, vector<1x16xi32>,
      %swap3A_1606 = vector.shape_cast %swap3A_1605 : vector<1x16xi32> to vector<16xi32>
      %swap3A_1607 = vector.shape_cast %add3A_1602 : vector<16xi32> to vector<1x16xi32>
      tpu.vector_store %arg6[%swap3A_1603, %swap3A_1604], %swap3A_1607 {strides = array<i32>} : memref<130x128xi32, #tpu.memory_space<vmem>>, vector<1x16xi32>,
      %get3A_1608 = arith.index_cast %add3A_1509 : i32 to index
      %get3A_1609 = arith.constant 112 : index
      %get3A_1610 = tpu.vector_load %arg6[%get3A_1608, %get3A_1609] {strides = array<i32>} : memref<130x128xi32, #tpu.memory_space<vmem>>, vector<1x16xi32>,
      %get3A_1611 = vector.shape_cast %get3A_1610 : vector<1x16xi32> to vector<16xi32>
      %get3A_1612 = arith.index_cast %add3A_1509 : i32 to index
      %get3A_1613 = arith.constant 112 : index
      %get3A_1614 = tpu.vector_load %arg7[%get3A_1612, %get3A_1613] {strides = array<i32>} : memref<130x128xi32, #tpu.memory_space<vmem>>, vector<1x16xi32>,
      %get3A_1615 = vector.shape_cast %get3A_1614 : vector<1x16xi32> to vector<16xi32>
      %add3A_1616 = arith.addi %get3A_1611, %get3A_1615 : vector<16xi32>
      %swap3A_1617 = arith.index_cast %add3A_1509 : i32 to index
      %swap3A_1618 = arith.constant 112 : index
      %swap3A_1619 = tpu.vector_load %arg6[%swap3A_1617, %swap3A_1618] {strides = array<i32>} : memref<130x128xi32, #tpu.memory_space<vmem>>, vector<1x16xi32>,
      %swap3A_1620 = vector.shape_cast %swap3A_1619 : vector<1x16xi32> to vector<16xi32>
      %swap3A_1621 = vector.shape_cast %add3A_1616 : vector<16xi32> to vector<1x16xi32>
      tpu.vector_store %arg6[%swap3A_1617, %swap3A_1618], %swap3A_1621 {strides = array<i32>} : memref<130x128xi32, #tpu.memory_space<vmem>>, vector<1x16xi32>,
      %dma_start3A_1622 = arith.constant 1536 : i32
      %dma_start3A_1623 = arith.constant 0 : i32
      %dma_start3A_1624 = tpu.memref_slice %arg8[%dma_start3A_1622, %dma_start3A_1623] : memref<1664x32xf32, #tpu.memory_space<vmem>> -> memref<128x32xf32, #tpu.memory_space<vmem>>
      %dma_start3A_1625 = arith.constant 0 : i32
      %dma_start3A_1626 = tpu.memref_slice %arg6[%add3A_1509, %dma_start3A_1625] : memref<130x128xi32, #tpu.memory_space<vmem>> -> memref<1x128xi32, #tpu.memory_space<vmem>>
      %dma_start3A_1627 = tpu.memref_squeeze %dma_start3A_1626 : memref<1x128xi32, #tpu.memory_space<vmem>> -> memref<128xi32, #tpu.memory_space<vmem>>
      %dma_start3A_1628 = arith.constant 0 : i32
      %dma_start3A_1629 = arith.constant 0 : i32
      %dma_start3A_1630 = tpu.memref_slice %arg4[%dma_start3A_1628, %dma_start3A_1629] : memref<2600000x32xf32, #tpu.memory_space<hbm>> -> memref<2600000x32xf32, #tpu.memory_space<hbm>>
      tpu.enqueue_indirect_dma source(%dma_start3A_1630 : memref<2600000x32xf32, #tpu.memory_space<hbm>>) target(%dma_start3A_1624 : memref<128x32xf32, #tpu.memory_space<vmem>>) offsets(%dma_start3A_1627 : memref<128xi32, #tpu.memory_space<vmem>>) semaphore(%arg9 : memref<!tpu.dma_semaphore, #tpu.memory_space<semaphore_mem>>)
      %dma_wait3A = arith.constant 0 : i32
      %dma_wait3A_1631 = arith.constant 0 : i32
      %dma_wait3A_1632 = tpu.memref_slice %arg8[%dma_wait3A, %dma_wait3A_1631] : memref<1664x32xf32, #tpu.memory_space<vmem>> -> memref<128x32xf32, #tpu.memory_space<vmem>>
      %dma_wait3A_1633 = arith.constant 0 : i32
      %dma_wait3A_1634 = tpu.memref_slice %arg6[%add3A_12, %dma_wait3A_1633] : memref<130x128xi32, #tpu.memory_space<vmem>> -> memref<1x128xi32, #tpu.memory_space<vmem>>
      %dma_wait3A_1635 = tpu.memref_squeeze %dma_wait3A_1634 : memref<1x128xi32, #tpu.memory_space<vmem>> -> memref<128xi32, #tpu.memory_space<vmem>>
      %dma_wait3A_1636 = arith.constant 0 : i32
      %dma_wait3A_1637 = arith.constant 0 : i32
      %dma_wait3A_1638 = tpu.memref_slice %arg4[%dma_wait3A_1636, %dma_wait3A_1637] : memref<2600000x32xf32, #tpu.memory_space<hbm>> -> memref<2600000x32xf32, #tpu.memory_space<hbm>>
      tpu.wait_indirect_dma semaphore(%arg9 : memref<!tpu.dma_semaphore, #tpu.memory_space<semaphore_mem>>) src(%dma_wait3A_1638 : memref<2600000x32xf32, #tpu.memory_space<hbm>>) dst(%dma_wait3A_1632 : memref<128x32xf32, #tpu.memory_space<vmem>>)
      %dma_wait3A_1639 = arith.constant 128 : i32
      %dma_wait3A_1640 = arith.constant 0 : i32
      %dma_wait3A_1641 = tpu.memref_slice %arg8[%dma_wait3A_1639, %dma_wait3A_1640] : memref<1664x32xf32, #tpu.memory_space<vmem>> -> memref<128x32xf32, #tpu.memory_space<vmem>>
      %dma_wait3A_1642 = arith.constant 0 : i32
      %dma_wait3A_1643 = tpu.memref_slice %arg6[%add3A_134, %dma_wait3A_1642] : memref<130x128xi32, #tpu.memory_space<vmem>> -> memref<1x128xi32, #tpu.memory_space<vmem>>
      %dma_wait3A_1644 = tpu.memref_squeeze %dma_wait3A_1643 : memref<1x128xi32, #tpu.memory_space<vmem>> -> memref<128xi32, #tpu.memory_space<vmem>>
      %dma_wait3A_1645 = arith.constant 0 : i32
      %dma_wait3A_1646 = arith.constant 0 : i32
      %dma_wait3A_1647 = tpu.memref_slice %arg4[%dma_wait3A_1645, %dma_wait3A_1646] : memref<2600000x32xf32, #tpu.memory_space<hbm>> -> memref<2600000x32xf32, #tpu.memory_space<hbm>>
      tpu.wait_indirect_dma semaphore(%arg9 : memref<!tpu.dma_semaphore, #tpu.memory_space<semaphore_mem>>) src(%dma_wait3A_1647 : memref<2600000x32xf32, #tpu.memory_space<hbm>>) dst(%dma_wait3A_1641 : memref<128x32xf32, #tpu.memory_space<vmem>>)
      %dma_wait3A_1648 = arith.constant 256 : i32
      %dma_wait3A_1649 = arith.constant 0 : i32
      %dma_wait3A_1650 = tpu.memref_slice %arg8[%dma_wait3A_1648, %dma_wait3A_1649] : memref<1664x32xf32, #tpu.memory_space<vmem>> -> memref<128x32xf32, #tpu.memory_space<vmem>>
      %dma_wait3A_1651 = arith.constant 0 : i32
      %dma_wait3A_1652 = tpu.memref_slice %arg6[%add3A_259, %dma_wait3A_1651] : memref<130x128xi32, #tpu.memory_space<vmem>> -> memref<1x128xi32, #tpu.memory_space<vmem>>
      %dma_wait3A_1653 = tpu.memref_squeeze %dma_wait3A_1652 : memref<1x128xi32, #tpu.memory_space<vmem>> -> memref<128xi32, #tpu.memory_space<vmem>>
      %dma_wait3A_1654 = arith.constant 0 : i32
      %dma_wait3A_1655 = arith.constant 0 : i32
      %dma_wait3A_1656 = tpu.memref_slice %arg4[%dma_wait3A_1654, %dma_wait3A_1655] : memref<2600000x32xf32, #tpu.memory_space<hbm>> -> memref<2600000x32xf32, #tpu.memory_space<hbm>>
      tpu.wait_indirect_dma semaphore(%arg9 : memref<!tpu.dma_semaphore, #tpu.memory_space<semaphore_mem>>) src(%dma_wait3A_1656 : memref<2600000x32xf32, #tpu.memory_space<hbm>>) dst(%dma_wait3A_1650 : memref<128x32xf32, #tpu.memory_space<vmem>>)
      %dma_wait3A_1657 = arith.constant 384 : i32
      %dma_wait3A_1658 = arith.constant 0 : i32
      %dma_wait3A_1659 = tpu.memref_slice %arg8[%dma_wait3A_1657, %dma_wait3A_1658] : memref<1664x32xf32, #tpu.memory_space<vmem>> -> memref<128x32xf32, #tpu.memory_space<vmem>>
      %dma_wait3A_1660 = arith.constant 0 : i32
      %dma_wait3A_1661 = tpu.memref_slice %arg6[%add3A_384, %dma_wait3A_1660] : memref<130x128xi32, #tpu.memory_space<vmem>> -> memref<1x128xi32, #tpu.memory_space<vmem>>
      %dma_wait3A_1662 = tpu.memref_squeeze %dma_wait3A_1661 : memref<1x128xi32, #tpu.memory_space<vmem>> -> memref<128xi32, #tpu.memory_space<vmem>>
      %dma_wait3A_1663 = arith.constant 0 : i32
      %dma_wait3A_1664 = arith.constant 0 : i32
      %dma_wait3A_1665 = tpu.memref_slice %arg4[%dma_wait3A_1663, %dma_wait3A_1664] : memref<2600000x32xf32, #tpu.memory_space<hbm>> -> memref<2600000x32xf32, #tpu.memory_space<hbm>>
      tpu.wait_indirect_dma semaphore(%arg9 : memref<!tpu.dma_semaphore, #tpu.memory_space<semaphore_mem>>) src(%dma_wait3A_1665 : memref<2600000x32xf32, #tpu.memory_space<hbm>>) dst(%dma_wait3A_1659 : memref<128x32xf32, #tpu.memory_space<vmem>>)
      %dma_wait3A_1666 = arith.constant 512 : i32
      %dma_wait3A_1667 = arith.constant 0 : i32
      %dma_wait3A_1668 = tpu.memref_slice %arg8[%dma_wait3A_1666, %dma_wait3A_1667] : memref<1664x32xf32, #tpu.memory_space<vmem>> -> memref<128x32xf32, #tpu.memory_space<vmem>>
      %dma_wait3A_1669 = arith.constant 0 : i32
      %dma_wait3A_1670 = tpu.memref_slice %arg6[%add3A_509, %dma_wait3A_1669] : memref<130x128xi32, #tpu.memory_space<vmem>> -> memref<1x128xi32, #tpu.memory_space<vmem>>
      %dma_wait3A_1671 = tpu.memref_squeeze %dma_wait3A_1670 : memref<1x128xi32, #tpu.memory_space<vmem>> -> memref<128xi32, #tpu.memory_space<vmem>>
      %dma_wait3A_1672 = arith.constant 0 : i32
      %dma_wait3A_1673 = arith.constant 0 : i32
      %dma_wait3A_1674 = tpu.memref_slice %arg4[%dma_wait3A_1672, %dma_wait3A_1673] : memref<2600000x32xf32, #tpu.memory_space<hbm>> -> memref<2600000x32xf32, #tpu.memory_space<hbm>>
      tpu.wait_indirect_dma semaphore(%arg9 : memref<!tpu.dma_semaphore, #tpu.memory_space<semaphore_mem>>) src(%dma_wait3A_1674 : memref<2600000x32xf32, #tpu.memory_space<hbm>>) dst(%dma_wait3A_1668 : memref<128x32xf32, #tpu.memory_space<vmem>>)
      %dma_wait3A_1675 = arith.constant 640 : i32
      %dma_wait3A_1676 = arith.constant 0 : i32
      %dma_wait3A_1677 = tpu.memref_slice %arg8[%dma_wait3A_1675, %dma_wait3A_1676] : memref<1664x32xf32, #tpu.memory_space<vmem>> -> memref<128x32xf32, #tpu.memory_space<vmem>>
      %dma_wait3A_1678 = arith.constant 0 : i32
      %dma_wait3A_1679 = tpu.memref_slice %arg6[%add3A_634, %dma_wait3A_1678] : memref<130x128xi32, #tpu.memory_space<vmem>> -> memref<1x128xi32, #tpu.memory_space<vmem>>
      %dma_wait3A_1680 = tpu.memref_squeeze %dma_wait3A_1679 : memref<1x128xi32, #tpu.memory_space<vmem>> -> memref<128xi32, #tpu.memory_space<vmem>>
      %dma_wait3A_1681 = arith.constant 0 : i32
      %dma_wait3A_1682 = arith.constant 0 : i32
      %dma_wait3A_1683 = tpu.memref_slice %arg4[%dma_wait3A_1681, %dma_wait3A_1682] : memref<2600000x32xf32, #tpu.memory_space<hbm>> -> memref<2600000x32xf32, #tpu.memory_space<hbm>>
      tpu.wait_indirect_dma semaphore(%arg9 : memref<!tpu.dma_semaphore, #tpu.memory_space<semaphore_mem>>) src(%dma_wait3A_1683 : memref<2600000x32xf32, #tpu.memory_space<hbm>>) dst(%dma_wait3A_1677 : memref<128x32xf32, #tpu.memory_space<vmem>>)
      %dma_wait3A_1684 = arith.constant 768 : i32
      %dma_wait3A_1685 = arith.constant 0 : i32
      %dma_wait3A_1686 = tpu.memref_slice %arg8[%dma_wait3A_1684, %dma_wait3A_1685] : memref<1664x32xf32, #tpu.memory_space<vmem>> -> memref<128x32xf32, #tpu.memory_space<vmem>>
      %dma_wait3A_1687 = arith.constant 0 : i32
      %dma_wait3A_1688 = tpu.memref_slice %arg6[%add3A_759, %dma_wait3A_1687] : memref<130x128xi32, #tpu.memory_space<vmem>> -> memref<1x128xi32, #tpu.memory_space<vmem>>
      %dma_wait3A_1689 = tpu.memref_squeeze %dma_wait3A_1688 : memref<1x128xi32, #tpu.memory_space<vmem>> -> memref<128xi32, #tpu.memory_space<vmem>>
      %dma_wait3A_1690 = arith.constant 0 : i32
      %dma_wait3A_1691 = arith.constant 0 : i32
      %dma_wait3A_1692 = tpu.memref_slice %arg4[%dma_wait3A_1690, %dma_wait3A_1691] : memref<2600000x32xf32, #tpu.memory_space<hbm>> -> memref<2600000x32xf32, #tpu.memory_space<hbm>>
      tpu.wait_indirect_dma semaphore(%arg9 : memref<!tpu.dma_semaphore, #tpu.memory_space<semaphore_mem>>) src(%dma_wait3A_1692 : memref<2600000x32xf32, #tpu.memory_space<hbm>>) dst(%dma_wait3A_1686 : memref<128x32xf32, #tpu.memory_space<vmem>>)
      %dma_wait3A_1693 = arith.constant 896 : i32
      %dma_wait3A_1694 = arith.constant 0 : i32
      %dma_wait3A_1695 = tpu.memref_slice %arg8[%dma_wait3A_1693, %dma_wait3A_1694] : memref<1664x32xf32, #tpu.memory_space<vmem>> -> memref<128x32xf32, #tpu.memory_space<vmem>>
      %dma_wait3A_1696 = arith.constant 0 : i32
      %dma_wait3A_1697 = tpu.memref_slice %arg6[%add3A_884, %dma_wait3A_1696] : memref<130x128xi32, #tpu.memory_space<vmem>> -> memref<1x128xi32, #tpu.memory_space<vmem>>
      %dma_wait3A_1698 = tpu.memref_squeeze %dma_wait3A_1697 : memref<1x128xi32, #tpu.memory_space<vmem>> -> memref<128xi32, #tpu.memory_space<vmem>>
      %dma_wait3A_1699 = arith.constant 0 : i32
      %dma_wait3A_1700 = arith.constant 0 : i32
      %dma_wait3A_1701 = tpu.memref_slice %arg4[%dma_wait3A_1699, %dma_wait3A_1700] : memref<2600000x32xf32, #tpu.memory_space<hbm>> -> memref<2600000x32xf32, #tpu.memory_space<hbm>>
      tpu.wait_indirect_dma semaphore(%arg9 : memref<!tpu.dma_semaphore, #tpu.memory_space<semaphore_mem>>) src(%dma_wait3A_1701 : memref<2600000x32xf32, #tpu.memory_space<hbm>>) dst(%dma_wait3A_1695 : memref<128x32xf32, #tpu.memory_space<vmem>>)
      %dma_wait3A_1702 = arith.constant 1024 : i32
      %dma_wait3A_1703 = arith.constant 0 : i32
      %dma_wait3A_1704 = tpu.memref_slice %arg8[%dma_wait3A_1702, %dma_wait3A_1703] : memref<1664x32xf32, #tpu.memory_space<vmem>> -> memref<128x32xf32, #tpu.memory_space<vmem>>
      %dma_wait3A_1705 = arith.constant 0 : i32
      %dma_wait3A_1706 = tpu.memref_slice %arg6[%add3A_1009, %dma_wait3A_1705] : memref<130x128xi32, #tpu.memory_space<vmem>> -> memref<1x128xi32, #tpu.memory_space<vmem>>
      %dma_wait3A_1707 = tpu.memref_squeeze %dma_wait3A_1706 : memref<1x128xi32, #tpu.memory_space<vmem>> -> memref<128xi32, #tpu.memory_space<vmem>>
      %dma_wait3A_1708 = arith.constant 0 : i32
      %dma_wait3A_1709 = arith.constant 0 : i32
      %dma_wait3A_1710 = tpu.memref_slice %arg4[%dma_wait3A_1708, %dma_wait3A_1709] : memref<2600000x32xf32, #tpu.memory_space<hbm>> -> memref<2600000x32xf32, #tpu.memory_space<hbm>>
      tpu.wait_indirect_dma semaphore(%arg9 : memref<!tpu.dma_semaphore, #tpu.memory_space<semaphore_mem>>) src(%dma_wait3A_1710 : memref<2600000x32xf32, #tpu.memory_space<hbm>>) dst(%dma_wait3A_1704 : memref<128x32xf32, #tpu.memory_space<vmem>>)
      %dma_wait3A_1711 = arith.constant 1152 : i32
      %dma_wait3A_1712 = arith.constant 0 : i32
      %dma_wait3A_1713 = tpu.memref_slice %arg8[%dma_wait3A_1711, %dma_wait3A_1712] : memref<1664x32xf32, #tpu.memory_space<vmem>> -> memref<128x32xf32, #tpu.memory_space<vmem>>
      %dma_wait3A_1714 = arith.constant 0 : i32
      %dma_wait3A_1715 = tpu.memref_slice %arg6[%add3A_1134, %dma_wait3A_1714] : memref<130x128xi32, #tpu.memory_space<vmem>> -> memref<1x128xi32, #tpu.memory_space<vmem>>
      %dma_wait3A_1716 = tpu.memref_squeeze %dma_wait3A_1715 : memref<1x128xi32, #tpu.memory_space<vmem>> -> memref<128xi32, #tpu.memory_space<vmem>>
      %dma_wait3A_1717 = arith.constant 0 : i32
      %dma_wait3A_1718 = arith.constant 0 : i32
      %dma_wait3A_1719 = tpu.memref_slice %arg4[%dma_wait3A_1717, %dma_wait3A_1718] : memref<2600000x32xf32, #tpu.memory_space<hbm>> -> memref<2600000x32xf32, #tpu.memory_space<hbm>>
      tpu.wait_indirect_dma semaphore(%arg9 : memref<!tpu.dma_semaphore, #tpu.memory_space<semaphore_mem>>) src(%dma_wait3A_1719 : memref<2600000x32xf32, #tpu.memory_space<hbm>>) dst(%dma_wait3A_1713 : memref<128x32xf32, #tpu.memory_space<vmem>>)
      %dma_wait3A_1720 = arith.constant 1280 : i32
      %dma_wait3A_1721 = arith.constant 0 : i32
      %dma_wait3A_1722 = tpu.memref_slice %arg8[%dma_wait3A_1720, %dma_wait3A_1721] : memref<1664x32xf32, #tpu.memory_space<vmem>> -> memref<128x32xf32, #tpu.memory_space<vmem>>
      %dma_wait3A_1723 = arith.constant 0 : i32
      %dma_wait3A_1724 = tpu.memref_slice %arg6[%add3A_1259, %dma_wait3A_1723] : memref<130x128xi32, #tpu.memory_space<vmem>> -> memref<1x128xi32, #tpu.memory_space<vmem>>
      %dma_wait3A_1725 = tpu.memref_squeeze %dma_wait3A_1724 : memref<1x128xi32, #tpu.memory_space<vmem>> -> memref<128xi32, #tpu.memory_space<vmem>>
      %dma_wait3A_1726 = arith.constant 0 : i32
      %dma_wait3A_1727 = arith.constant 0 : i32
      %dma_wait3A_1728 = tpu.memref_slice %arg4[%dma_wait3A_1726, %dma_wait3A_1727] : memref<2600000x32xf32, #tpu.memory_space<hbm>> -> memref<2600000x32xf32, #tpu.memory_space<hbm>>
      tpu.wait_indirect_dma semaphore(%arg9 : memref<!tpu.dma_semaphore, #tpu.memory_space<semaphore_mem>>) src(%dma_wait3A_1728 : memref<2600000x32xf32, #tpu.memory_space<hbm>>) dst(%dma_wait3A_1722 : memref<128x32xf32, #tpu.memory_space<vmem>>)
      %dma_wait3A_1729 = arith.constant 1408 : i32
      %dma_wait3A_1730 = arith.constant 0 : i32
      %dma_wait3A_1731 = tpu.memref_slice %arg8[%dma_wait3A_1729, %dma_wait3A_1730] : memref<1664x32xf32, #tpu.memory_space<vmem>> -> memref<128x32xf32, #tpu.memory_space<vmem>>
      %dma_wait3A_1732 = arith.constant 0 : i32
      %dma_wait3A_1733 = tpu.memref_slice %arg6[%add3A_1384, %dma_wait3A_1732] : memref<130x128xi32, #tpu.memory_space<vmem>> -> memref<1x128xi32, #tpu.memory_space<vmem>>
      %dma_wait3A_1734 = tpu.memref_squeeze %dma_wait3A_1733 : memref<1x128xi32, #tpu.memory_space<vmem>> -> memref<128xi32, #tpu.memory_space<vmem>>
      %dma_wait3A_1735 = arith.constant 0 : i32
      %dma_wait3A_1736 = arith.constant 0 : i32
      %dma_wait3A_1737 = tpu.memref_slice %arg4[%dma_wait3A_1735, %dma_wait3A_1736] : memref<2600000x32xf32, #tpu.memory_space<hbm>> -> memref<2600000x32xf32, #tpu.memory_space<hbm>>
      tpu.wait_indirect_dma semaphore(%arg9 : memref<!tpu.dma_semaphore, #tpu.memory_space<semaphore_mem>>) src(%dma_wait3A_1737 : memref<2600000x32xf32, #tpu.memory_space<hbm>>) dst(%dma_wait3A_1731 : memref<128x32xf32, #tpu.memory_space<vmem>>)
      %dma_wait3A_1738 = arith.constant 1536 : i32
      %dma_wait3A_1739 = arith.constant 0 : i32
      %dma_wait3A_1740 = tpu.memref_slice %arg8[%dma_wait3A_1738, %dma_wait3A_1739] : memref<1664x32xf32, #tpu.memory_space<vmem>> -> memref<128x32xf32, #tpu.memory_space<vmem>>
      %dma_wait3A_1741 = arith.constant 0 : i32
      %dma_wait3A_1742 = tpu.memref_slice %arg6[%add3A_1509, %dma_wait3A_1741] : memref<130x128xi32, #tpu.memory_space<vmem>> -> memref<1x128xi32, #tpu.memory_space<vmem>>
      %dma_wait3A_1743 = tpu.memref_squeeze %dma_wait3A_1742 : memref<1x128xi32, #tpu.memory_space<vmem>> -> memref<128xi32, #tpu.memory_space<vmem>>
      %dma_wait3A_1744 = arith.constant 0 : i32
      %dma_wait3A_1745 = arith.constant 0 : i32
      %dma_wait3A_1746 = tpu.memref_slice %arg4[%dma_wait3A_1744, %dma_wait3A_1745] : memref<2600000x32xf32, #tpu.memory_space<hbm>> -> memref<2600000x32xf32, #tpu.memory_space<hbm>>
      tpu.wait_indirect_dma semaphore(%arg9 : memref<!tpu.dma_semaphore, #tpu.memory_space<semaphore_mem>>) src(%dma_wait3A_1746 : memref<2600000x32xf32, #tpu.memory_space<hbm>>) dst(%dma_wait3A_1740 : memref<128x32xf32, #tpu.memory_space<vmem>>)
      %mul3A_1747 = arith.constant 1664 : i32
      %mul3A_1748 = arith.muli %scan3A_8, %mul3A_1747 : i32
      %add3A_1749 = arith.addi %mul3A_2, %mul3A_1748 : i32
      "tpu.region"() ({
        %run_scoped3A = tpu.sem_alloc : memref<!tpu.dma_semaphore, #tpu.memory_space<semaphore_mem>>
        %dma_start3A_1750 = arith.constant 0 : i32
        %dma_start3A_1751 = tpu.memref_slice %arg5[%add3A_1749, %dma_start3A_1750] : memref<532480x32xf32, #tpu.memory_space<hbm>> -> memref<1664x32xf32, #tpu.memory_space<hbm>>
        %dma_start3A_1752 = arith.constant 0 : i32
        %dma_start3A_1753 = tpu.memref_slice %arg5[%add3A_1749, %dma_start3A_1752] : memref<532480x32xf32, #tpu.memory_space<hbm>> -> memref<1664x32xf32, #tpu.memory_space<hbm>>
        tpu.enqueue_dma source(%arg8 : memref<1664x32xf32, #tpu.memory_space<vmem>>) target(%dma_start3A_1753 : memref<1664x32xf32, #tpu.memory_space<hbm>>) target_semaphore(%run_scoped3A : memref<!tpu.dma_semaphore, #tpu.memory_space<semaphore_mem>>)
        %dma_wait3A_1754 = arith.constant 0 : i32
        %dma_wait3A_1755 = tpu.memref_slice %arg5[%add3A_1749, %dma_wait3A_1754] : memref<532480x32xf32, #tpu.memory_space<hbm>> -> memref<1664x32xf32, #tpu.memory_space<hbm>>
        %dma_wait3A_1756 = arith.constant 0 : i32
        %dma_wait3A_1757 = tpu.memref_slice %arg5[%add3A_1749, %dma_wait3A_1756] : memref<532480x32xf32, #tpu.memory_space<hbm>> -> memref<1664x32xf32, #tpu.memory_space<hbm>>
        tpu.wait_dma2 semaphore(%run_scoped3A : memref<!tpu.dma_semaphore, #tpu.memory_space<semaphore_mem>>) src(%arg8 : memref<1664x32xf32, #tpu.memory_space<vmem>>) dst(%dma_wait3A_1757 : memref<1664x32xf32, #tpu.memory_space<hbm>>)
        tpu.yield
      }) : () -> ()
    }
    %scan3A_7 = arith.constant 10 : i32
    return
  }
}

</mosaic_0001>

<sc_bundles>
// kernel: kernel.3.cloned.1.call-start
scs
__scs_entry_jumppad:
0x0: {  	(pc) =	sbr.rel $0x88, $3  }
0x1: {  	(tag) =	ssettag $0x0;
	lr =	simm.s32 $0x1  }
0x2: {  	[smem:$0x3F9E] =	sst lr;
	_ =	strace $0xD0000000  }
0x3: {  	_ = 	snop  }
0x4: {  	_ = 	snop  }
0x5: {  	_ = 	snop  }
0x6: {  	_ = 	snop  }
0x7: {  	_ = 	snop  }
__scs_overlays_trampoline_lowered:
0x8: {  	[smem:$0x3FAD] =	sst s0  }
0x9: {  	[smem:$0x3FAE] =	sst s1  }
0xa: {  	[smem:$0x3FAF] =	sst s2  }
0xb: {  	[smem:$0x3FB0] =	sst s3  }
0xc: {  	[smem:$0x3FB1] =	sst s4  }
0xd: {  	[smem:$0x3FB2] =	sst s5  }
0xe: {  	[smem:$0x3FB3] =	sst s6  }
0xf: {  	[smem:$0x3FB4] =	sst s7  }
0x10: {  	[smem:$0x3FB5] =	sst s8  }
0x11: {  	[smem:$0x3FB6] =	sst s9;
	s0 =	simm.s32 @!p0 $0x0  }
0x12: {  	s1 =	sld [smem:$0x3F9C];
	s0 =	simm.s32 @p0 $0x1  }
0x13: {  	[smem:$0x3FB7] =	sst s0;
	s0 =	simm.s32 @!p1 $0x0  }
0x14: {  	s2 =	sld [smem:$0x3F9B];
	s0 =	simm.s32 @p1 $0x1  }
0x15: {  	[smem:$0x3FB8] =	sst s0;
	s0 =	simm.s32 @!p2 $0x0  }
0x16: {  	s3 =	sld [smem:$0x3FDB];
	s0 =	simm.s32 @p2 $0x1  }
0x17: {  	s4 =	simm.s32 $0x1BF5;
	[smem:$0x3FBA] =	sst s0  }
0x18: {  	s0 =	sld [smem:$0x3F9D];
	_ =	swait.ge [sflag:s4], $0x0  }
0x19: {  	s7 =	sld [smem:$0x3F9E]  }
0x1a: {  	s8 =	sadd.s32 $0xFFFFE003, lr  }
0x1b: {  	s9 =	sadd.s32 $0xFFFFFEF7, lr;
	s5 =	simm.s32 $0xFFFFFFFF;
	p2 =	slt.u32 s8, $0xFFFFF086  }
0x1c: {  	p1 =	slt.u32 s9, $0xF7A;
	s5 =	simm.s32 @!p2 $0x0  }
0x1d: {  	s5 =	simm.s32 @p1 $0x1;
	p0 =	seq.s32 s7, s2  }
0x1e: {  	s7 =	smul.u32 @!p0 $0xF7A, s2;
	p2 =	seq.s32 @!p0 s5, $0x0  }
0x1f: {  	s9 =	smul.u32 $0xF7A, s1;
	s8 =	simm.s32 @!p0 $0x1BF5;
	p2 =	por !p2, p0  }
0x20: {  	[sflag:s8] =	ssyncset.s32 @!p0 $0xFFFFF086;
	s6 =	sadd.s32 @!p0 s3, s7;
	s7 =	simm.s32 @!p0 $0x108  }
0x21: {  	s3 =	sadd.s32 s3, s9;
	s6 =	sadd.s32 @!p0 $0x88, s6;
	s7 =	simm.s32 @p2 $0x1082  }
0x22: {  	[simem:s7], [sflag:s8] =	dma.local @!p0 [hbm:s6], $0xF7A  }
0x23: {  	s9 =	sor.u32 $0xD0000000, s2;
	s6 =	simm.s32 $0x108;
	_ =	swait.ge @!p0 [sflag:s8], $0x0  }
0x24: {  	s3 =	sadd.s32 $0x88, s3;
	s6 =	simm.s32 @!p1 $0x1082;
	[sflag:s4] =	ssyncset.s32 $0xFFFFF086  }
0x25: {  	[simem:s6], [sflag:s4] =	dma.local [hbm:s3], $0xF7A  }
0x26: {  	[smem:$0x3F9E] =	sst s1;
	(tag) =	ssettag s2;
	_ =	strace s9  }
0x27: {  	s1 =	sld [smem:$0x3FAE]  }
0x28: {  	s2 =	sld [smem:$0x3FAF]  }
0x29: {  	s4 =	sld [smem:$0x3FB1]  }
0x2a: {  	p0 =	seq.s32 s5, $0x0;
	s5 =	sld [smem:$0x3FB2]  }
0x2b: {  	s6 =	sld [smem:$0x3FB3]  }
0x2c: {  	s7 =	sld [smem:$0x3FB4]  }
0x2d: {  	s3 =	simm.s32 $0x108;
	s8 =	sld [smem:$0x3FB5]  }
0x2e: {  	s3 =	simm.s32 @!p0 $0x1082;
	s9 =	sld [smem:$0x3FB6]  }
0x2f: {  	lr =	sadd.s32 s0, s3;
	s0 =	sld [smem:$0x3FAD]  }
0x30: {  	s3 =	sld [smem:$0x3FB0]  }
0x31: {  	[smem:$0x3FB9] =	sst s10  }
0x32: {  	s10 =	sld [smem:$0x3FB7];
	_ =	sdelay $0x3  }
0x33: {  	p0 =	seq.s32 s10, $0x1;
	s10 =	sld [smem:$0x3FB9];
	_ =	sdelay $0x3  }
0x34: {  	[smem:$0x3FB9] =	sst s10  }
0x35: {  	s10 =	sld [smem:$0x3FB8];
	_ =	sdelay $0x3  }
0x36: {  	p1 =	seq.s32 s10, $0x1;
	s10 =	sld [smem:$0x3FB9];
	_ =	sdelay $0x3  }
0x37: {  	[smem:$0x3FB9] =	sst s10  }
0x38: {  	s10 =	sld [smem:$0x3FBA]  }
0x39: {  	_ = 	snop;
	(pc) =	sbr.ind lr, $3  }
0x3a: {  	_ = 	snop  }
0x3b: {  	_ = 	snop  }
0x3c: {  	p2 =	seq.s32 s10, $0x1;
	s10 =	sld [smem:$0x3FB9]  }
0x3d: {  	_ =	shalt  }
0x3e: {  	_ =	shalt  }
0x3f: {  	_ =	shalt  }
0x40: {  	_ =	shalt  }
0x41: {  	_ =	shalt  }
0x42: {  	_ =	shalt  }
0x43: {  	_ =	shalt  }
0x44: {  	_ =	shalt  }
0x45: {  	_ =	shalt  }
0x46: {  	_ =	shalt  }
0x47: {  	_ =	shalt  }
0x48: {  	_ =	shalt  }
0x49: {  	_ =	shalt  }
0x4a: {  	_ =	shalt  }
0x4b: {  	_ =	shalt  }
0x4c: {  	_ =	shalt  }
0x4d: {  	_ =	shalt  }
0x4e: {  	_ =	shalt  }
0x4f: {  	_ =	shalt  }
0x50: {  	_ =	shalt  }
0x51: {  	_ =	shalt  }
0x52: {  	_ =	shalt  }
0x53: {  	_ =	shalt  }
0x54: {  	_ =	shalt  }
0x55: {  	_ =	shalt  }
0x56: {  	_ =	shalt  }
0x57: {  	_ =	shalt  }
0x58: {  	_ =	shalt  }
0x59: {  	_ =	shalt  }
0x5a: {  	_ =	shalt  }
0x5b: {  	_ =	shalt  }
0x5c: {  	_ =	shalt  }
0x5d: {  	_ =	shalt  }
0x5e: {  	_ =	shalt  }
0x5f: {  	_ =	shalt  }
0x60: {  	_ =	shalt  }
0x61: {  	_ =	shalt  }
0x62: {  	_ =	shalt  }
0x63: {  	_ =	shalt  }
0x64: {  	_ =	shalt  }
0x65: {  	_ =	shalt  }
0x66: {  	_ =	shalt  }
0x67: {  	_ =	shalt  }
0x68: {  	_ =	shalt  }
0x69: {  	_ =	shalt  }
0x6a: {  	_ =	shalt  }
0x6b: {  	_ =	shalt  }
0x6c: {  	_ =	shalt  }
0x6d: {  	_ =	shalt  }
0x6e: {  	_ =	shalt  }
0x6f: {  	_ =	shalt  }
0x70: {  	_ =	shalt  }
0x71: {  	_ =	shalt  }
0x72: {  	_ =	shalt  }
0x73: {  	_ =	shalt  }
0x74: {  	_ =	shalt  }
0x75: {  	_ =	shalt  }
0x76: {  	_ =	shalt  }
0x77: {  	_ =	shalt  }
0x78: {  	_ =	shalt  }
0x79: {  	_ =	shalt  }
0x7a: {  	_ =	shalt  }
0x7b: {  	_ =	shalt  }
0x7c: {  	_ =	shalt  }
0x7d: {  	_ =	shalt  }
0x7e: {  	_ =	shalt  }
0x7f: {  	_ =	shalt  }
0x80: {  	_ =	shalt  }
0x81: {  	_ =	shalt  }
0x82: {  	_ =	shalt  }
0x83: {  	_ =	shalt  }
0x84: {  	_ =	shalt  }
0x85: {  	_ =	shalt  }
0x86: {  	_ =	shalt  }
0x87: {  	_ =	shalt  }
.Lfunc_end0:
.L_simem_size_0:
called_computation.1_lowered:
.L_overlay_start_0:
0x88: {  	s2 =	sld [smem:$0x3FD9]  }
0x89: {  	s3 =	sld [smem:$0x3FFE];
	_ =	sdelay $0x1  }
0x8a: {  	s1 =	srdreg.scid  }
0x8b: {  	s0 =	sand.u32 $0x1, s1  }
0x8c: {  	s17 =	sshll.u32 s0, $0xA;
	s2 =	sadd.s32 s3, s2  }
0x8d: {  	s2 =	sadd.s32 s2, s17  }
0x8e: {  	[smem:$0x3FC5] =	sst s2  }
0x8f: {  	_ = 	snop  }
0x90: {  	s2 =	sld [smem:$0x3FD0];
	(tm) =	ssettm $0x1  }
0x91: {  	s18 =	sld [smem:$0x3FFB];
	_ =	sdelay $0x3  }
0x92: {  	_ =	strace s18  }
0x93: {  	s3 =	sld [smem:$0x3FFC];
	_ =	sdelay $0x3  }
0x94: {  	_ =	strace s3  }
0x95: {  	s3 =	sld [smem:$0x3FFD];
	_ =	sdelay $0x3  }
0x96: {  	_ =	strace s3  }
0x97: {  	_ =	strace $0x8FFFFFFF  }
0x98: {  	s19 =	sld [smem:$0x3FDB];
	_ =	sdelay $0x1  }
0x99: {  	s4 =	simm.s32 $_scs_section_size  }
0x9a: {  	s5 =	simm.s32 $_size__tile_overlayer_lowered;
	s6 =	simm.s32 $_tile_overlayer_lowered  }
0x9b: {  	s22 =	simm.s32 $0x1BFF;
	s21 =	sshll.u32 s6, $0x1;
	s3 =	sadd.s32 s4, s19  }
0x9c: {  	s7 =	simm.s32 $0x0;
	s20 =	sshll.u32 s5, $0x1;
	s5 =	sadd.s32 s21, s3  }
0x9d: {  	[timem:s7], [sflag:s22] =	dma.local [hbm:s5], s20  }
0x9e: {  	_ =	swait.ge [sflag:s22], s20  }
0x9f: {  	s4 =	ssub.s32 $0x0, s20;
	[sflag:s22] =	ssyncset.done $0x0  }
0xa0: {  	[sflag:s22] =	ssyncadd.s32 s4;
	_ =	sdelay $0x1  }
0xa1: {  	s23 =	simm.s32 $0x1B8B  }
0xa2: {  	_ =	swait.ge [sflag:s23], $0x1  }
0xa3: {  	[sflag:s23] =	ssyncset.done $0x0  }
0xa4: {  	s25 =	simm.s32 $0x1B8E;
	s24 =	sld [smem:$0x3FFE];
	[sflag:s23] =	ssyncadd.s32 $0xFFFFFFFF  }
0xa5: {  	s26 =	simm.s32 $execute0_lowered;
	[smem:$0x3FD2] =	sst s25  }
0xa6: {  	s5 =	sshll.u32 s26, $0x1;
	_ =	strace $0x80000046;
	[dreg:$0x1] =	wrdreg $0xFFFFFFFF  }
0xa7: {  	s28 =	simm.s32 $_size_execute0_lowered;
	s3 =	sadd.s32 s3, s5;
	[dreg:$0x0] =	wrdreg $0x0  }
0xa8: {  	s5 =	sshll.u32 s28, $0x1;
	[dreg:$0x2] =	wrdreg s3  }
0xa9: {  	[dreg:$0x3] =	wrdreg s5  }
0xaa: {  	[dreg:$0x4] =	wrdreg $0xC0  }
0xab: {  	_ =	task [dreg:s7], $0x5FFFF  }
0xac: {  	[dreg:$0x1] =	wrdreg $0xFFFFFFFF  }
0xad: {  	[dreg:$0x0] =	wrdreg $0x60  }
0xae: {  	[dreg:$0x2] =	wrdreg s24  }
0xaf: {  	[dreg:$0x3] =	wrdreg s2  }
0xb0: {  	[dreg:$0x4] =	wrdreg $0x9  }
0xb1: {  	_ =	task.clear_ibuf [dreg:s7], $0x5FFFF;
	_ =	strace $0x90000046  }
0xb2: {  	s29 =	simm.s32 $0x9;
	_ =	strace $0x80000048  }
0xb3: {  	_ =	swait.ge [sflag:s29], $0x1  }
0xb4: {  	[sflag:s29] =	ssyncadd.s32 $0xFFFFFFFF  }
0xb5: {  	_ =	strace $0x90000048  }
0xb6: {  	_ =	sfence  }
0xb7: {  	s30 =	sld [smem:$0x0];
	_ =	sdelay $0x2  }
0xb8: {  	s31 =	sshll.u32 s1, $0xD;
	s1 =	sshrl.u32 s1, $0x2  }
0xb9: {  	s3 =	sand.u32 $0x4000, s31;
	s1 =	sadd.s32 s1, s30  }
0xba: {  	s0 =	sor.u32 s3, s0;
	s1 =	sshll.u32 s1, $0x11  }
0xbb: {  	s0 =	sor.u32 s1, s0  }
0xbc: {  	s0 =	sadd.s32 $0x8F2B, s0  }
0xbd: {  	[sflag:s0] =	ssyncadd.remote.s32 $0x1  }
0xbe: {  	_ =	sfence.sel $0xFFFF  }
0xbf: {  	[dreg:$0x0] =	wrdreg $0xFFFFFFFF;
	(pc) =	sbr.abs _section_cstart, $3  }
0xc0: {  	[dreg:$0x1] =	wrdreg $0xFFFFFFFF  }
0xc1: {  	_ =	task.clear_ibuf [dreg:s7], $0x2FFFF;
	_ =	strace $0x9FFFFFFF  }
0xc2: {  	(tm) =	ssettm $0x7FFFFFFF  }
0xc3: {  	_ =	shalt  }
tec
execute0_lowered:
.L_overlay_start_1:
0x0: {  	(tag) =	ssettag $0x1  }
0x1: {  	s4 =	rddreg [dreg:$0x0];
	s1 =	srdreg.scid  }
0x2: {  	s0 =	stileid.u32;
	s2 =	rddreg [dreg:$0x1]  }
0x3: {  	s8 =	simm.s32 $0x2;
	s9 =	simm.s32 $0x4100;
	s11 =	simm.s32 $0x9200  }
0x4: {  	s10 =	simm.s32 $0x80;
	s12 =	simm.s32 $0xA200;
	s31 =	simm.s32 $0xB200  }
0x5: {  	s13 =	simm.s32 $0xD200;
	s14 =	simm.s32 $0xE200;
	s15 =	simm.s32 $0xF200  }
0x6: {  	s16 =	simm.s32 $0x10200;
	s17 =	simm.s32 $0x11200;
	s18 =	simm.s32 $0x12200  }
0x7: {  	s19 =	simm.s32 $0x13200;
	s20 =	simm.s32 $0x14200;
	s21 =	simm.s32 $0x1  }
0x8: {  	s22 =	simm.s32 $0x0;
	s5 =	sand.u32 $0x1, s1;
	[dreg:$0x3] =	wrdreg s2  }
0x9: {  	s30 =	sshll.u32 s0, $0x1;
	s1 =	rddreg [dreg:$0x2];
	s2 =	simm.s32 $0x0  }
0xa: {  	s3 =	sor.u32 s5, s30;
	[smem:$0x7FF] =	sst s2;
	s5 =	ssub.s32 $0x2, s5  }
0xb: {  	s3 =	smul.u32 $0x4100, s3;
	_ =	strace $0x80000047;
	[dreg:$0x4] =	wrdreg s11  }
0xc: {  	s7 =	sshrl.u32 s5, $0x1;
	s11 =	simm.s32 $0x8200;
	[dreg:$0x5] =	wrdreg s12  }
0xd: {  	[dreg:$0x6] =	wrdreg s31;
	s7 =	ssub.s32 s5, s7;
	s6 =	sshrl.u32 s3, $0x3  }
0xe: {  	s12 =	simm.s32 $0xC200;
	s7 =	smax.u32 s7, $0x1;
	s6 =	sadd.s32 s6, s4  }
0xf: {  	s4 =	sadd.s32 $0x27AD000, s4;
	s5 =	sadd.s32 $0xC00, s6;
	s6 =	sadd.s32 $0x11000, s6  }
.LBB2_1:
0x10: {  	[tilespmem:s2], [sflag:$0x2] =	stream.linear.gather [hbm4b:s5+s2], $0x4100, $0x38;
	[tilespmem:$0x15200] =	vst v63  }
0x11: {  	_ =	swait.ge [sflag:s8], $0x4100  }
0x12: {  	[sflag:s8] =	ssyncset.done $0x0  }
0x13: {  	[sflag:s8] =	ssyncadd.s32 $0xFFFFBF00  }
0x14: {  	[tilespmem:s9], [sflag:$0x2] =	stream.linear.gather [hbm4b:s6+s2], $0x4100, $0x38;
	[tilespmem:$0x15200] =	vst v63  }
0x15: {  	_ =	swait.ge [sflag:s8], $0x4100  }
0x16: {  	[sflag:s8] =	ssyncset.done $0x0  }
0x17: {  	s23 =	simm.s32 $0x0;
	[sflag:s8] =	ssyncadd.s32 $0xFFFFBF00  }
.LBB2_2:
0x18: {  	s24 =	smul.u32 $0x680, s23;
	_ =	sdelay $0x1  }
0x19: {  	v0 =	vld [tilespmem:s24+$0x0]  }
0x1a: {  	v1 =	vld [tilespmem:s24+$0x4100]  }
0x1b: {  	v2 =	vld [tilespmem:s24+$0x10]  }
0x1c: {  	v3 =	vld [tilespmem:s24+$0x4110]  }
0x1d: {  	v4 =	vld [tilespmem:s24+$0x20]  }
0x1e: {  	v5 =	vld [tilespmem:s24+$0x4120]  }
0x1f: {  	v6 =	vld [tilespmem:s24+$0x30]  }
0x20: {  	v7 =	vld [tilespmem:s24+$0x4130]  }
0x21: {  	v8 =	vld [tilespmem:s24+$0x40]  }
0x22: {  	v9 =	vld [tilespmem:s24+$0x4140]  }
0x23: {  	v10 =	vld [tilespmem:s24+$0x50]  }
0x24: {  	v11 =	vld [tilespmem:s24+$0x4150]  }
0x25: {  	v12 =	vld [tilespmem:s24+$0x60]  }
0x26: {  	v24 =	vld [tilespmem:s24+$0x4160];
	v0 =	vadd.s32 v0, v1  }
0x27: {  	v26 =	vld [tilespmem:s24+$0x70];
	v25 =	vadd.s32 v2, v3;
	[tilespmem:s24+$0x0] =	vst v0  }
0x28: {  	v28 =	vld [tilespmem:s24+$0x4170];
	v27 =	vadd.s32 v4, v5;
	[tilespmem:s24+$0x10] =	vst v25  }
0x29: {  	v29 =	vadd.s32 v6, v7;
	[tilespmem:s24+$0x20] =	vst v27  }
0x2a: {  	v30 =	vadd.s32 v8, v9;
	[tilespmem:s24+$0x30] =	vst v29  }
0x2b: {  	v31 =	vadd.s32 v10, v11;
	[tilespmem:s24+$0x40] =	vst v30  }
0x2c: {  	v32 =	vadd.s32 v12, v24;
	[tilespmem:s24+$0x50] =	vst v31  }
0x2d: {  	v33 =	vadd.s32 v26, v28;
	[tilespmem:s24+$0x60] =	vst v32  }
0x2e: {  	[tilespmem:s24+$0x70] =	vst v33  }
0x2f: {  	[tilespmem:s11], [sflag:$0x1] =	stream.indirect.gather [hbm4b:s4+s10], $0x20, s24, s10, $0xb8;
	[tilespmem:$0x15200] =	vst v63  }
0x30: {  	v34 =	vld [tilespmem:s24+$0x80]  }
0x31: {  	v35 =	vld [tilespmem:s24+$0x4180]  }
0x32: {  	v36 =	vld [tilespmem:s24+$0x90]  }
0x33: {  	v37 =	vld [tilespmem:s24+$0x4190]  }
0x34: {  	v38 =	vld [tilespmem:s24+$0xA0]  }
0x35: {  	v39 =	vld [tilespmem:s24+$0x41A0]  }
0x36: {  	v40 =	vld [tilespmem:s24+$0xB0]  }
0x37: {  	v41 =	vld [tilespmem:s24+$0x41B0]  }
0x38: {  	v42 =	vld [tilespmem:s24+$0xC0]  }
0x39: {  	v43 =	vld [tilespmem:s24+$0x41C0]  }
0x3a: {  	v44 =	vld [tilespmem:s24+$0xD0]  }
0x3b: {  	v45 =	vld [tilespmem:s24+$0x41D0]  }
0x3c: {  	v46 =	vld [tilespmem:s24+$0xE0]  }
0x3d: {  	v47 =	vld [tilespmem:s24+$0x41E0];
	v0 =	vadd.s32 v34, v35  }
0x3e: {  	v49 =	vld [tilespmem:s24+$0xF0];
	v48 =	vadd.s32 v36, v37;
	[tilespmem:s24+$0x80] =	vst v0  }
0x3f: {  	v51 =	vld [tilespmem:s24+$0x41F0];
	v50 =	vadd.s32 v38, v39;
	[tilespmem:s24+$0x90] =	vst v48  }
0x40: {  	v52 =	vadd.s32 v40, v41;
	[tilespmem:s24+$0xA0] =	vst v50  }
0x41: {  	v53 =	vadd.s32 v42, v43;
	[tilespmem:s24+$0xB0] =	vst v52  }
0x42: {  	v54 =	vadd.s32 v44, v45;
	[tilespmem:s24+$0xC0] =	vst v53  }
0x43: {  	v55 =	vadd.s32 v46, v47;
	[tilespmem:s24+$0xD0] =	vst v54  }
0x44: {  	v56 =	vadd.s32 v49, v51;
	[tilespmem:s24+$0xE0] =	vst v55  }
0x45: {  	s25 =	rddreg [dreg:$0x4];
	s26 =	sadd.s32 $0x80, s24;
	[tilespmem:s24+$0xF0] =	vst v56  }
0x46: {  	[tilespmem:s25], [sflag:$0x1] =	stream.indirect.gather [hbm4b:s4+s10], $0x20, s26, s10, $0xb8;
	[tilespmem:$0x15200] =	vst v63  }
0x47: {  	v57 =	vld [tilespmem:s24+$0x100]  }
0x48: {  	v58 =	vld [tilespmem:s24+$0x4200]  }
0x49: {  	v59 =	vld [tilespmem:s24+$0x110]  }
0x4a: {  	v60 =	vld [tilespmem:s24+$0x4210]  }
0x4b: {  	v61 =	vld [tilespmem:s24+$0x120]  }
0x4c: {  	v62 =	vld [tilespmem:s24+$0x4220]  }
0x4d: {  	v63 =	vld [tilespmem:s24+$0x130]  }
0x4e: {  	v16 =	vld [tilespmem:s24+$0x4230]  }
0x4f: {  	v17 =	vld [tilespmem:s24+$0x140]  }
0x50: {  	v18 =	vld [tilespmem:s24+$0x4240]  }
0x51: {  	v19 =	vld [tilespmem:s24+$0x150]  }
0x52: {  	v20 =	vld [tilespmem:s24+$0x4250]  }
0x53: {  	v21 =	vld [tilespmem:s24+$0x160]  }
0x54: {  	v22 =	vld [tilespmem:s24+$0x4260];
	v0 =	vadd.s32 v57, v58  }
0x55: {  	v24 =	vld [tilespmem:s24+$0x170];
	v23 =	vadd.s32 v59, v60;
	[tilespmem:s24+$0x100] =	vst v0  }
0x56: {  	v26 =	vld [tilespmem:s24+$0x4270];
	v25 =	vadd.s32 v61, v62;
	[tilespmem:s24+$0x110] =	vst v23  }
0x57: {  	v27 =	vadd.s32 v63, v16;
	[tilespmem:s24+$0x120] =	vst v25  }
0x58: {  	v28 =	vadd.s32 v17, v18;
	[tilespmem:s24+$0x130] =	vst v27  }
0x59: {  	v29 =	vadd.s32 v19, v20;
	[tilespmem:s24+$0x140] =	vst v28  }
0x5a: {  	v30 =	vadd.s32 v21, v22;
	[tilespmem:s24+$0x150] =	vst v29  }
0x5b: {  	v31 =	vadd.s32 v24, v26;
	[tilespmem:s24+$0x160] =	vst v30  }
0x5c: {  	s28 =	rddreg [dreg:$0x5];
	s29 =	sadd.s32 $0x100, s24;
	[tilespmem:s24+$0x170] =	vst v31  }
0x5d: {  	[tilespmem:s28], [sflag:$0x1] =	stream.indirect.gather [hbm4b:s4+s10], $0x20, s29, s10, $0xb8;
	[tilespmem:$0x15200] =	vst v63  }
0x5e: {  	v32 =	vld [tilespmem:s24+$0x180]  }
0x5f: {  	v33 =	vld [tilespmem:s24+$0x4280]  }
0x60: {  	v34 =	vld [tilespmem:s24+$0x190]  }
0x61: {  	v35 =	vld [tilespmem:s24+$0x4290]  }
0x62: {  	v36 =	vld [tilespmem:s24+$0x1A0]  }
0x63: {  	v37 =	vld [tilespmem:s24+$0x42A0]  }
0x64: {  	v38 =	vld [tilespmem:s24+$0x1B0]  }
0x65: {  	v39 =	vld [tilespmem:s24+$0x42B0]  }
0x66: {  	v40 =	vld [tilespmem:s24+$0x1C0]  }
0x67: {  	v41 =	vld [tilespmem:s24+$0x42C0]  }
0x68: {  	v42 =	vld [tilespmem:s24+$0x1D0]  }
0x69: {  	v43 =	vld [tilespmem:s24+$0x42D0]  }
0x6a: {  	v44 =	vld [tilespmem:s24+$0x1E0]  }
0x6b: {  	v45 =	vld [tilespmem:s24+$0x42E0];
	v0 =	vadd.s32 v32, v33  }
0x6c: {  	v47 =	vld [tilespmem:s24+$0x1F0];
	v46 =	vadd.s32 v34, v35;
	[tilespmem:s24+$0x180] =	vst v0  }
0x6d: {  	v49 =	vld [tilespmem:s24+$0x42F0];
	v48 =	vadd.s32 v36, v37;
	[tilespmem:s24+$0x190] =	vst v46  }
0x6e: {  	v50 =	vadd.s32 v38, v39;
	[tilespmem:s24+$0x1A0] =	vst v48  }
0x6f: {  	v51 =	vadd.s32 v40, v41;
	[tilespmem:s24+$0x1B0] =	vst v50  }
0x70: {  	v52 =	vadd.s32 v42, v43;
	[tilespmem:s24+$0x1C0] =	vst v51  }
0x71: {  	v53 =	vadd.s32 v44, v45;
	[tilespmem:s24+$0x1D0] =	vst v52  }
0x72: {  	v54 =	vadd.s32 v47, v49;
	[tilespmem:s24+$0x1E0] =	vst v53  }
0x73: {  	s30 =	rddreg [dreg:$0x6];
	s31 =	sadd.s32 $0x180, s24;
	[tilespmem:s24+$0x1F0] =	vst v54  }
0x74: {  	[tilespmem:s30], [sflag:$0x1] =	stream.indirect.gather [hbm4b:s4+s10], $0x20, s31, s10, $0xb8;
	[tilespmem:$0x15200] =	vst v63  }
0x75: {  	v55 =	vld [tilespmem:s24+$0x200]  }
0x76: {  	v56 =	vld [tilespmem:s24+$0x4300]  }
0x77: {  	v57 =	vld [tilespmem:s24+$0x210]  }
0x78: {  	v58 =	vld [tilespmem:s24+$0x4310]  }
0x79: {  	v59 =	vld [tilespmem:s24+$0x220]  }
0x7a: {  	v60 =	vld [tilespmem:s24+$0x4320]  }
0x7b: {  	v61 =	vld [tilespmem:s24+$0x230]  }
0x7c: {  	v62 =	vld [tilespmem:s24+$0x4330]  }
0x7d: {  	v63 =	vld [tilespmem:s24+$0x240]  }
0x7e: {  	v16 =	vld [tilespmem:s24+$0x4340]  }
0x7f: {  	v17 =	vld [tilespmem:s24+$0x250]  }
0x80: {  	v18 =	vld [tilespmem:s24+$0x4350]  }
0x81: {  	v19 =	vld [tilespmem:s24+$0x260]  }
0x82: {  	v20 =	vld [tilespmem:s24+$0x4360];
	v0 =	vadd.s32 v55, v56  }
0x83: {  	v22 =	vld [tilespmem:s24+$0x270];
	v21 =	vadd.s32 v57, v58;
	[tilespmem:s24+$0x200] =	vst v0  }
0x84: {  	v24 =	vld [tilespmem:s24+$0x4370];
	v23 =	vadd.s32 v59, v60;
	[tilespmem:s24+$0x210] =	vst v21  }
0x85: {  	v25 =	vadd.s32 v61, v62;
	[tilespmem:s24+$0x220] =	vst v23  }
0x86: {  	v26 =	vadd.s32 v63, v16;
	[tilespmem:s24+$0x230] =	vst v25  }
0x87: {  	v27 =	vadd.s32 v17, v18;
	[tilespmem:s24+$0x240] =	vst v26  }
0x88: {  	v28 =	vadd.s32 v19, v20;
	[tilespmem:s24+$0x250] =	vst v27  }
0x89: {  	v29 =	vadd.s32 v22, v24;
	[tilespmem:s24+$0x260] =	vst v28  }
0x8a: {  	s26 =	sadd.s32 $0x200, s24;
	[tilespmem:s24+$0x270] =	vst v29  }
0x8b: {  	[tilespmem:s12], [sflag:$0x1] =	stream.indirect.gather [hbm4b:s4+s10], $0x20, s26, s10, $0xb8;
	[tilespmem:$0x15200] =	vst v63  }
0x8c: {  	v30 =	vld [tilespmem:s24+$0x280]  }
0x8d: {  	v31 =	vld [tilespmem:s24+$0x4380]  }
0x8e: {  	v32 =	vld [tilespmem:s24+$0x290]  }
0x8f: {  	v33 =	vld [tilespmem:s24+$0x4390]  }
0x90: {  	v34 =	vld [tilespmem:s24+$0x2A0]  }
0x91: {  	v35 =	vld [tilespmem:s24+$0x43A0]  }
0x92: {  	v36 =	vld [tilespmem:s24+$0x2B0]  }
0x93: {  	v37 =	vld [tilespmem:s24+$0x43B0]  }
0x94: {  	v38 =	vld [tilespmem:s24+$0x2C0]  }
0x95: {  	v39 =	vld [tilespmem:s24+$0x43C0]  }
0x96: {  	v40 =	vld [tilespmem:s24+$0x2D0]  }
0x97: {  	v41 =	vld [tilespmem:s24+$0x43D0]  }
0x98: {  	v42 =	vld [tilespmem:s24+$0x2E0]  }
0x99: {  	v43 =	vld [tilespmem:s24+$0x43E0];
	v0 =	vadd.s32 v30, v31  }
0x9a: {  	v45 =	vld [tilespmem:s24+$0x2F0];
	v44 =	vadd.s32 v32, v33;
	[tilespmem:s24+$0x280] =	vst v0  }
0x9b: {  	v47 =	vld [tilespmem:s24+$0x43F0];
	v46 =	vadd.s32 v34, v35;
	[tilespmem:s24+$0x290] =	vst v44  }
0x9c: {  	v48 =	vadd.s32 v36, v37;
	[tilespmem:s24+$0x2A0] =	vst v46  }
0x9d: {  	v49 =	vadd.s32 v38, v39;
	[tilespmem:s24+$0x2B0] =	vst v48  }
0x9e: {  	v50 =	vadd.s32 v40, v41;
	[tilespmem:s24+$0x2C0] =	vst v49  }
0x9f: {  	v51 =	vadd.s32 v42, v43;
	[tilespmem:s24+$0x2D0] =	vst v50  }
0xa0: {  	v52 =	vadd.s32 v45, v47;
	[tilespmem:s24+$0x2E0] =	vst v51  }
0xa1: {  	s28 =	sadd.s32 $0x280, s24;
	[tilespmem:s24+$0x2F0] =	vst v52  }
0xa2: {  	[tilespmem:s13], [sflag:$0x1] =	stream.indirect.gather [hbm4b:s4+s10], $0x20, s28, s10, $0xb8;
	[tilespmem:$0x15200] =	vst v63  }
0xa3: {  	v53 =	vld [tilespmem:s24+$0x300]  }
0xa4: {  	v54 =	vld [tilespmem:s24+$0x4400]  }
0xa5: {  	v55 =	vld [tilespmem:s24+$0x310]  }
0xa6: {  	v56 =	vld [tilespmem:s24+$0x4410]  }
0xa7: {  	v57 =	vld [tilespmem:s24+$0x320]  }
0xa8: {  	v58 =	vld [tilespmem:s24+$0x4420]  }
0xa9: {  	v59 =	vld [tilespmem:s24+$0x330]  }
0xaa: {  	v60 =	vld [tilespmem:s24+$0x4430]  }
0xab: {  	v61 =	vld [tilespmem:s24+$0x340]  }
0xac: {  	v62 =	vld [tilespmem:s24+$0x4440]  }
0xad: {  	v63 =	vld [tilespmem:s24+$0x350]  }
0xae: {  	v16 =	vld [tilespmem:s24+$0x4450]  }
0xaf: {  	v17 =	vld [tilespmem:s24+$0x360]  }
0xb0: {  	v18 =	vld [tilespmem:s24+$0x4460];
	v0 =	vadd.s32 v53, v54  }
0xb1: {  	v20 =	vld [tilespmem:s24+$0x370];
	v19 =	vadd.s32 v55, v56;
	[tilespmem:s24+$0x300] =	vst v0  }
0xb2: {  	v22 =	vld [tilespmem:s24+$0x4470];
	v21 =	vadd.s32 v57, v58;
	[tilespmem:s24+$0x310] =	vst v19  }
0xb3: {  	v23 =	vadd.s32 v59, v60;
	[tilespmem:s24+$0x320] =	vst v21  }
0xb4: {  	v24 =	vadd.s32 v61, v62;
	[tilespmem:s24+$0x330] =	vst v23  }
0xb5: {  	v25 =	vadd.s32 v63, v16;
	[tilespmem:s24+$0x340] =	vst v24  }
0xb6: {  	v26 =	vadd.s32 v17, v18;
	[tilespmem:s24+$0x350] =	vst v25  }
0xb7: {  	v27 =	vadd.s32 v20, v22;
	[tilespmem:s24+$0x360] =	vst v26  }
0xb8: {  	s29 =	sadd.s32 $0x300, s24;
	[tilespmem:s24+$0x370] =	vst v27  }
0xb9: {  	[tilespmem:s14], [sflag:$0x1] =	stream.indirect.gather [hbm4b:s4+s10], $0x20, s29, s10, $0xb8;
	[tilespmem:$0x15200] =	vst v63  }
0xba: {  	v28 =	vld [tilespmem:s24+$0x380]  }
0xbb: {  	v29 =	vld [tilespmem:s24+$0x4480]  }
0xbc: {  	v30 =	vld [tilespmem:s24+$0x390]  }
0xbd: {  	v31 =	vld [tilespmem:s24+$0x4490]  }
0xbe: {  	v32 =	vld [tilespmem:s24+$0x3A0]  }
0xbf: {  	v33 =	vld [tilespmem:s24+$0x44A0]  }
0xc0: {  	v34 =	vld [tilespmem:s24+$0x3B0]  }
0xc1: {  	v35 =	vld [tilespmem:s24+$0x44B0]  }
0xc2: {  	v36 =	vld [tilespmem:s24+$0x3C0]  }
0xc3: {  	v37 =	vld [tilespmem:s24+$0x44C0]  }
0xc4: {  	v38 =	vld [tilespmem:s24+$0x3D0]  }
0xc5: {  	v39 =	vld [tilespmem:s24+$0x44D0]  }
0xc6: {  	v40 =	vld [tilespmem:s24+$0x3E0]  }
0xc7: {  	v41 =	vld [tilespmem:s24+$0x44E0];
	v0 =	vadd.s32 v28, v29  }
0xc8: {  	v43 =	vld [tilespmem:s24+$0x3F0];
	v42 =	vadd.s32 v30, v31;
	[tilespmem:s24+$0x380] =	vst v0  }
0xc9: {  	v45 =	vld [tilespmem:s24+$0x44F0];
	v44 =	vadd.s32 v32, v33;
	[tilespmem:s24+$0x390] =	vst v42  }
0xca: {  	v46 =	vadd.s32 v34, v35;
	[tilespmem:s24+$0x3A0] =	vst v44  }
0xcb: {  	v47 =	vadd.s32 v36, v37;
	[tilespmem:s24+$0x3B0] =	vst v46  }
0xcc: {  	v48 =	vadd.s32 v38, v39;
	[tilespmem:s24+$0x3C0] =	vst v47  }
0xcd: {  	v49 =	vadd.s32 v40, v41;
	[tilespmem:s24+$0x3D0] =	vst v48  }
0xce: {  	v50 =	vadd.s32 v43, v45;
	[tilespmem:s24+$0x3E0] =	vst v49  }
0xcf: {  	s30 =	sadd.s32 $0x380, s24;
	[tilespmem:s24+$0x3F0] =	vst v50  }
0xd0: {  	[tilespmem:s15], [sflag:$0x1] =	stream.indirect.gather [hbm4b:s4+s10], $0x20, s30, s10, $0xb8;
	[tilespmem:$0x15200] =	vst v63  }
0xd1: {  	v51 =	vld [tilespmem:s24+$0x400]  }
0xd2: {  	v52 =	vld [tilespmem:s24+$0x4500]  }
0xd3: {  	v53 =	vld [tilespmem:s24+$0x410]  }
0xd4: {  	v54 =	vld [tilespmem:s24+$0x4510]  }
0xd5: {  	v55 =	vld [tilespmem:s24+$0x420]  }
0xd6: {  	v56 =	vld [tilespmem:s24+$0x4520]  }
0xd7: {  	v57 =	vld [tilespmem:s24+$0x430]  }
0xd8: {  	v58 =	vld [tilespmem:s24+$0x4530]  }
0xd9: {  	v59 =	vld [tilespmem:s24+$0x440]  }
0xda: {  	v60 =	vld [tilespmem:s24+$0x4540]  }
0xdb: {  	v61 =	vld [tilespmem:s24+$0x450]  }
0xdc: {  	v62 =	vld [tilespmem:s24+$0x4550]  }
0xdd: {  	v63 =	vld [tilespmem:s24+$0x460]  }
0xde: {  	v13 =	vld [tilespmem:s24+$0x4560];
	v0 =	vadd.s32 v51, v52  }
0xdf: {  	v15 =	vld [tilespmem:s24+$0x470];
	v14 =	vadd.s32 v53, v54;
	[tilespmem:s24+$0x400] =	vst v0  }
0xe0: {  	v17 =	vld [tilespmem:s24+$0x4570];
	v16 =	vadd.s32 v55, v56;
	[tilespmem:s24+$0x410] =	vst v14  }
0xe1: {  	v18 =	vadd.s32 v57, v58;
	[tilespmem:s24+$0x420] =	vst v16  }
0xe2: {  	v19 =	vadd.s32 v59, v60;
	[tilespmem:s24+$0x430] =	vst v18  }
0xe3: {  	v20 =	vadd.s32 v61, v62;
	[tilespmem:s24+$0x440] =	vst v19  }
0xe4: {  	v21 =	vadd.s32 v63, v13;
	[tilespmem:s24+$0x450] =	vst v20  }
0xe5: {  	v22 =	vadd.s32 v15, v17;
	[tilespmem:s24+$0x460] =	vst v21  }
0xe6: {  	s31 =	sadd.s32 $0x400, s24;
	[tilespmem:s24+$0x470] =	vst v22  }
0xe7: {  	[tilespmem:s16], [sflag:$0x1] =	stream.indirect.gather [hbm4b:s4+s10], $0x20, s31, s10, $0xb8;
	[tilespmem:$0x15200] =	vst v63  }
0xe8: {  	v23 =	vld [tilespmem:s24+$0x480]  }
0xe9: {  	v24 =	vld [tilespmem:s24+$0x4580]  }
0xea: {  	v25 =	vld [tilespmem:s24+$0x490]  }
0xeb: {  	v26 =	vld [tilespmem:s24+$0x4590]  }
0xec: {  	v27 =	vld [tilespmem:s24+$0x4A0]  }
0xed: {  	v28 =	vld [tilespmem:s24+$0x45A0]  }
0xee: {  	v29 =	vld [tilespmem:s24+$0x4B0]  }
0xef: {  	v30 =	vld [tilespmem:s24+$0x45B0]  }
0xf0: {  	v31 =	vld [tilespmem:s24+$0x4C0]  }
0xf1: {  	v32 =	vld [tilespmem:s24+$0x45C0]  }
0xf2: {  	v33 =	vld [tilespmem:s24+$0x4D0]  }
0xf3: {  	v34 =	vld [tilespmem:s24+$0x45D0]  }
0xf4: {  	v35 =	vld [tilespmem:s24+$0x4E0]  }
0xf5: {  	v36 =	vld [tilespmem:s24+$0x45E0];
	v0 =	vadd.s32 v23, v24  }
0xf6: {  	v38 =	vld [tilespmem:s24+$0x4F0];
	v37 =	vadd.s32 v25, v26;
	[tilespmem:s24+$0x480] =	vst v0  }
0xf7: {  	v40 =	vld [tilespmem:s24+$0x45F0];
	v39 =	vadd.s32 v27, v28;
	[tilespmem:s24+$0x490] =	vst v37  }
0xf8: {  	v41 =	vadd.s32 v29, v30;
	[tilespmem:s24+$0x4A0] =	vst v39  }
0xf9: {  	v42 =	vadd.s32 v31, v32;
	[tilespmem:s24+$0x4B0] =	vst v41  }
0xfa: {  	v43 =	vadd.s32 v33, v34;
	[tilespmem:s24+$0x4C0] =	vst v42  }
0xfb: {  	v44 =	vadd.s32 v35, v36;
	[tilespmem:s24+$0x4D0] =	vst v43  }
0xfc: {  	v45 =	vadd.s32 v38, v40;
	[tilespmem:s24+$0x4E0] =	vst v44  }
0xfd: {  	s26 =	sadd.s32 $0x480, s24;
	[tilespmem:s24+$0x4F0] =	vst v45  }
0xfe: {  	[tilespmem:s17], [sflag:$0x1] =	stream.indirect.gather [hbm4b:s4+s10], $0x20, s26, s10, $0xb8;
	[tilespmem:$0x15200] =	vst v63  }
0xff: {  	v46 =	vld [tilespmem:s24+$0x500]  }
0x100: {  	v47 =	vld [tilespmem:s24+$0x4600]  }
0x101: {  	v48 =	vld [tilespmem:s24+$0x510]  }
0x102: {  	v49 =	vld [tilespmem:s24+$0x4610]  }
0x103: {  	v50 =	vld [tilespmem:s24+$0x520]  }
0x104: {  	v51 =	vld [tilespmem:s24+$0x4620]  }
0x105: {  	v52 =	vld [tilespmem:s24+$0x530]  }
0x106: {  	v53 =	vld [tilespmem:s24+$0x4630]  }
0x107: {  	v54 =	vld [tilespmem:s24+$0x540]  }
0x108: {  	v55 =	vld [tilespmem:s24+$0x4640]  }
0x109: {  	v56 =	vld [tilespmem:s24+$0x550]  }
0x10a: {  	v57 =	vld [tilespmem:s24+$0x4650]  }
0x10b: {  	v58 =	vld [tilespmem:s24+$0x560]  }
0x10c: {  	v59 =	vld [tilespmem:s24+$0x4660];
	v0 =	vadd.s32 v46, v47  }
0x10d: {  	v61 =	vld [tilespmem:s24+$0x570];
	v60 =	vadd.s32 v48, v49;
	[tilespmem:s24+$0x500] =	vst v0  }
0x10e: {  	v63 =	vld [tilespmem:s24+$0x4670];
	v62 =	vadd.s32 v50, v51;
	[tilespmem:s24+$0x510] =	vst v60  }
0x10f: {  	v13 =	vadd.s32 v52, v53;
	[tilespmem:s24+$0x520] =	vst v62  }
0x110: {  	v14 =	vadd.s32 v54, v55;
	[tilespmem:s24+$0x530] =	vst v13  }
0x111: {  	v15 =	vadd.s32 v56, v57;
	[tilespmem:s24+$0x540] =	vst v14  }
0x112: {  	v16 =	vadd.s32 v58, v59;
	[tilespmem:s24+$0x550] =	vst v15  }
0x113: {  	v17 =	vadd.s32 v61, v63;
	[tilespmem:s24+$0x560] =	vst v16  }
0x114: {  	s28 =	sadd.s32 $0x500, s24;
	[tilespmem:s24+$0x570] =	vst v17  }
0x115: {  	[tilespmem:s18], [sflag:$0x1] =	stream.indirect.gather [hbm4b:s4+s10], $0x20, s28, s10, $0xb8;
	[tilespmem:$0x15200] =	vst v63  }
0x116: {  	v18 =	vld [tilespmem:s24+$0x580]  }
0x117: {  	v19 =	vld [tilespmem:s24+$0x4680]  }
0x118: {  	v20 =	vld [tilespmem:s24+$0x590]  }
0x119: {  	v21 =	vld [tilespmem:s24+$0x4690]  }
0x11a: {  	v22 =	vld [tilespmem:s24+$0x5A0]  }
0x11b: {  	v23 =	vld [tilespmem:s24+$0x46A0]  }
0x11c: {  	v24 =	vld [tilespmem:s24+$0x5B0]  }
0x11d: {  	v25 =	vld [tilespmem:s24+$0x46B0]  }
0x11e: {  	v26 =	vld [tilespmem:s24+$0x5C0]  }
0x11f: {  	v27 =	vld [tilespmem:s24+$0x46C0]  }
0x120: {  	v28 =	vld [tilespmem:s24+$0x5D0]  }
0x121: {  	v29 =	vld [tilespmem:s24+$0x46D0]  }
0x122: {  	v30 =	vld [tilespmem:s24+$0x5E0]  }
0x123: {  	v31 =	vld [tilespmem:s24+$0x46E0];
	v0 =	vadd.s32 v18, v19  }
0x124: {  	v33 =	vld [tilespmem:s24+$0x5F0];
	v32 =	vadd.s32 v20, v21;
	[tilespmem:s24+$0x580] =	vst v0  }
0x125: {  	v35 =	vld [tilespmem:s24+$0x46F0];
	v34 =	vadd.s32 v22, v23;
	[tilespmem:s24+$0x590] =	vst v32  }
0x126: {  	v36 =	vadd.s32 v24, v25;
	[tilespmem:s24+$0x5A0] =	vst v34  }
0x127: {  	v37 =	vadd.s32 v26, v27;
	[tilespmem:s24+$0x5B0] =	vst v36  }
0x128: {  	v38 =	vadd.s32 v28, v29;
	[tilespmem:s24+$0x5C0] =	vst v37  }
0x129: {  	v39 =	vadd.s32 v30, v31;
	[tilespmem:s24+$0x5D0] =	vst v38  }
0x12a: {  	v40 =	vadd.s32 v33, v35;
	[tilespmem:s24+$0x5E0] =	vst v39  }
0x12b: {  	s29 =	sadd.s32 $0x580, s24;
	[tilespmem:s24+$0x5F0] =	vst v40  }
0x12c: {  	[tilespmem:s19], [sflag:$0x1] =	stream.indirect.gather [hbm4b:s4+s10], $0x20, s29, s10, $0xb8;
	[tilespmem:$0x15200] =	vst v63  }
0x12d: {  	v41 =	vld [tilespmem:s24+$0x600]  }
0x12e: {  	v42 =	vld [tilespmem:s24+$0x4700]  }
0x12f: {  	v43 =	vld [tilespmem:s24+$0x610]  }
0x130: {  	v44 =	vld [tilespmem:s24+$0x4710]  }
0x131: {  	v45 =	vld [tilespmem:s24+$0x620]  }
0x132: {  	v46 =	vld [tilespmem:s24+$0x4720]  }
0x133: {  	v47 =	vld [tilespmem:s24+$0x630]  }
0x134: {  	v48 =	vld [tilespmem:s24+$0x4730]  }
0x135: {  	v49 =	vld [tilespmem:s24+$0x640]  }
0x136: {  	v50 =	vld [tilespmem:s24+$0x4740]  }
0x137: {  	v51 =	vld [tilespmem:s24+$0x650]  }
0x138: {  	v52 =	vld [tilespmem:s24+$0x4750]  }
0x139: {  	v53 =	vld [tilespmem:s24+$0x660]  }
0x13a: {  	v54 =	vld [tilespmem:s24+$0x4760];
	v0 =	vadd.s32 v41, v42  }
0x13b: {  	v56 =	vld [tilespmem:s24+$0x670];
	v55 =	vadd.s32 v43, v44;
	[tilespmem:s24+$0x600] =	vst v0  }
0x13c: {  	v58 =	vld [tilespmem:s24+$0x4770];
	v57 =	vadd.s32 v45, v46;
	[tilespmem:s24+$0x610] =	vst v55  }
0x13d: {  	v59 =	vadd.s32 v47, v48;
	[tilespmem:s24+$0x620] =	vst v57  }
0x13e: {  	v60 =	vadd.s32 v49, v50;
	[tilespmem:s24+$0x630] =	vst v59  }
0x13f: {  	v61 =	vadd.s32 v51, v52;
	[tilespmem:s24+$0x640] =	vst v60  }
0x140: {  	v62 =	vadd.s32 v53, v54;
	[tilespmem:s24+$0x650] =	vst v61  }
0x141: {  	v63 =	vadd.s32 v56, v58;
	[tilespmem:s24+$0x660] =	vst v62  }
0x142: {  	s30 =	sadd.s32 $0x600, s24;
	[tilespmem:s24+$0x670] =	vst v63  }
0x143: {  	[tilespmem:s20], [sflag:$0x1] =	stream.indirect.gather [hbm4b:s4+s10], $0x20, s30, s10, $0xb8;
	[tilespmem:$0x15200] =	vst v63  }
0x144: {  	_ =	swait.ge [sflag:s21], $0x1000  }
0x145: {  	[sflag:s21] =	ssyncset.done $0x0  }
0x146: {  	[sflag:s21] =	ssyncadd.s32 $0xFFFFF000  }
0x147: {  	_ =	swait.ge [sflag:s21], $0x1000  }
0x148: {  	[sflag:s21] =	ssyncset.done $0x0  }
0x149: {  	[sflag:s21] =	ssyncadd.s32 $0xFFFFF000  }
0x14a: {  	_ =	swait.ge [sflag:s21], $0x1000  }
0x14b: {  	[sflag:s21] =	ssyncset.done $0x0  }
0x14c: {  	[sflag:s21] =	ssyncadd.s32 $0xFFFFF000  }
0x14d: {  	_ =	swait.ge [sflag:s21], $0x1000  }
0x14e: {  	[sflag:s21] =	ssyncset.done $0x0  }
0x14f: {  	[sflag:s21] =	ssyncadd.s32 $0xFFFFF000  }
0x150: {  	_ =	swait.ge [sflag:s21], $0x1000  }
0x151: {  	[sflag:s21] =	ssyncset.done $0x0  }
0x152: {  	[sflag:s21] =	ssyncadd.s32 $0xFFFFF000  }
0x153: {  	_ =	swait.ge [sflag:s21], $0x1000  }
0x154: {  	[sflag:s21] =	ssyncset.done $0x0  }
0x155: {  	[sflag:s21] =	ssyncadd.s32 $0xFFFFF000  }
0x156: {  	_ =	swait.ge [sflag:s21], $0x1000  }
0x157: {  	[sflag:s21] =	ssyncset.done $0x0  }
0x158: {  	[sflag:s21] =	ssyncadd.s32 $0xFFFFF000  }
0x159: {  	_ =	swait.ge [sflag:s21], $0x1000  }
0x15a: {  	[sflag:s21] =	ssyncset.done $0x0  }
0x15b: {  	[sflag:s21] =	ssyncadd.s32 $0xFFFFF000  }
0x15c: {  	_ =	swait.ge [sflag:s21], $0x1000  }
0x15d: {  	[sflag:s21] =	ssyncset.done $0x0  }
0x15e: {  	[sflag:s21] =	ssyncadd.s32 $0xFFFFF000  }
0x15f: {  	_ =	swait.ge [sflag:s21], $0x1000  }
0x160: {  	[sflag:s21] =	ssyncset.done $0x0  }
0x161: {  	[sflag:s21] =	ssyncadd.s32 $0xFFFFF000  }
0x162: {  	_ =	swait.ge [sflag:s21], $0x1000  }
0x163: {  	[sflag:s21] =	ssyncset.done $0x0  }
0x164: {  	[sflag:s21] =	ssyncadd.s32 $0xFFFFF000  }
0x165: {  	_ =	swait.ge [sflag:s21], $0x1000  }
0x166: {  	[sflag:s21] =	ssyncset.done $0x0  }
0x167: {  	[sflag:s21] =	ssyncadd.s32 $0xFFFFF000  }
0x168: {  	p0 =	sne.s32 s23, $0x9;
	s24 =	sadd.s32 s3, s24;
	_ =	swait.ge [sflag:s21], $0x1000  }
0x169: {  	s24 =	sshll.u32 s24, $0x2;
	s31 =	rddreg [dreg:$0x3];
	[sflag:s21] =	ssyncset.done $0x0  }
.Ltmp0:
0x16a: {  	[sflag:s21] =	ssyncadd.s32 $0xFFFFF000;
	s24 =	sadd.s32 s31, s24;
	(pc) =	sbr.rel @p0 .LBB2_2-.Ltmp0, $4  }
0x16b: {  	[hbm4b:s24+s2] =	stream.linear.scatter [tilespmem:s11], [sflag:$0x2], $0xD000, $0x38;
	[tilespmem:$0x15200] =	vst v63  }
0x16c: {  	_ =	swait.ge [sflag:s8], $0xD000  }
0x16d: {  	[sflag:s8] =	ssyncset.done $0x0  }
0x16e: {  	s23 =	sadd.s32 $0x1, s23;
	[sflag:s8] =	ssyncadd.s32 $0xFFFF3000  }
0x16f: {  	s22 =	sadd.s32 $0x1, s22  }
0x170: {  	p0 =	sne.s32 s22, s7  }
.Ltmp1:
0x171: {  	_ = 	snop;
	(pc) =	sbr.rel @p0 .LBB2_1-.Ltmp1, $1  }
0x172: {  	_ =	sdelay $0x3  }
0x173: {  	_ =	sfence.sel $0x180000  }
0x174: {  	[bflag:$0x0] =	sbarrier.arrive $0xFFFF  }
0x175: {  	p0 =	sne.s32 s0, $0x0;
	_ =	strace $0x90000047  }
0x176: {  	s0 =	sadd.s32 @!p0 $0x100000, s1;
	[bflag:$0x2] =	sbarrier.arrive $0xFFFF  }
0x177: {  	[sflag:s0] =	ssyncadd.tile.s32 @!p0 $0x1;
	_ =	shalt  }
.Lfunc_end2:
_tile_overlayer_lowered:
.L_overlay_start_2:
0x178: {  	(tag) =	ssettag $0x2  }
0x179: {  	s0 =	rddreg [dreg:$0x0];
	s2 =	stileid.u32  }
0x17a: {  	s1 =	rddreg [dreg:$0x1];
	p0 =	sne.s32 s2, $0x0  }
0x17b: {  	s3 =	rddreg [dreg:$0x2];
	[bflag:$0x3] =	sbarrier.arrive $0xFFFF;
	s2 =	simm.s32 @!p0 $0x1C02  }
0x17c: {  	[timem:s3], [sflag:s2] =	dma.local @!p0 [hbm:s0], s1  }
0x17d: {  	s0 =	simm.s32 @!p0 $0x2  }
0x17e: {  	_ =	swait.ge @!p0 [sflag:s0], s1  }
0x17f: {  	s1 =	ssub.s32 @!p0 $0x0, s1;
	[sflag:s0] =	ssyncset.done @!p0 $0x0  }
0x180: {  	[sflag:s0] =	ssyncadd.s32 @!p0 s1  }
0x181: {  	[bflag:$0x3] =	sbarrier.arrive $0xFFFF  }
0x182: {  	_ =	shalt  }

// kernel: sparse-core-data-format-call.cloned.1.call-start
scs
called_computation_lowered:
.L_overlay_start_0:
0x0: {  	s2 =	sld [smem:$0x3FD9]  }
0x1: {  	s3 =	sld [smem:$0x3FFE];
	_ =	sdelay $0x1  }
0x2: {  	s1 =	srdreg.scid  }
0x3: {  	s0 =	sand.u32 $0x1, s1  }
0x4: {  	s18 =	sshll.u32 s0, $0xA;
	s2 =	sadd.s32 s3, s2  }
0x5: {  	s2 =	sadd.s32 s2, s18  }
0x6: {  	[smem:$0x3FC5] =	sst s2  }
0x7: {  	_ = 	snop  }
0x8: {  	s2 =	sld [smem:$0x3FD0];
	(tm) =	ssettm $0x1  }
0x9: {  	s19 =	sld [smem:$0x3FFB];
	_ =	sdelay $0x3  }
0xa: {  	_ =	strace s19  }
0xb: {  	s3 =	sld [smem:$0x3FFC];
	_ =	sdelay $0x3  }
0xc: {  	_ =	strace s3  }
0xd: {  	s3 =	sld [smem:$0x3FFD];
	_ =	sdelay $0x3  }
0xe: {  	_ =	strace s3  }
0xf: {  	_ =	strace $0x8FFFFFFF  }
0x10: {  	s20 =	sld [smem:$0x3FDB];
	_ =	sdelay $0x1  }
0x11: {  	s4 =	simm.s32 $_scs_section_size  }
0x12: {  	s5 =	simm.s32 $_size__tile_overlayer_lowered;
	s6 =	simm.s32 $_tile_overlayer_lowered  }
0x13: {  	s23 =	simm.s32 $0x1BFF;
	s22 =	sshll.u32 s6, $0x1;
	s3 =	sadd.s32 s4, s20  }
0x14: {  	s7 =	simm.s32 $0x0;
	s21 =	sshll.u32 s5, $0x1;
	s5 =	sadd.s32 s22, s3  }
0x15: {  	[timem:s7], [sflag:s23] =	dma.local [hbm:s5], s21  }
0x16: {  	_ =	swait.ge [sflag:s23], s21  }
0x17: {  	s4 =	ssub.s32 $0x0, s21;
	[sflag:s23] =	ssyncset.done $0x0  }
0x18: {  	[sflag:s23] =	ssyncadd.s32 s4;
	_ =	sdelay $0x1  }
0x19: {  	s24 =	simm.s32 $0x1B8B  }
0x1a: {  	_ =	swait.ge [sflag:s24], $0x1  }
0x1b: {  	[sflag:s24] =	ssyncset.done $0x0  }
0x1c: {  	s26 =	simm.s32 $0x1B8E;
	s25 =	sld [smem:$0x3FFE];
	[sflag:s24] =	ssyncadd.s32 $0xFFFFFFFF  }
0x1d: {  	s27 =	simm.s32 $execute0_lowered;
	[smem:$0x3FD2] =	sst s26  }
0x1e: {  	s5 =	sshll.u32 s27, $0x1;
	_ =	strace $0x80000049;
	[dreg:$0x1] =	wrdreg $0xFFFFFFFF  }
0x1f: {  	s28 =	simm.s32 $_size_execute0_lowered;
	s3 =	sadd.s32 s3, s5;
	[dreg:$0x0] =	wrdreg $0x0  }
0x20: {  	s5 =	sshll.u32 s28, $0x1;
	[dreg:$0x2] =	wrdreg s3  }
0x21: {  	[dreg:$0x3] =	wrdreg s5  }
0x22: {  	[dreg:$0x4] =	wrdreg $0xC0  }
0x23: {  	_ =	task [dreg:s7], $0x5FFFF  }
0x24: {  	[dreg:$0x1] =	wrdreg $0xFFFFFFFF  }
0x25: {  	[dreg:$0x0] =	wrdreg $0x60  }
0x26: {  	[dreg:$0x2] =	wrdreg s25  }
0x27: {  	[dreg:$0x3] =	wrdreg s2  }
0x28: {  	[dreg:$0x4] =	wrdreg $0x9  }
0x29: {  	_ =	task.clear_ibuf [dreg:s7], $0x5FFFF;
	_ =	strace $0x90000049  }
0x2a: {  	s29 =	simm.s32 $0x9;
	_ =	strace $0x8000004B  }
0x2b: {  	_ =	swait.ge [sflag:s29], $0x1  }
0x2c: {  	[sflag:s29] =	ssyncadd.s32 $0xFFFFFFFF  }
0x2d: {  	_ =	strace $0x9000004B  }
0x2e: {  	_ =	sfence  }
0x2f: {  	s30 =	sld [smem:$0x0];
	_ =	sdelay $0x2  }
0x30: {  	s31 =	sshll.u32 s1, $0xD;
	s1 =	sshrl.u32 s1, $0x2  }
0x31: {  	s3 =	sand.u32 $0x4000, s31;
	s1 =	sadd.s32 s1, s30  }
0x32: {  	s0 =	sor.u32 s3, s0;
	s1 =	sshll.u32 s1, $0x11  }
0x33: {  	s0 =	sor.u32 s1, s0  }
0x34: {  	s0 =	sadd.s32 $0x8F2B, s0  }
0x35: {  	[sflag:s0] =	ssyncadd.remote.s32 $0x1  }
0x36: {  	_ =	sfence.sel $0xFFFF  }
0x37: {  	[dreg:$0x0] =	wrdreg $0xFFFFFFFF;
	(pc) =	sbr.abs _section_cstart, $3  }
0x38: {  	[dreg:$0x1] =	wrdreg $0xFFFFFFFF  }
0x39: {  	_ =	task.clear_ibuf [dreg:s7], $0x2FFFF;
	_ =	strace $0x9FFFFFFF  }
0x3a: {  	(tm) =	ssettm $0x7FFFFFFF  }
0x3b: {  	_ =	shalt  }
tec
execute0_lowered:
.L_overlay_start_1:
0x0: {  	(tag) =	ssettag $0x1  }
0x1: {  	s0 =	stileid.u32  }
0x2: {  	s1 =	srdreg.scid;
	s2 =	sshll.u32 s0, $0x7  }
0x3: {  	s7 =	rddreg [dreg:$0x0];
	s3 =	sshll.u32 s1, $0x4;
	s1 =	sand.u32 $0x380, s2  }
0x4: {  	s8 =	simm.s32 $0x2;
	s30 =	sand.u32 $0x10, s3;
	s31 =	ssub.s32 $0x400, s1  }
0x5: {  	s14 =	simm.s32 $0x0;
	s2 =	sor.u32 s0, s30;
	s4 =	sand.u32 $0x380, s31  }
0x6: {  	s2 =	sshrl.u32 s2, $0x3;
	p0 =	sne.s32 s4, $0x0;
	s4 =	simm.s32 $0x1  }
0x7: {  	s3 =	sshrl.u32 s31, $0xA;
	s5 =	ssub.s32 $0x1D, s2;
	s4 =	simm.s32 @!p0 $0x0  }
0x8: {  	s9 =	simm.s32 $0x2000;
	s5 =	sshrl.u32 s5, $0x2;
	s3 =	sadd.s32 s4, s3  }
0x9: {  	s16 =	simm.s32 $0x0;
	s15 =	simm.s32 $0x0;
	s6 =	smul.u32 s5, s3  }
.Ltmp0:
0xa: {  	s11 =	simm.s32 $0x0;
	s4 =	rddreg [dreg:$0x1];
	(pc) =	sbr.rel .LBB1_1-.Ltmp0, $4  }
0xb: {  	s13 =	simm.s32 $0x0;
	s7 =	sadd.s32 $0xC00, s7;
	s3 =	rddreg [dreg:$0x2]  }
0xc: {  	_ =	strace $0x8000004A;
	s5 =	simm.s32 $0x1;
	s6 =	smul.u32 $0x14, s6  }
0xd: {  	s12 =	smov.u32 s1;
	s10 =	smov.u32 s2;
	[sflag:s5] =	ssyncpa.u1 $0x0  }
0xe: {  	p0 =	por $0x0, $0x0;
	[sflag:s8] =	ssyncpa.u1 $0x0;
	s8 =	sor.u32 $0x1, s6  }
.LBB1_4:
0xf: {  	s19 =	sand.u32 $0xF80, s15;
	s16 =	smul.u32 $0x1A000, s16  }
0x10: {  	s20 =	sshrl.u32 s15, $0x3;
	s19 =	sadd.s32 s4, s19  }
0x11: {  	s31 =	sand.u32 $0x7, s15;
	s20 =	sand.u32 $0xF, s20;
	s16 =	sadd.s32 s16, s19  }
0x12: {  	s14 =	sshll.u32 s14, $0xC;
	s15 =	sshll.u32 s31, $0x12;
	s16 =	sadd.s32 s20, s16  }
0x13: {  	[tilespmem:s18+$0x0 ss:$0x81] =	vst.msk $0xffff, v0;
	s15 =	sor.u32 $0x400, s15;
	s14 =	sadd.s32 s14, s16  }
0x14: {  	[hbm4b:s14+s15] =	stream.strided.scatter [tilespmem:s17], [sflag:$0x2], $0x1000, s9, s15, $0x20;
	[tilespmem:$0x4040] =	vst v63  }
.LBB1_5:
0x15: {  	s17 =	sadd.s32 $0x4, s10  }
0x16: {  	s14 =	simm.s32 $0x1;
	p2 =	sgt.s32 s17, $0x19  }
0x17: {  	s14 =	simm.s32 @!p2 $0x0  }
0x18: {  	s18 =	sadd.s32 s14, s11  }
0x19: {  	s20 =	smov.u32 s12;
	s14 =	sadd.s32 $0x400, s12;
	p3 =	sgt.s32 s18, $0x13  }
0x1a: {  	s20 =	smov.u32 @p3 s14  }
0x1b: {  	p1 =	slt.u32 s13, $0x2;
	s17 =	smov.u32 @p2 s2;
	p2 =	sgt.s32 s20, $0x3FF  }
0x1c: {  	s19 =	simm.s32 @!p1 $0x2;
	s20 =	smov.u32 @p2 s1;
	p2 =	sne.s32 s13, s8  }
.Ltmp1:
0x1d: {  	_ =	swait.ge @!p1 [sflag:s19], $0x1000;
	(pc) =	sbr.rel @!p2 .LBB1_6-.Ltmp1, $4  }
0x1e: {  	s16 =	smov.u32 s11;
	[sflag:s19] =	ssyncset.done @!p1 $0x0  }
0x1f: {  	s15 =	smov.u32 s12;
	p0 =	por !p0, !p0;
	[sflag:s19] =	ssyncadd.s32 @!p1 $0xFFFFF000  }
0x20: {  	s18 =	simm.s32 @p3 $0x0;
	s14 =	smov.u32 s10;
	s10 =	smov.u32 s17  }
0x21: {  	s11 =	smov.u32 s18;
	s13 =	sadd.s32 $0x1, s13;
	s12 =	smov.u32 s20  }
.LBB1_1:
0x22: {  	p1 =	sge.u32 s13, s6  }
0x23: {  	s18 =	smul.u32 @!p1 $0x2800, s12  }
0x24: {  	s31 =	sadd.s32 $0xFFFFFFFF, s13;
	s17 =	sxor.u32 @!p1 $0xFFFFFFFF, s13;
	s19 =	sshll.u32 @!p1 s11, $0x9  }
0x25: {  	s20 =	sshll.u32 @!p1 s10, $0x4;
	s17 =	sshll.u32 @!p1 s17, $0xC;
	s18 =	sadd.s32 @!p1 s7, s18  }
0x26: {  	s20 =	sand.u32 @!p1 $0x1F0, s20;
	s17 =	sand.u32 @!p1 $0x1000, s17;
	s18 =	sadd.s32 @!p1 s19, s18  }
0x27: {  	s19 =	simm.s32 @!p1 $0x20;
	s18 =	sadd.s32 @!p1 s20, s18;
	s20 =	simm.s32 @!p1 $0x14000  }
0x28: {  	[tilespmem:s17], [sflag:$0x1] =	stream.strided.gather @!p1 [hbm4b:s18+s19], $0x1000, s20, s19, $0x38;
	[tilespmem:$0x4040] =	vst v63  }
0x29: {  	p1 =	sge.u32 s31, s6  }
.Ltmp2:
0x2a: {  	_ = 	snop;
	(pc) =	sbr.rel @p1 .LBB1_5-.Ltmp2, $1  }
0x2b: {  	_ =	sdelay $0x3  }
0x2c: {  	s17 =	simm.s32 $0x1  }
0x2d: {  	_ =	swait.ge [sflag:s5], $0x1000;
	s17 =	simm.s32 @!p0 $0x0  }
0x2e: {  	[sflag:s5] =	ssyncset.done $0x0;
	s18 =	sshll.u32 s17, $0xC  }
0x2f: {  	[sflag:s5] =	ssyncadd.s32 $0xFFFFF000;
	s21 =	sor.u32 $0x10, s18  }
0x30: {  	s17 =	smul.u32 $0x4080, s17;
	v1 =	vld [tilespmem:s21+$0x0]  }
0x31: {  	s30 =	sand.u32 $0x1, s13;
	v0 =	vld [tilespmem:s21+$0xFFFFFFF0]  }
0x32: {  	s18 =	smul.u32 $0x4080, s30;
	s17 =	sshrl.u32 s17, $0x2  }
0x33: {  	s19 =	sor.u32 $0x2000, s17  }
0x34: {  	s31 =	sshrl.u32 s18, $0x2;
	s18 =	sadd.s32 $0x0, s19  }
0x35: {  	s20 =	simm.s32 $0x4;
	s21 =	sadd.s32 $0x20, s21;
	s17 =	sor.u32 $0x2000, s31;
	[tilespmem:s18+$0x810 ss:$0x81] =	vst.msk $0xffff, v1  }
.LBB1_3:
0x36: {  	v1 =	vld [tilespmem:s21+$0x0];
	p1 =	sne.s32 s20, $0x1FC;
	[tilespmem:s18+$0x0 ss:$0x81] =	vst.msk $0xffff, v0;
	s18 =	smov.u32 s20;
	s20 =	sadd.s32 $0x4, s20  }
.Ltmp3:
0x37: {  	v0 =	vld [tilespmem:s21+$0xFFFFFFF0];
	(pc) =	sbr.rel @p1 .LBB1_3-.Ltmp3, $4  }
0x38: {  	_ = 	snop  }
0x39: {  	s18 =	sshra.s32 s18, $0x2  }
0x3a: {  	s18 =	sadd.s32 s18, s19  }
0x3b: {  	s21 =	sadd.s32 $0x20, s21;
	[tilespmem:s18+$0x810 ss:$0x81] =	vst.msk $0xffff, v1  }
.Ltmp4:
0x3c: {  	_ = 	snop;
	(pc) =	sbr.rel .LBB1_4-.Ltmp4, $1  }
0x3d: {  	_ =	sdelay $0x3  }
.LBB1_6:
0x3e: {  	_ =	sfence.sel $0x180000  }
0x3f: {  	s1 =	simm.s32 $0x1;
	[bflag:$0x0] =	sbarrier.arrive $0xFFFF  }
0x40: {  	s31 =	simm.s32 $0x2;
	[sflag:s1] =	ssyncpa.u1 $0x1  }
0x41: {  	[sflag:s31] =	ssyncpa.u1 $0x1  }
0x42: {  	p0 =	sne.s32 s0, $0x0;
	_ =	strace $0x9000004A  }
0x43: {  	s0 =	sadd.s32 @!p0 $0x100000, s3;
	[bflag:$0x2] =	sbarrier.arrive $0xFFFF  }
0x44: {  	[sflag:s0] =	ssyncadd.tile.s32 @!p0 $0x1;
	_ =	shalt  }
.Lfunc_end1:
_tile_overlayer_lowered:
.L_overlay_start_2:
0x45: {  	(tag) =	ssettag $0x2  }
0x46: {  	s0 =	rddreg [dreg:$0x0];
	s2 =	stileid.u32  }
0x47: {  	s1 =	rddreg [dreg:$0x1];
	p0 =	sne.s32 s2, $0x0  }
0x48: {  	s3 =	rddreg [dreg:$0x2];
	[bflag:$0x3] =	sbarrier.arrive $0xFFFF;
	s2 =	simm.s32 @!p0 $0x1C01  }
0x49: {  	[timem:s3], [sflag:s2] =	dma.local @!p0 [hbm:s0], s1  }
0x4a: {  	s0 =	simm.s32 @!p0 $0x1  }
0x4b: {  	_ =	swait.ge @!p0 [sflag:s0], s1  }
0x4c: {  	s1 =	ssub.s32 @!p0 $0x0, s1;
	[sflag:s0] =	ssyncset.done @!p0 $0x0  }
0x4d: {  	[sflag:s0] =	ssyncadd.s32 @!p0 s1  }
0x4e: {  	[bflag:$0x3] =	sbarrier.arrive $0xFFFF  }
0x4f: {  	_ =	shalt  }

</sc_bundles>
